<compile_context>
chip_gen: v7x
topology: tpu7x:2x2x1
jax: 0.10.2.dev20260603
libtpu: 0.0.44.dev20260713+nightly
codegen_flags: <defaults>
</compile_context>

<pallas_src>
import functools

import jax
import jax.numpy as jnp
from jax import lax
from jax.experimental import pallas as pl
from jax.experimental.pallas import tpu as pltpu
from jax.experimental.pallas import tpu_sc as plsc

N = 10000
D = 128
G = 256
NP = 10240
E = 320000
CPT = 80
CHE = 128
EPAD = 32 * CPT * CHE
ECROWS = EPAD // CHE
BR = 512
GRID = NP // BR
G1 = G + 1

@functools.lru_cache(maxsize=1)
def _sc_mesh():
    return plsc.VectorSubcoreMesh(core_axis_name="c", subcore_axis_name="s")


def _wid():
    return lax.axis_index("c") * 16 + lax.axis_index("s")


def _sc_deg_body(dst_hbm, out_hbm, idxv, onesv, ssems, deg2):
    c = lax.axis_index("c")
    s = lax.axis_index("s")
    wid = c * 16 + s

    def orow(t, _):
        onesv[t // 8, pl.ds((t % 8) * 16, 16)] = jnp.ones((16,), jnp.float32)
        return 0

    def zrow(t, _):
        onesv[t // 8, pl.ds((t % 8) * 16, 16)] = jnp.zeros((16,), jnp.float32)
        return 0

    lax.fori_loop(0, CHE * 8, zrow, 0)

    def zc(m, _):
        pltpu.sync_copy(onesv, deg2.at[pl.ds(s * 640 + m * CHE, CHE)])
        return 0

    lax.fori_loop(0, 5, zc, 0)

    lax.fori_loop(0, CHE * 8, orow, 0)
    plsc.subcore_barrier()

    def _dst(ch):
        return dst_hbm.at[pl.ds((wid * CPT + ch) * CHE, CHE)]

    for b in range(2):
        pltpu.sync_copy(_dst(b), idxv[b])
        pltpu.async_copy(onesv, deg2.at[idxv[b]], ssems[b], add=True)

    @pl.loop(1, CPT // 2)
    def grp(j):
        for b in range(2):
            ch = 2 * j + b
            pltpu.make_async_copy(onesv, deg2.at[idxv[b]], ssems[b]).wait()
            pltpu.sync_copy(_dst(ch), idxv[b])
            pltpu.async_copy(onesv, deg2.at[idxv[b]], ssems[b], add=True)

    for b in range(2):
        pltpu.make_async_copy(onesv, deg2.at[idxv[b]], ssems[b]).wait()
    plsc.subcore_barrier()
    pltpu.sync_copy(deg2.at[pl.ds(s * 640, 640)], out_hbm.at[c, pl.ds(s * 640, 640)])


@functools.lru_cache(maxsize=1)
def _sc_deg_k():
  return pl.kernel(
    _sc_deg_body,
    out_type=jax.ShapeDtypeStruct((2, NP, D), jnp.float32),
    mesh=_sc_mesh(),
    compiler_params=pltpu.CompilerParams(needs_layout_passes=False),
    scratch_types=[
        [pltpu.VMEM((CHE,), jnp.int32) for _ in range(2)],
        pltpu.VMEM((CHE, D), jnp.float32),
        [pltpu.SemaphoreType.DMA for _ in range(2)],
        pltpu.VMEM_SHARED((NP, D), jnp.float32),
    ],
  )


def _sc_agg_body(y_hbm, src_hbm, dst_hbm, out_hbm, rows, sbuf, dbuf, gsems, ssems, isems, agg):
    c = lax.axis_index("c")
    s = lax.axis_index("s")
    wid = c * 16 + s

    def z(t, _):
        rows[0][t // 8, pl.ds((t % 8) * 16, 16)] = jnp.zeros((16,), jnp.float32)
        return 0

    lax.fori_loop(0, CHE * 8, z, 0)

    def zc(m, _):
        pltpu.sync_copy(rows[0], agg.at[pl.ds(s * 640 + m * CHE, CHE)])
        return 0

    lax.fori_loop(0, 5, zc, 0)
    plsc.subcore_barrier()

    def _src(ch):
        return src_hbm.at[pl.ds((wid * CPT + ch) * CHE, CHE)]

    def _dst(ch):
        return dst_hbm.at[pl.ds((wid * CPT + ch) * CHE, CHE)]

    for b in range(2):
        pltpu.sync_copy(_src(b), sbuf[b])
        pltpu.sync_copy(_dst(b), dbuf[b])
        pltpu.async_copy(y_hbm.at[sbuf[b]], rows[b], gsems[b])

    @pl.loop(0, CPT // 2 - 1)
    def grp(j):
        for b in range(2):
            ch = 2 * j + b
            pltpu.make_async_copy(y_hbm.at[sbuf[b]], rows[b], gsems[b]).wait()
            pltpu.async_copy(rows[b], agg.at[dbuf[b]], ssems[b], add=True)
            pltpu.async_copy(_src(ch + 2), sbuf[b], isems[b])
            pltpu.make_async_copy(rows[b], agg.at[dbuf[b]], ssems[b]).wait()
            pltpu.async_copy(_dst(ch + 2), dbuf[b], isems[b])
            pltpu.make_async_copy(_src(ch + 2), sbuf[b], isems[b]).wait()
            pltpu.make_async_copy(_dst(ch + 2), dbuf[b], isems[b]).wait()
            pltpu.async_copy(y_hbm.at[sbuf[b]], rows[b], gsems[b])

    for b in range(2):
        pltpu.make_async_copy(y_hbm.at[sbuf[b]], rows[b], gsems[b]).wait()
        pltpu.sync_copy(rows[b], agg.at[dbuf[b]], add=True)
    plsc.subcore_barrier()
    pltpu.sync_copy(agg.at[pl.ds(s * 640, 640)], out_hbm.at[c, pl.ds(s * 640, 640)])


@functools.lru_cache(maxsize=1)
def _sc_agg_k():
  return pl.kernel(
    _sc_agg_body,
    out_type=jax.ShapeDtypeStruct((2, NP, D), jnp.float32),
    mesh=_sc_mesh(),
    compiler_params=pltpu.CompilerParams(needs_layout_passes=False),
    scratch_types=[
        [pltpu.VMEM((CHE, D), jnp.float32) for _ in range(2)],
        [pltpu.VMEM((CHE,), jnp.int32) for _ in range(2)],
        [pltpu.VMEM((CHE,), jnp.int32) for _ in range(2)],
        [pltpu.SemaphoreType.DMA for _ in range(2)],
        [pltpu.SemaphoreType.DMA for _ in range(2)],
        [pltpu.SemaphoreType.DMA for _ in range(2)],
        pltpu.VMEM_SHARED((NP, D), jnp.float32),
    ],
  )


def _sc_pool_body(h_hbm, bi_hbm, maxp, sump, cntp, biv, rowsv, macc, sacc, cacc):
    c = lax.axis_index("c")
    s = lax.axis_index("s")
    wid = c * 16 + s
    r0 = wid * 320

    def im(t, _):
        macc[t // 8, pl.ds((t % 8) * 16, 16)] = jnp.full((16,), -jnp.inf, jnp.float32)
        sacc[t // 8, pl.ds((t % 8) * 16, 16)] = jnp.zeros((16,), jnp.float32)
        return 0

    lax.fori_loop(0, G1 * 8, im, 0)

    def ic(t, _):
        cacc[t // 8, pl.ds((t % 8) * 16, 16)] = jnp.zeros((16,), jnp.float32)
        return 0

    lax.fori_loop(0, G1 * 8, ic, 0)
    pltpu.sync_copy(bi_hbm.at[pl.ds(r0, 320)], biv)
    iota16 = lax.iota(jnp.int32, 16)
    ones16 = jnp.ones((16,), jnp.float32)

    def chunk(cj, _):
        pltpu.sync_copy(h_hbm.at[pl.ds(r0 + cj * 64, 64)], rowsv)

        def row(r, _):
            b16 = plsc.load_gather(biv, [lax.broadcast(cj * 64 + r, (16,))])
            for k in range(8):
                v = rowsv[r, pl.ds(k * 16, 16)]
                col = k * 16 + iota16
                plsc.addupdate_scatter(sacc, [b16, col], v)
                cur = plsc.load_gather(macc, [b16, col])
                plsc.store_scatter(macc, [b16, col], jnp.maximum(cur, v))
            plsc.addupdate_scatter(cacc, [b16, iota16], ones16)
            return 0

        lax.fori_loop(0, 64, row, 0)
        return 0

    lax.fori_loop(0, 5, chunk, 0)
    pltpu.sync_copy(macc, maxp.at[wid])
    pltpu.sync_copy(sacc, sump.at[wid])
    pltpu.sync_copy(cacc, cntp.at[wid])


@functools.lru_cache(maxsize=1)
def _sc_pool_k():
  return pl.kernel(
    _sc_pool_body,
    out_type=(
        jax.ShapeDtypeStruct((32, G1, D), jnp.float32),
        jax.ShapeDtypeStruct((32, G1, D), jnp.float32),
        jax.ShapeDtypeStruct((32, G1, D), jnp.float32),
    ),
    mesh=_sc_mesh(),
    compiler_params=pltpu.CompilerParams(needs_layout_passes=False),
    scratch_types=[
        pltpu.VMEM((320,), jnp.int32),
        pltpu.VMEM((64, D), jnp.float32),
        pltpu.VMEM((G1, D), jnp.float32),
        pltpu.VMEM((G1, D), jnp.float32),
        pltpu.VMEM((G1, D), jnp.float32),
    ],
  )


def _tc1_body(x_ref, w_ref, deg_ref, dis_ref, y0_ref):
    i = pl.program_id(0)
    xw = jnp.dot(x_ref[...], w_ref[...], preferred_element_type=jnp.float32)
    dis2d = lax.rsqrt(deg_ref[0] + deg_ref[1] + 1.0)
    rows = i * BR + lax.broadcasted_iota(jnp.int32, (BR, D), 0)
    dis_ref[...] = dis2d
    y0_ref[...] = jnp.where(rows < N, xw * dis2d, 0.0)


def _tc1(x, w0, deg_parts):
    return pl.pallas_call(
        _tc1_body,
        grid=(GRID,),
        in_specs=[
            pl.BlockSpec((BR, D), lambda i: (i, 0)),
            pl.BlockSpec((D, D), lambda i: (0, 0)),
            pl.BlockSpec((2, BR, D), lambda i: (0, i, 0)),
        ],
        out_specs=[
            pl.BlockSpec((BR, D), lambda i: (i, 0)),
            pl.BlockSpec((BR, D), lambda i: (i, 0)),
        ],
        out_shape=[
            jax.ShapeDtypeStruct((NP, D), jnp.float32),
            jax.ShapeDtypeStruct((NP, D), jnp.float32),
        ],
    )(x, w0, deg_parts)


def _tcl_body(matmul, p_ref, y_ref, dis_ref, b_ref, w_ref, o_ref):
    i = pl.program_id(0)
    agg = p_ref[0] + p_ref[1] + y_ref[...]
    h = dis_ref[...] * agg + b_ref[...]
    h = jnp.where(h >= 0, h, 0.01 * h)
    rows = i * BR + lax.broadcasted_iota(jnp.int32, (BR, D), 0)
    h = jnp.where(rows < N, h, 0.0)
    if matmul:
        o_ref[...] = jnp.dot(h, w_ref[...], preferred_element_type=jnp.float32) * dis_ref[...]
    else:
        o_ref[...] = h


def _tc_layer(p, y, dis2d, b2d, wnext, matmul):
    return pl.pallas_call(
        functools.partial(_tcl_body, matmul),
        grid=(GRID,),
        in_specs=[
            pl.BlockSpec((2, BR, D), lambda i: (0, i, 0)),
            pl.BlockSpec((BR, D), lambda i: (i, 0)),
            pl.BlockSpec((BR, D), lambda i: (i, 0)),
            pl.BlockSpec((1, D), lambda i: (0, 0)),
            pl.BlockSpec((D, D), lambda i: (0, 0)),
        ],
        out_specs=pl.BlockSpec((BR, D), lambda i: (i, 0)),
        out_shape=jax.ShapeDtypeStruct((NP, D), jnp.float32),
    )(p, y, dis2d, b2d, wnext)


def _tc5_body(maxp_ref, sump_ref, cntp_ref, wr1_ref, br1_ref, wr2t_ref, br2_ref, o_ref):
    gmax = jnp.max(maxp_ref[...], axis=0)[:G]
    gsum = jnp.sum(sump_ref[...], axis=0)[:G]
    cnt = jnp.sum(jnp.sum(cntp_ref[...], axis=0), axis=1, keepdims=True)[:G] / 16.0
    gmean = gsum / jnp.maximum(cnt, 1.0)
    hg = jnp.concatenate([gmax, gmean], axis=1)
    t = jnp.dot(hg, wr1_ref[...], preferred_element_type=jnp.float32) + br1_ref[...]
    t = jnp.where(t >= 0, t, 0.01 * t)
    o = jnp.sum(t * wr2t_ref[...], axis=1, keepdims=True) + br2_ref[...]
    o_ref[...] = 100.0 / (1.0 + jnp.exp(-o))


def _tc_readout(maxp, sump, cntp, wr1, br1, wr2, br2):
    return pl.pallas_call(
        _tc5_body,
        out_shape=jax.ShapeDtypeStruct((G, 1), jnp.float32),
    )(maxp, sump, cntp, wr1, br1.reshape(1, D), wr2.reshape(1, D), br2.reshape(1, 1))


def kernel(x, edge_index, batch_index, W0, b0, W1, b1, W2, b2, Wr1, br1, Wr2, br2):
    src = edge_index[0]
    dst = edge_index[1]
    padi = jnp.arange(EPAD - E, dtype=jnp.int32)
    src1 = jnp.concatenate([src, padi % N])
    dst1 = jnp.concatenate([dst, N + (padi % (NP - N))])
    bip = jnp.concatenate([batch_index, jnp.full((NP - N,), G, jnp.int32)])

    deg_parts = _sc_deg_k()(dst1)
    dis2d, y0 = _tc1(x, W0, deg_parts)
    p = _sc_agg_k()(y0, src1, dst1)
    y1 = _tc_layer(p, y0, dis2d, b0.reshape(1, D), W1, True)
    p = _sc_agg_k()(y1, src1, dst1)
    y2 = _tc_layer(p, y1, dis2d, b1.reshape(1, D), W2, True)
    p = _sc_agg_k()(y2, src1, dst1)
    h3 = _tc_layer(p, y2, dis2d, b2.reshape(1, D), W2, False)
    maxp, sump, cntp = _sc_pool_k()(h3, bip)
    return _tc_readout(maxp, sump, cntp, Wr1, br1, Wr2.reshape(D), br2)

# --- scband reference (transcript-rebuilt; emitter-appended) ---
"""Pipeline reference for scband-gcn-loop-42657615184331 (READ-ONLY COPY).

The authoritative reference and input builder live on the scoring server;
editing this copy changes nothing except your own understanding.
"""

import jax, jax.numpy as jnp
import numpy as np

N = 10000
E_EDGES = 320000
D = 128
G = 256


def _lin(k, fi, fo):
    return (jax.random.normal(k, (fi, fo), dtype=jnp.float32) / np.sqrt(fi)).astype(jnp.float32)


def setup_inputs(seed: int = 0):
    key = jax.random.key(seed)
    ks = jax.random.split(key, 12)
    x = jax.random.normal(ks[0], (N, D), dtype=jnp.float32)
    edge_index = jax.random.randint(ks[1], (2, E_EDGES), 0, N, dtype=jnp.int32)
    batch_index = jnp.sort(jax.random.randint(ks[2], (N,), 0, G, dtype=jnp.int32))
    W0 = _lin(ks[3], D, D)
    b0 = jnp.zeros((D,), jnp.float32)
    W1 = _lin(ks[4], D, D)
    b1 = jnp.zeros((D,), jnp.float32)
    W2 = _lin(ks[5], D, D)
    b2 = jnp.zeros((D,), jnp.float32)
    Wr1 = _lin(ks[6], 2 * D, D)
    br1 = jnp.zeros((D,), jnp.float32)
    Wr2 = _lin(ks[7], D, 1)
    br2 = jnp.zeros((1,), jnp.float32)
    return {"x": x, "edge_index": edge_index, "batch_index": batch_index,
            "W0": W0, "b0": b0, "W1": W1, "b1": b1, "W2": W2, "b2": b2,
            "Wr1": Wr1, "br1": br1, "Wr2": Wr2, "br2": br2}


def _gcn_conv(x, src, dst, W, b):
    # GCNConv (improved=False): add self-loops, symmetric normalization, lin, aggregate-sum, bias
    n = x.shape[0]
    loop = jnp.arange(n, dtype=src.dtype)
    s = jnp.concatenate([src, loop])
    d = jnp.concatenate([dst, loop])
    deg = jnp.zeros((n,), x.dtype).at[d].add(1.0)
    dis = jnp.where(deg > 0, jax.lax.rsqrt(jnp.maximum(deg, 1e-12)), 0.0)
    norm = dis[s] * dis[d]
    xw = x @ W
    msg = xw[s] * norm[:, None]
    out = jnp.zeros_like(xw).at[d].add(msg)
    return out + b


def reference(x, edge_index, batch_index, W0, b0, W1, b1, W2, b2, Wr1, br1, Wr2, br2):
    src = edge_index[0]
    dst = edge_index[1]
    h = jax.nn.leaky_relu(_gcn_conv(x, src, dst, W0, b0), 0.01)
    h = jax.nn.leaky_relu(_gcn_conv(h, src, dst, W1, b1), 0.01)
    h = jax.nn.leaky_relu(_gcn_conv(h, src, dst, W2, b2), 0.01)
    gmax = jax.ops.segment_max(h, batch_index, num_segments=G)
    gsum = jax.ops.segment_sum(h, batch_index, num_segments=G)
    cnt = jax.ops.segment_sum(jnp.ones((h.shape[0],), h.dtype), batch_index, num_segments=G)
    gmean = gsum / jnp.maximum(cnt, 1.0)[:, None]
    hg = jnp.concatenate([gmax, gmean], axis=1)
    hg = jax.nn.leaky_relu(hg @ Wr1 + br1, 0.01)
    out = jax.nn.sigmoid(hg @ Wr2 + br2) * 100.0
    return out

if __name__ == "__main__":
    import jax
    _d = setup_inputs()
    print(jax.jit(kernel)(*tuple(_d.values())))

</pallas_src>

<mosaic_0001>
#map = affine_map<(d0, d1) -> (0, 0)>
#map1 = affine_map<(d0, d1) -> (0)>
#map2 = affine_map<(d0, d1) -> (0, 0, 0)>
module attributes {stable_mosaic.version = 14 : i64} {
  func.func @_sc_agg_body(%arg0: i32, %arg1: i32, %arg2: memref<10240x128xf32, #tpu.memory_space<hbm>>, %arg3: memref<327680xi32, #tpu.memory_space<hbm>>, %arg4: memref<327680xi32, #tpu.memory_space<hbm>>, %arg5: memref<2x10240x128xf32, #tpu.memory_space<hbm>>, %arg6: memref<128x128xf32, #tpu.memory_space<vmem>>, %arg7: memref<128x128xf32, #tpu.memory_space<vmem>>, %arg8: memref<128xi32, #tpu.memory_space<vmem>>, %arg9: memref<128xi32, #tpu.memory_space<vmem>>, %arg10: memref<128xi32, #tpu.memory_space<vmem>>, %arg11: memref<128xi32, #tpu.memory_space<vmem>>, %arg12: memref<!tpu.dma_semaphore, #tpu.memory_space<semaphore_mem>>, %arg13: memref<!tpu.dma_semaphore, #tpu.memory_space<semaphore_mem>>, %arg14: memref<!tpu.dma_semaphore, #tpu.memory_space<semaphore_mem>>, %arg15: memref<!tpu.dma_semaphore, #tpu.memory_space<semaphore_mem>>, %arg16: memref<!tpu.dma_semaphore, #tpu.memory_space<semaphore_mem>>, %arg17: memref<!tpu.dma_semaphore, #tpu.memory_space<semaphore_mem>>, %arg18: memref<10240x128xf32, #tpu.memory_space<vmem_shared>>) attributes {dimension_semantics = [#tpu.dimension_semantics<core_parallel>, #tpu.dimension_semantics<subcore_parallel>], iteration_bounds = array<i64: 2, 16>, scalar_prefetch = 0 : i64, scratch_operands = 13 : i64, tpu.core_type = #tpu.core_type<sc_vector_subcore>, window_params = [{transform_indices = #map}, {transform_indices = #map1}, {transform_indices = #map1}, {transform_indices = #map2}]} {
    %mul3A = arith.constant 16 : i32
    %mul3A_0 = arith.muli %arg0, %mul3A : i32
    %add3A = arith.addi %mul3A_0, %arg1 : i32
    %scan3A = arith.constant 0 : i32
    %scan3A_1 = arith.constant 0 : i32
    %scan3A_2 = arith.constant 1024 : i32
    %scan3A_3 = arith.addi %scan3A_1, %scan3A_2 : i32
    %scan3A_4 = arith.constant 1 : i32
    %scan3A_5 = scf.for %scan3A_58 = %scan3A_1 to %scan3A_3 step %scan3A_4 iter_args(%scan3A_59 = %scan3A) -> (i32)  : i32 {
      %broadcast_in_dim3A = arith.constant 0.000000e+00 : f32
      %broadcast_in_dim3A_60 = vector.broadcast %broadcast_in_dim3A : f32 to vector<16xf32>
      %jit3A = arith.constant 8 : i32
      %div3A = arith.divsi %scan3A_58, %jit3A : i32
      %sign3A = arith.constant 0 : i32
      %sign3A_61 = arith.cmpi sgt, %scan3A_58, %sign3A : i32
      %sign3A_62 = arith.extui %sign3A_61 : i1 to i32
      %sign3A_63 = arith.constant 0 : i32
      %sign3A_64 = arith.cmpi slt, %scan3A_58, %sign3A_63 : i32
      %sign3A_65 = arith.extui %sign3A_64 : i1 to i32
      %sign3A_66 = arith.subi %sign3A_62, %sign3A_65 : i32
      %sign3A_67 = arith.constant 0 : i32
      %sign3A_68 = arith.cmpi sgt, %jit3A, %sign3A_67 : i32
      %sign3A_69 = arith.extui %sign3A_68 : i1 to i32
      %sign3A_70 = arith.constant 0 : i32
      %sign3A_71 = arith.cmpi slt, %jit3A, %sign3A_70 : i32
      %sign3A_72 = arith.extui %sign3A_71 : i1 to i32
      %sign3A_73 = arith.subi %sign3A_69, %sign3A_72 : i32
      %ne3A = arith.cmpi ne, %sign3A_66, %sign3A_73 : i32
      %rem3A = arith.remsi %scan3A_58, %jit3A : i32
      %ne3A_74 = arith.constant 0 : i32
      %ne3A_75 = arith.cmpi ne, %rem3A, %ne3A_74 : i32
      %and3A = arith.andi %ne3A, %ne3A_75 : i1
      %sub3A = arith.constant 1 : i32
      %sub3A_76 = arith.subi %div3A, %sub3A : i32
      %select_n3A = arith.select %and3A, %sub3A_76, %div3A : i32
      %jit3A_77 = arith.constant 8 : i32
      %eq3A = arith.constant 0 : i32
      %eq3A_78 = arith.cmpi eq, %jit3A_77, %eq3A : i32
      %jit3A_79 = arith.constant 1 : i32
      %select_n3A_80 = arith.select %eq3A_78, %jit3A_79, %jit3A_77 : i32
      %rem3A_81 = arith.remsi %scan3A_58, %select_n3A_80 : i32
      %ne3A_82 = arith.constant 0 : i32
      %ne3A_83 = arith.cmpi ne, %rem3A_81, %ne3A_82 : i32
      %lt3A = arith.constant 0 : i32
      %lt3A_84 = arith.cmpi slt, %rem3A_81, %lt3A : i32
      %lt3A_85 = arith.constant 0 : i32
      %lt3A_86 = arith.cmpi slt, %select_n3A_80, %lt3A_85 : i32
      %ne3A_87 = arith.xori %lt3A_84, %lt3A_86 : i1
      %and3A_88 = arith.andi %ne3A_87, %ne3A_83 : i1
      %add3A_89 = arith.addi %rem3A_81, %select_n3A_80 : i32
      %select_n3A_90 = arith.select %and3A_88, %add3A_89, %rem3A_81 : i32
      %mul3A_91 = arith.constant 16 : i32
      %mul3A_92 = arith.muli %select_n3A_90, %mul3A_91 : i32
      %swap3A = arith.index_cast %select_n3A : i32 to index
      %swap3A_93 = arith.index_cast %mul3A_92 : i32 to index
      %swap3A_94 = tpu.vector_load %arg6[%swap3A, %swap3A_93] {strides = array<i32>} : memref<128x128xf32, #tpu.memory_space<vmem>>, vector<16xf32>,
      tpu.vector_store %arg6[%swap3A, %swap3A_93], %broadcast_in_dim3A_60 {strides = array<i32>} : memref<128x128xf32, #tpu.memory_space<vmem>>, vector<16xf32>,
      %scan3A_95 = arith.constant 0 : i32
      scf.yield %scan3A_95 : i32
    }
    %scan3A_6 = arith.constant 1024 : i32
    %scan3A_7 = arith.constant 0 : i32
    %scan3A_8 = arith.constant 0 : i32
    %scan3A_9 = arith.constant 5 : i32
    %scan3A_10 = arith.addi %scan3A_8, %scan3A_9 : i32
    %scan3A_11 = arith.constant 1 : i32
    %scan3A_12 = scf.for %scan3A_58 = %scan3A_8 to %scan3A_10 step %scan3A_11 iter_args(%scan3A_59 = %scan3A_7) -> (i32)  : i32 {
      %mul3A_60 = arith.constant 640 : i32
      %mul3A_61 = arith.muli %arg1, %mul3A_60 : i32
      %mul3A_62 = arith.constant 128 : i32
      %mul3A_63 = arith.muli %scan3A_58, %mul3A_62 : i32
      %add3A_64 = arith.addi %mul3A_61, %mul3A_63 : i32
      "tpu.region"() ({
        %run_scoped3A = tpu.sem_alloc : memref<!tpu.dma_semaphore, #tpu.memory_space<semaphore_mem>>
        %dma_start3A_66 = arith.constant 0 : i32
        %dma_start3A_67 = tpu.memref_slice %arg18[%add3A_64, %dma_start3A_66] : memref<10240x128xf32, #tpu.memory_space<vmem_shared>> -> memref<128x128xf32, #tpu.memory_space<vmem_shared>>
        %dma_start3A_68 = arith.constant 0 : i32
        %dma_start3A_69 = tpu.memref_slice %arg18[%add3A_64, %dma_start3A_68] : memref<10240x128xf32, #tpu.memory_space<vmem_shared>> -> memref<128x128xf32, #tpu.memory_space<vmem_shared>>
        tpu.enqueue_dma source(%arg6 : memref<128x128xf32, #tpu.memory_space<vmem>>) target(%dma_start3A_69 : memref<128x128xf32, #tpu.memory_space<vmem_shared>>) target_semaphore(%run_scoped3A : memref<!tpu.dma_semaphore, #tpu.memory_space<semaphore_mem>>)
        %dma_wait3A_70 = arith.constant 0 : i32
        %dma_wait3A_71 = tpu.memref_slice %arg18[%add3A_64, %dma_wait3A_70] : memref<10240x128xf32, #tpu.memory_space<vmem_shared>> -> memref<128x128xf32, #tpu.memory_space<vmem_shared>>
        %dma_wait3A_72 = arith.constant 0 : i32
        %dma_wait3A_73 = tpu.memref_slice %arg18[%add3A_64, %dma_wait3A_72] : memref<10240x128xf32, #tpu.memory_space<vmem_shared>> -> memref<128x128xf32, #tpu.memory_space<vmem_shared>>
        tpu.wait_dma2 semaphore(%run_scoped3A : memref<!tpu.dma_semaphore, #tpu.memory_space<semaphore_mem>>) src(%arg6 : memref<128x128xf32, #tpu.memory_space<vmem>>) dst(%dma_wait3A_73 : memref<128x128xf32, #tpu.memory_space<vmem_shared>>)
        tpu.yield
      }) : () -> ()
      %scan3A_65 = arith.constant 0 : i32
      scf.yield %scan3A_65 : i32
    }
    %scan3A_13 = arith.constant 5 : i32
    %barrier3A = arith.constant 0 : index
    tpu.barrier barrier_id(%barrier3A)
    %mul3A_14 = arith.constant 80 : i32
    %mul3A_15 = arith.muli %add3A, %mul3A_14 : i32
    %add3A_16 = arith.constant 0 : i32
    %add3A_17 = arith.addi %mul3A_15, %add3A_16 : i32
    %mul3A_18 = arith.constant 128 : i32
    %mul3A_19 = arith.muli %add3A_17, %mul3A_18 : i32
    "tpu.region"() ({
      %run_scoped3A = tpu.sem_alloc : memref<!tpu.dma_semaphore, #tpu.memory_space<semaphore_mem>>
      %dma_start3A_58 = tpu.memref_slice %arg3[%mul3A_19] : memref<327680xi32, #tpu.memory_space<hbm>> -> memref<128xi32, #tpu.memory_space<hbm>>
      %dma_start3A_59 = tpu.memref_slice %arg3[%mul3A_19] : memref<327680xi32, #tpu.memory_space<hbm>> -> memref<128xi32, #tpu.memory_space<hbm>>
      tpu.enqueue_dma source(%dma_start3A_59 : memref<128xi32, #tpu.memory_space<hbm>>) target(%arg8 : memref<128xi32, #tpu.memory_space<vmem>>) target_semaphore(%run_scoped3A : memref<!tpu.dma_semaphore, #tpu.memory_space<semaphore_mem>>)
      %dma_wait3A_60 = tpu.memref_slice %arg3[%mul3A_19] : memref<327680xi32, #tpu.memory_space<hbm>> -> memref<128xi32, #tpu.memory_space<hbm>>
      %dma_wait3A_61 = tpu.memref_slice %arg3[%mul3A_19] : memref<327680xi32, #tpu.memory_space<hbm>> -> memref<128xi32, #tpu.memory_space<hbm>>
      tpu.wait_dma2 semaphore(%run_scoped3A : memref<!tpu.dma_semaphore, #tpu.memory_space<semaphore_mem>>) src(%dma_wait3A_61 : memref<128xi32, #tpu.memory_space<hbm>>) dst(%arg8 : memref<128xi32, #tpu.memory_space<vmem>>)
      tpu.yield
    }) : () -> ()
    %mul3A_20 = arith.constant 80 : i32
    %mul3A_21 = arith.muli %add3A, %mul3A_20 : i32
    %add3A_22 = arith.constant 0 : i32
    %add3A_23 = arith.addi %mul3A_21, %add3A_22 : i32
    %mul3A_24 = arith.constant 128 : i32
    %mul3A_25 = arith.muli %add3A_23, %mul3A_24 : i32
    "tpu.region"() ({
      %run_scoped3A = tpu.sem_alloc : memref<!tpu.dma_semaphore, #tpu.memory_space<semaphore_mem>>
      %dma_start3A_58 = tpu.memref_slice %arg4[%mul3A_25] : memref<327680xi32, #tpu.memory_space<hbm>> -> memref<128xi32, #tpu.memory_space<hbm>>
      %dma_start3A_59 = tpu.memref_slice %arg4[%mul3A_25] : memref<327680xi32, #tpu.memory_space<hbm>> -> memref<128xi32, #tpu.memory_space<hbm>>
      tpu.enqueue_dma source(%dma_start3A_59 : memref<128xi32, #tpu.memory_space<hbm>>) target(%arg10 : memref<128xi32, #tpu.memory_space<vmem>>) target_semaphore(%run_scoped3A : memref<!tpu.dma_semaphore, #tpu.memory_space<semaphore_mem>>)
      %dma_wait3A_60 = tpu.memref_slice %arg4[%mul3A_25] : memref<327680xi32, #tpu.memory_space<hbm>> -> memref<128xi32, #tpu.memory_space<hbm>>
      %dma_wait3A_61 = tpu.memref_slice %arg4[%mul3A_25] : memref<327680xi32, #tpu.memory_space<hbm>> -> memref<128xi32, #tpu.memory_space<hbm>>
      tpu.wait_dma2 semaphore(%run_scoped3A : memref<!tpu.dma_semaphore, #tpu.memory_space<semaphore_mem>>) src(%dma_wait3A_61 : memref<128xi32, #tpu.memory_space<hbm>>) dst(%arg10 : memref<128xi32, #tpu.memory_space<vmem>>)
      tpu.yield
    }) : () -> ()
    %dma_start3A = arith.constant 0 : i32
    %dma_start3A_26 = arith.constant 0 : i32
    %dma_start3A_27 = tpu.memref_slice %arg2[%dma_start3A, %dma_start3A_26] : memref<10240x128xf32, #tpu.memory_space<hbm>> -> memref<10240x128xf32, #tpu.memory_space<hbm>>
    tpu.enqueue_indirect_dma source(%dma_start3A_27 : memref<10240x128xf32, #tpu.memory_space<hbm>>) target(%arg6 : memref<128x128xf32, #tpu.memory_space<vmem>>) offsets(%arg8 : memref<128xi32, #tpu.memory_space<vmem>>) semaphore(%arg12 : memref<!tpu.dma_semaphore, #tpu.memory_space<semaphore_mem>>)
    %mul3A_28 = arith.constant 80 : i32
    %mul3A_29 = arith.muli %add3A, %mul3A_28 : i32
    %add3A_30 = arith.constant 1 : i32
    %add3A_31 = arith.addi %mul3A_29, %add3A_30 : i32
    %mul3A_32 = arith.constant 128 : i32
    %mul3A_33 = arith.muli %add3A_31, %mul3A_32 : i32
    "tpu.region"() ({
      %run_scoped3A = tpu.sem_alloc : memref<!tpu.dma_semaphore, #tpu.memory_space<semaphore_mem>>
      %dma_start3A_58 = tpu.memref_slice %arg3[%mul3A_33] : memref<327680xi32, #tpu.memory_space<hbm>> -> memref<128xi32, #tpu.memory_space<hbm>>
      %dma_start3A_59 = tpu.memref_slice %arg3[%mul3A_33] : memref<327680xi32, #tpu.memory_space<hbm>> -> memref<128xi32, #tpu.memory_space<hbm>>
      tpu.enqueue_dma source(%dma_start3A_59 : memref<128xi32, #tpu.memory_space<hbm>>) target(%arg9 : memref<128xi32, #tpu.memory_space<vmem>>) target_semaphore(%run_scoped3A : memref<!tpu.dma_semaphore, #tpu.memory_space<semaphore_mem>>)
      %dma_wait3A_60 = tpu.memref_slice %arg3[%mul3A_33] : memref<327680xi32, #tpu.memory_space<hbm>> -> memref<128xi32, #tpu.memory_space<hbm>>
      %dma_wait3A_61 = tpu.memref_slice %arg3[%mul3A_33] : memref<327680xi32, #tpu.memory_space<hbm>> -> memref<128xi32, #tpu.memory_space<hbm>>
      tpu.wait_dma2 semaphore(%run_scoped3A : memref<!tpu.dma_semaphore, #tpu.memory_space<semaphore_mem>>) src(%dma_wait3A_61 : memref<128xi32, #tpu.memory_space<hbm>>) dst(%arg9 : memref<128xi32, #tpu.memory_space<vmem>>)
      tpu.yield
    }) : () -> ()
    %mul3A_34 = arith.constant 80 : i32
    %mul3A_35 = arith.muli %add3A, %mul3A_34 : i32
    %add3A_36 = arith.constant 1 : i32
    %add3A_37 = arith.addi %mul3A_35, %add3A_36 : i32
    %mul3A_38 = arith.constant 128 : i32
    %mul3A_39 = arith.muli %add3A_37, %mul3A_38 : i32
    "tpu.region"() ({
      %run_scoped3A = tpu.sem_alloc : memref<!tpu.dma_semaphore, #tpu.memory_space<semaphore_mem>>
      %dma_start3A_58 = tpu.memref_slice %arg4[%mul3A_39] : memref<327680xi32, #tpu.memory_space<hbm>> -> memref<128xi32, #tpu.memory_space<hbm>>
      %dma_start3A_59 = tpu.memref_slice %arg4[%mul3A_39] : memref<327680xi32, #tpu.memory_space<hbm>> -> memref<128xi32, #tpu.memory_space<hbm>>
      tpu.enqueue_dma source(%dma_start3A_59 : memref<128xi32, #tpu.memory_space<hbm>>) target(%arg11 : memref<128xi32, #tpu.memory_space<vmem>>) target_semaphore(%run_scoped3A : memref<!tpu.dma_semaphore, #tpu.memory_space<semaphore_mem>>)
      %dma_wait3A_60 = tpu.memref_slice %arg4[%mul3A_39] : memref<327680xi32, #tpu.memory_space<hbm>> -> memref<128xi32, #tpu.memory_space<hbm>>
      %dma_wait3A_61 = tpu.memref_slice %arg4[%mul3A_39] : memref<327680xi32, #tpu.memory_space<hbm>> -> memref<128xi32, #tpu.memory_space<hbm>>
      tpu.wait_dma2 semaphore(%run_scoped3A : memref<!tpu.dma_semaphore, #tpu.memory_space<semaphore_mem>>) src(%dma_wait3A_61 : memref<128xi32, #tpu.memory_space<hbm>>) dst(%arg11 : memref<128xi32, #tpu.memory_space<vmem>>)
      tpu.yield
    }) : () -> ()
    %dma_start3A_40 = arith.constant 0 : i32
    %dma_start3A_41 = arith.constant 0 : i32
    %dma_start3A_42 = tpu.memref_slice %arg2[%dma_start3A_40, %dma_start3A_41] : memref<10240x128xf32, #tpu.memory_space<hbm>> -> memref<10240x128xf32, #tpu.memory_space<hbm>>
    tpu.enqueue_indirect_dma source(%dma_start3A_42 : memref<10240x128xf32, #tpu.memory_space<hbm>>) target(%arg7 : memref<128x128xf32, #tpu.memory_space<vmem>>) offsets(%arg9 : memref<128xi32, #tpu.memory_space<vmem>>) semaphore(%arg13 : memref<!tpu.dma_semaphore, #tpu.memory_space<semaphore_mem>>)
    %scan3A_43 = arith.constant 0 : i32
    %scan3A_44 = arith.constant 39 : i32
    %scan3A_45 = arith.addi %scan3A_43, %scan3A_44 : i32
    %scan3A_46 = arith.constant 1 : i32
    scf.for %scan3A_58 = %scan3A_43 to %scan3A_45 step %scan3A_46  : i32 {
      %mul3A_59 = arith.constant 1 : i32
      %mul3A_60 = arith.muli %scan3A_58, %mul3A_59 : i32
      %add3A_61 = arith.constant 0 : i32
      %add3A_62 = arith.addi %add3A_61, %mul3A_60 : i32
      %mul3A_63 = arith.constant 2 : i32
      %mul3A_64 = arith.muli %mul3A_63, %add3A_62 : i32
      %add3A_65 = arith.constant 0 : i32
      %add3A_66 = arith.addi %mul3A_64, %add3A_65 : i32
      %dma_wait3A_67 = arith.constant 0 : i32
      %dma_wait3A_68 = arith.constant 0 : i32
      %dma_wait3A_69 = tpu.memref_slice %arg2[%dma_wait3A_67, %dma_wait3A_68] : memref<10240x128xf32, #tpu.memory_space<hbm>> -> memref<10240x128xf32, #tpu.memory_space<hbm>>
      tpu.wait_indirect_dma semaphore(%arg12 : memref<!tpu.dma_semaphore, #tpu.memory_space<semaphore_mem>>) src(%dma_wait3A_69 : memref<10240x128xf32, #tpu.memory_space<hbm>>) dst(%arg6 : memref<128x128xf32, #tpu.memory_space<vmem>>)
      %dma_start3A_70 = arith.constant 0 : i32
      %dma_start3A_71 = arith.constant 0 : i32
      %dma_start3A_72 = tpu.memref_slice %arg18[%dma_start3A_70, %dma_start3A_71] : memref<10240x128xf32, #tpu.memory_space<vmem_shared>> -> memref<10240x128xf32, #tpu.memory_space<vmem_shared>>
      tpu.enqueue_indirect_dma source(%arg6 : memref<128x128xf32, #tpu.memory_space<vmem>>) target(%dma_start3A_72 : memref<10240x128xf32, #tpu.memory_space<vmem_shared>>) offsets(%arg10 : memref<128xi32, #tpu.memory_space<vmem>>) semaphore(%arg14 : memref<!tpu.dma_semaphore, #tpu.memory_space<semaphore_mem>>) {add = true}
      %add3A_73 = arith.constant 2 : i32
      %add3A_74 = arith.addi %add3A_66, %add3A_73 : i32
      %mul3A_75 = arith.constant 80 : i32
      %mul3A_76 = arith.muli %add3A, %mul3A_75 : i32
      %add3A_77 = arith.addi %mul3A_76, %add3A_74 : i32
      %mul3A_78 = arith.constant 128 : i32
      %mul3A_79 = arith.muli %add3A_77, %mul3A_78 : i32
      %dma_start3A_80 = tpu.memref_slice %arg3[%mul3A_79] : memref<327680xi32, #tpu.memory_space<hbm>> -> memref<128xi32, #tpu.memory_space<hbm>>
      %dma_start3A_81 = tpu.memref_slice %arg3[%mul3A_79] : memref<327680xi32, #tpu.memory_space<hbm>> -> memref<128xi32, #tpu.memory_space<hbm>>
      tpu.enqueue_dma source(%dma_start3A_81 : memref<128xi32, #tpu.memory_space<hbm>>) target(%arg8 : memref<128xi32, #tpu.memory_space<vmem>>) target_semaphore(%arg16 : memref<!tpu.dma_semaphore, #tpu.memory_space<semaphore_mem>>)
      %dma_wait3A_82 = arith.constant 0 : i32
      %dma_wait3A_83 = arith.constant 0 : i32
      %dma_wait3A_84 = tpu.memref_slice %arg18[%dma_wait3A_82, %dma_wait3A_83] : memref<10240x128xf32, #tpu.memory_space<vmem_shared>> -> memref<10240x128xf32, #tpu.memory_space<vmem_shared>>
      tpu.wait_indirect_dma semaphore(%arg14 : memref<!tpu.dma_semaphore, #tpu.memory_space<semaphore_mem>>) src(%arg6 : memref<128x128xf32, #tpu.memory_space<vmem>>) dst(%dma_wait3A_84 : memref<10240x128xf32, #tpu.memory_space<vmem_shared>>)
      %add3A_85 = arith.constant 2 : i32
      %add3A_86 = arith.addi %add3A_66, %add3A_85 : i32
      %mul3A_87 = arith.constant 80 : i32
      %mul3A_88 = arith.muli %add3A, %mul3A_87 : i32
      %add3A_89 = arith.addi %mul3A_88, %add3A_86 : i32
      %mul3A_90 = arith.constant 128 : i32
      %mul3A_91 = arith.muli %add3A_89, %mul3A_90 : i32
      %dma_start3A_92 = tpu.memref_slice %arg4[%mul3A_91] : memref<327680xi32, #tpu.memory_space<hbm>> -> memref<128xi32, #tpu.memory_space<hbm>>
      %dma_start3A_93 = tpu.memref_slice %arg4[%mul3A_91] : memref<327680xi32, #tpu.memory_space<hbm>> -> memref<128xi32, #tpu.memory_space<hbm>>
      tpu.enqueue_dma source(%dma_start3A_93 : memref<128xi32, #tpu.memory_space<hbm>>) target(%arg10 : memref<128xi32, #tpu.memory_space<vmem>>) target_semaphore(%arg16 : memref<!tpu.dma_semaphore, #tpu.memory_space<semaphore_mem>>)
      %add3A_94 = arith.constant 2 : i32
      %add3A_95 = arith.addi %add3A_66, %add3A_94 : i32
      %mul3A_96 = arith.constant 80 : i32
      %mul3A_97 = arith.muli %add3A, %mul3A_96 : i32
      %add3A_98 = arith.addi %mul3A_97, %add3A_95 : i32
      %mul3A_99 = arith.constant 128 : i32
      %mul3A_100 = arith.muli %add3A_98, %mul3A_99 : i32
      %dma_wait3A_101 = tpu.memref_slice %arg3[%mul3A_100] : memref<327680xi32, #tpu.memory_space<hbm>> -> memref<128xi32, #tpu.memory_space<hbm>>
      %dma_wait3A_102 = tpu.memref_slice %arg3[%mul3A_100] : memref<327680xi32, #tpu.memory_space<hbm>> -> memref<128xi32, #tpu.memory_space<hbm>>
      tpu.wait_dma2 semaphore(%arg16 : memref<!tpu.dma_semaphore, #tpu.memory_space<semaphore_mem>>) src(%dma_wait3A_102 : memref<128xi32, #tpu.memory_space<hbm>>) dst(%arg8 : memref<128xi32, #tpu.memory_space<vmem>>)
      %add3A_103 = arith.constant 2 : i32
      %add3A_104 = arith.addi %add3A_66, %add3A_103 : i32
      %mul3A_105 = arith.constant 80 : i32
      %mul3A_106 = arith.muli %add3A, %mul3A_105 : i32
      %add3A_107 = arith.addi %mul3A_106, %add3A_104 : i32
      %mul3A_108 = arith.constant 128 : i32
      %mul3A_109 = arith.muli %add3A_107, %mul3A_108 : i32
      %dma_wait3A_110 = tpu.memref_slice %arg4[%mul3A_109] : memref<327680xi32, #tpu.memory_space<hbm>> -> memref<128xi32, #tpu.memory_space<hbm>>
      %dma_wait3A_111 = tpu.memref_slice %arg4[%mul3A_109] : memref<327680xi32, #tpu.memory_space<hbm>> -> memref<128xi32, #tpu.memory_space<hbm>>
      tpu.wait_dma2 semaphore(%arg16 : memref<!tpu.dma_semaphore, #tpu.memory_space<semaphore_mem>>) src(%dma_wait3A_111 : memref<128xi32, #tpu.memory_space<hbm>>) dst(%arg10 : memref<128xi32, #tpu.memory_space<vmem>>)
      %dma_start3A_112 = arith.constant 0 : i32
      %dma_start3A_113 = arith.constant 0 : i32
      %dma_start3A_114 = tpu.memref_slice %arg2[%dma_start3A_112, %dma_start3A_113] : memref<10240x128xf32, #tpu.memory_space<hbm>> -> memref<10240x128xf32, #tpu.memory_space<hbm>>
      tpu.enqueue_indirect_dma source(%dma_start3A_114 : memref<10240x128xf32, #tpu.memory_space<hbm>>) target(%arg6 : memref<128x128xf32, #tpu.memory_space<vmem>>) offsets(%arg8 : memref<128xi32, #tpu.memory_space<vmem>>) semaphore(%arg12 : memref<!tpu.dma_semaphore, #tpu.memory_space<semaphore_mem>>)
      %mul3A_115 = arith.constant 2 : i32
      %mul3A_116 = arith.muli %mul3A_115, %add3A_62 : i32
      %add3A_117 = arith.constant 1 : i32
      %add3A_118 = arith.addi %mul3A_116, %add3A_117 : i32
      %dma_wait3A_119 = arith.constant 0 : i32
      %dma_wait3A_120 = arith.constant 0 : i32
      %dma_wait3A_121 = tpu.memref_slice %arg2[%dma_wait3A_119, %dma_wait3A_120] : memref<10240x128xf32, #tpu.memory_space<hbm>> -> memref<10240x128xf32, #tpu.memory_space<hbm>>
      tpu.wait_indirect_dma semaphore(%arg13 : memref<!tpu.dma_semaphore, #tpu.memory_space<semaphore_mem>>) src(%dma_wait3A_121 : memref<10240x128xf32, #tpu.memory_space<hbm>>) dst(%arg7 : memref<128x128xf32, #tpu.memory_space<vmem>>)
      %dma_start3A_122 = arith.constant 0 : i32
      %dma_start3A_123 = arith.constant 0 : i32
      %dma_start3A_124 = tpu.memref_slice %arg18[%dma_start3A_122, %dma_start3A_123] : memref<10240x128xf32, #tpu.memory_space<vmem_shared>> -> memref<10240x128xf32, #tpu.memory_space<vmem_shared>>
      tpu.enqueue_indirect_dma source(%arg7 : memref<128x128xf32, #tpu.memory_space<vmem>>) target(%dma_start3A_124 : memref<10240x128xf32, #tpu.memory_space<vmem_shared>>) offsets(%arg11 : memref<128xi32, #tpu.memory_space<vmem>>) semaphore(%arg15 : memref<!tpu.dma_semaphore, #tpu.memory_space<semaphore_mem>>) {add = true}
      %add3A_125 = arith.constant 2 : i32
      %add3A_126 = arith.addi %add3A_118, %add3A_125 : i32
      %mul3A_127 = arith.constant 80 : i32
      %mul3A_128 = arith.muli %add3A, %mul3A_127 : i32
      %add3A_129 = arith.addi %mul3A_128, %add3A_126 : i32
      %mul3A_130 = arith.constant 128 : i32
      %mul3A_131 = arith.muli %add3A_129, %mul3A_130 : i32
      %dma_start3A_132 = tpu.memref_slice %arg3[%mul3A_131] : memref<327680xi32, #tpu.memory_space<hbm>> -> memref<128xi32, #tpu.memory_space<hbm>>
      %dma_start3A_133 = tpu.memref_slice %arg3[%mul3A_131] : memref<327680xi32, #tpu.memory_space<hbm>> -> memref<128xi32, #tpu.memory_space<hbm>>
      tpu.enqueue_dma source(%dma_start3A_133 : memref<128xi32, #tpu.memory_space<hbm>>) target(%arg9 : memref<128xi32, #tpu.memory_space<vmem>>) target_semaphore(%arg17 : memref<!tpu.dma_semaphore, #tpu.memory_space<semaphore_mem>>)
      %dma_wait3A_134 = arith.constant 0 : i32
      %dma_wait3A_135 = arith.constant 0 : i32
      %dma_wait3A_136 = tpu.memref_slice %arg18[%dma_wait3A_134, %dma_wait3A_135] : memref<10240x128xf32, #tpu.memory_space<vmem_shared>> -> memref<10240x128xf32, #tpu.memory_space<vmem_shared>>
      tpu.wait_indirect_dma semaphore(%arg15 : memref<!tpu.dma_semaphore, #tpu.memory_space<semaphore_mem>>) src(%arg7 : memref<128x128xf32, #tpu.memory_space<vmem>>) dst(%dma_wait3A_136 : memref<10240x128xf32, #tpu.memory_space<vmem_shared>>)
      %add3A_137 = arith.constant 2 : i32
      %add3A_138 = arith.addi %add3A_118, %add3A_137 : i32
      %mul3A_139 = arith.constant 80 : i32
      %mul3A_140 = arith.muli %add3A, %mul3A_139 : i32
      %add3A_141 = arith.addi %mul3A_140, %add3A_138 : i32
      %mul3A_142 = arith.constant 128 : i32
      %mul3A_143 = arith.muli %add3A_141, %mul3A_142 : i32
      %dma_start3A_144 = tpu.memref_slice %arg4[%mul3A_143] : memref<327680xi32, #tpu.memory_space<hbm>> -> memref<128xi32, #tpu.memory_space<hbm>>
      %dma_start3A_145 = tpu.memref_slice %arg4[%mul3A_143] : memref<327680xi32, #tpu.memory_space<hbm>> -> memref<128xi32, #tpu.memory_space<hbm>>
      tpu.enqueue_dma source(%dma_start3A_145 : memref<128xi32, #tpu.memory_space<hbm>>) target(%arg11 : memref<128xi32, #tpu.memory_space<vmem>>) target_semaphore(%arg17 : memref<!tpu.dma_semaphore, #tpu.memory_space<semaphore_mem>>)
      %add3A_146 = arith.constant 2 : i32
      %add3A_147 = arith.addi %add3A_118, %add3A_146 : i32
      %mul3A_148 = arith.constant 80 : i32
      %mul3A_149 = arith.muli %add3A, %mul3A_148 : i32
      %add3A_150 = arith.addi %mul3A_149, %add3A_147 : i32
      %mul3A_151 = arith.constant 128 : i32
      %mul3A_152 = arith.muli %add3A_150, %mul3A_151 : i32
      %dma_wait3A_153 = tpu.memref_slice %arg3[%mul3A_152] : memref<327680xi32, #tpu.memory_space<hbm>> -> memref<128xi32, #tpu.memory_space<hbm>>
      %dma_wait3A_154 = tpu.memref_slice %arg3[%mul3A_152] : memref<327680xi32, #tpu.memory_space<hbm>> -> memref<128xi32, #tpu.memory_space<hbm>>
      tpu.wait_dma2 semaphore(%arg17 : memref<!tpu.dma_semaphore, #tpu.memory_space<semaphore_mem>>) src(%dma_wait3A_154 : memref<128xi32, #tpu.memory_space<hbm>>) dst(%arg9 : memref<128xi32, #tpu.memory_space<vmem>>)
      %add3A_155 = arith.constant 2 : i32
      %add3A_156 = arith.addi %add3A_118, %add3A_155 : i32
      %mul3A_157 = arith.constant 80 : i32
      %mul3A_158 = arith.muli %add3A, %mul3A_157 : i32
      %add3A_159 = arith.addi %mul3A_158, %add3A_156 : i32
      %mul3A_160 = arith.constant 128 : i32
      %mul3A_161 = arith.muli %add3A_159, %mul3A_160 : i32
      %dma_wait3A_162 = tpu.memref_slice %arg4[%mul3A_161] : memref<327680xi32, #tpu.memory_space<hbm>> -> memref<128xi32, #tpu.memory_space<hbm>>
      %dma_wait3A_163 = tpu.memref_slice %arg4[%mul3A_161] : memref<327680xi32, #tpu.memory_space<hbm>> -> memref<128xi32, #tpu.memory_space<hbm>>
      tpu.wait_dma2 semaphore(%arg17 : memref<!tpu.dma_semaphore, #tpu.memory_space<semaphore_mem>>) src(%dma_wait3A_163 : memref<128xi32, #tpu.memory_space<hbm>>) dst(%arg11 : memref<128xi32, #tpu.memory_space<vmem>>)
      %dma_start3A_164 = arith.constant 0 : i32
      %dma_start3A_165 = arith.constant 0 : i32
      %dma_start3A_166 = tpu.memref_slice %arg2[%dma_start3A_164, %dma_start3A_165] : memref<10240x128xf32, #tpu.memory_space<hbm>> -> memref<10240x128xf32, #tpu.memory_space<hbm>>
      tpu.enqueue_indirect_dma source(%dma_start3A_166 : memref<10240x128xf32, #tpu.memory_space<hbm>>) target(%arg7 : memref<128x128xf32, #tpu.memory_space<vmem>>) offsets(%arg9 : memref<128xi32, #tpu.memory_space<vmem>>) semaphore(%arg13 : memref<!tpu.dma_semaphore, #tpu.memory_space<semaphore_mem>>)
    }
    %scan3A_47 = arith.constant 39 : i32
    %dma_wait3A = arith.constant 0 : i32
    %dma_wait3A_48 = arith.constant 0 : i32
    %dma_wait3A_49 = tpu.memref_slice %arg2[%dma_wait3A, %dma_wait3A_48] : memref<10240x128xf32, #tpu.memory_space<hbm>> -> memref<10240x128xf32, #tpu.memory_space<hbm>>
    tpu.wait_indirect_dma semaphore(%arg12 : memref<!tpu.dma_semaphore, #tpu.memory_space<semaphore_mem>>) src(%dma_wait3A_49 : memref<10240x128xf32, #tpu.memory_space<hbm>>) dst(%arg6 : memref<128x128xf32, #tpu.memory_space<vmem>>)
    "tpu.region"() ({
      %run_scoped3A = tpu.sem_alloc : memref<!tpu.dma_semaphore, #tpu.memory_space<semaphore_mem>>
      %dma_start3A_58 = arith.constant 0 : i32
      %dma_start3A_59 = arith.constant 0 : i32
      %dma_start3A_60 = tpu.memref_slice %arg18[%dma_start3A_58, %dma_start3A_59] : memref<10240x128xf32, #tpu.memory_space<vmem_shared>> -> memref<10240x128xf32, #tpu.memory_space<vmem_shared>>
      tpu.enqueue_indirect_dma source(%arg6 : memref<128x128xf32, #tpu.memory_space<vmem>>) target(%dma_start3A_60 : memref<10240x128xf32, #tpu.memory_space<vmem_shared>>) offsets(%arg10 : memref<128xi32, #tpu.memory_space<vmem>>) semaphore(%run_scoped3A : memref<!tpu.dma_semaphore, #tpu.memory_space<semaphore_mem>>) {add = true}
      %dma_wait3A_61 = arith.constant 0 : i32
      %dma_wait3A_62 = arith.constant 0 : i32
      %dma_wait3A_63 = tpu.memref_slice %arg18[%dma_wait3A_61, %dma_wait3A_62] : memref<10240x128xf32, #tpu.memory_space<vmem_shared>> -> memref<10240x128xf32, #tpu.memory_space<vmem_shared>>
      tpu.wait_indirect_dma semaphore(%run_scoped3A : memref<!tpu.dma_semaphore, #tpu.memory_space<semaphore_mem>>) src(%arg6 : memref<128x128xf32, #tpu.memory_space<vmem>>) dst(%dma_wait3A_63 : memref<10240x128xf32, #tpu.memory_space<vmem_shared>>)
      tpu.yield
    }) : () -> ()
    %dma_wait3A_50 = arith.constant 0 : i32
    %dma_wait3A_51 = arith.constant 0 : i32
    %dma_wait3A_52 = tpu.memref_slice %arg2[%dma_wait3A_50, %dma_wait3A_51] : memref<10240x128xf32, #tpu.memory_space<hbm>> -> memref<10240x128xf32, #tpu.memory_space<hbm>>
    tpu.wait_indirect_dma semaphore(%arg13 : memref<!tpu.dma_semaphore, #tpu.memory_space<semaphore_mem>>) src(%dma_wait3A_52 : memref<10240x128xf32, #tpu.memory_space<hbm>>) dst(%arg7 : memref<128x128xf32, #tpu.memory_space<vmem>>)
    "tpu.region"() ({
      %run_scoped3A = tpu.sem_alloc : memref<!tpu.dma_semaphore, #tpu.memory_space<semaphore_mem>>
      %dma_start3A_58 = arith.constant 0 : i32
      %dma_start3A_59 = arith.constant 0 : i32
      %dma_start3A_60 = tpu.memref_slice %arg18[%dma_start3A_58, %dma_start3A_59] : memref<10240x128xf32, #tpu.memory_space<vmem_shared>> -> memref<10240x128xf32, #tpu.memory_space<vmem_shared>>
      tpu.enqueue_indirect_dma source(%arg7 : memref<128x128xf32, #tpu.memory_space<vmem>>) target(%dma_start3A_60 : memref<10240x128xf32, #tpu.memory_space<vmem_shared>>) offsets(%arg11 : memref<128xi32, #tpu.memory_space<vmem>>) semaphore(%run_scoped3A : memref<!tpu.dma_semaphore, #tpu.memory_space<semaphore_mem>>) {add = true}
      %dma_wait3A_61 = arith.constant 0 : i32
      %dma_wait3A_62 = arith.constant 0 : i32
      %dma_wait3A_63 = tpu.memref_slice %arg18[%dma_wait3A_61, %dma_wait3A_62] : memref<10240x128xf32, #tpu.memory_space<vmem_shared>> -> memref<10240x128xf32, #tpu.memory_space<vmem_shared>>
      tpu.wait_indirect_dma semaphore(%run_scoped3A : memref<!tpu.dma_semaphore, #tpu.memory_space<semaphore_mem>>) src(%arg7 : memref<128x128xf32, #tpu.memory_space<vmem>>) dst(%dma_wait3A_63 : memref<10240x128xf32, #tpu.memory_space<vmem_shared>>)
      tpu.yield
    }) : () -> ()
    %barrier3A_53 = arith.constant 0 : index
    tpu.barrier barrier_id(%barrier3A_53)
    %mul3A_54 = arith.constant 640 : i32
    %mul3A_55 = arith.muli %arg1, %mul3A_54 : i32
    %mul3A_56 = arith.constant 640 : i32
    %mul3A_57 = arith.muli %arg1, %mul3A_56 : i32
    "tpu.region"() ({
      %run_scoped3A = tpu.sem_alloc : memref<!tpu.dma_semaphore, #tpu.memory_space<semaphore_mem>>
      %dma_start3A_58 = arith.constant 0 : i32
      %dma_start3A_59 = tpu.memref_slice %arg5[%arg0, %mul3A_57, %dma_start3A_58] : memref<2x10240x128xf32, #tpu.memory_space<hbm>> -> memref<1x640x128xf32, #tpu.memory_space<hbm>>
      %dma_start3A_60 = tpu.memref_squeeze %dma_start3A_59 : memref<1x640x128xf32, #tpu.memory_space<hbm>> -> memref<640x128xf32, #tpu.memory_space<hbm>>
      %dma_start3A_61 = arith.constant 0 : i32
      %dma_start3A_62 = tpu.memref_slice %arg18[%mul3A_55, %dma_start3A_61] : memref<10240x128xf32, #tpu.memory_space<vmem_shared>> -> memref<640x128xf32, #tpu.memory_space<vmem_shared>>
      tpu.enqueue_dma source(%dma_start3A_62 : memref<640x128xf32, #tpu.memory_space<vmem_shared>>) target(%dma_start3A_60 : memref<640x128xf32, #tpu.memory_space<hbm>>) target_semaphore(%run_scoped3A : memref<!tpu.dma_semaphore, #tpu.memory_space<semaphore_mem>>)
      %dma_wait3A_63 = arith.constant 0 : i32
      %dma_wait3A_64 = tpu.memref_slice %arg5[%arg0, %mul3A_57, %dma_wait3A_63] : memref<2x10240x128xf32, #tpu.memory_space<hbm>> -> memref<1x640x128xf32, #tpu.memory_space<hbm>>
      %dma_wait3A_65 = tpu.memref_squeeze %dma_wait3A_64 : memref<1x640x128xf32, #tpu.memory_space<hbm>> -> memref<640x128xf32, #tpu.memory_space<hbm>>
      %dma_wait3A_66 = arith.constant 0 : i32
      %dma_wait3A_67 = tpu.memref_slice %arg18[%mul3A_55, %dma_wait3A_66] : memref<10240x128xf32, #tpu.memory_space<vmem_shared>> -> memref<640x128xf32, #tpu.memory_space<vmem_shared>>
      tpu.wait_dma2 semaphore(%run_scoped3A : memref<!tpu.dma_semaphore, #tpu.memory_space<semaphore_mem>>) src(%dma_wait3A_67 : memref<640x128xf32, #tpu.memory_space<vmem_shared>>) dst(%dma_wait3A_65 : memref<640x128xf32, #tpu.memory_space<hbm>>)
      tpu.yield
    }) : () -> ()
    return
  }
}

#map = affine_map<(d0, d1) -> (0, 0)>
#map1 = affine_map<(d0, d1) -> (0)>
#map2 = affine_map<(d0, d1) -> (0, 0, 0)>
module attributes {stable_mosaic.version = 14 : i64} {
  func.func @_sc_agg_body(%arg0: i32, %arg1: i32, %arg2: memref<10240x128xf32, #tpu.memory_space<hbm>>, %arg3: memref<327680xi32, #tpu.memory_space<hbm>>, %arg4: memref<327680xi32, #tpu.memory_space<hbm>>, %arg5: memref<2x10240x128xf32, #tpu.memory_space<hbm>>, %arg6: memref<128x128xf32, #tpu.memory_space<vmem>>, %arg7: memref<128x128xf32, #tpu.memory_space<vmem>>, %arg8: memref<128xi32, #tpu.memory_space<vmem>>, %arg9: memref<128xi32, #tpu.memory_space<vmem>>, %arg10: memref<128xi32, #tpu.memory_space<vmem>>, %arg11: memref<128xi32, #tpu.memory_space<vmem>>, %arg12: memref<!tpu.dma_semaphore, #tpu.memory_space<semaphore_mem>>, %arg13: memref<!tpu.dma_semaphore, #tpu.memory_space<semaphore_mem>>, %arg14: memref<!tpu.dma_semaphore, #tpu.memory_space<semaphore_mem>>, %arg15: memref<!tpu.dma_semaphore, #tpu.memory_space<semaphore_mem>>, %arg16: memref<!tpu.dma_semaphore, #tpu.memory_space<semaphore_mem>>, %arg17: memref<!tpu.dma_semaphore, #tpu.memory_space<semaphore_mem>>, %arg18: memref<10240x128xf32, #tpu.memory_space<vmem_shared>>) attributes {dimension_semantics = [#tpu.dimension_semantics<core_parallel>, #tpu.dimension_semantics<subcore_parallel>], iteration_bounds = array<i64: 2, 16>, scalar_prefetch = 0 : i64, scratch_operands = 13 : i64, tpu.core_type = #tpu.core_type<sc_vector_subcore>, window_params = [{transform_indices = #map}, {transform_indices = #map1}, {transform_indices = #map1}, {transform_indices = #map2}]} {
    %mul3A = arith.constant 16 : i32
    %mul3A_0 = arith.muli %arg0, %mul3A : i32
    %add3A = arith.addi %mul3A_0, %arg1 : i32
    %scan3A = arith.constant 0 : i32
    %scan3A_1 = arith.constant 0 : i32
    %scan3A_2 = arith.constant 1024 : i32
    %scan3A_3 = arith.addi %scan3A_1, %scan3A_2 : i32
    %scan3A_4 = arith.constant 1 : i32
    %scan3A_5 = scf.for %scan3A_58 = %scan3A_1 to %scan3A_3 step %scan3A_4 iter_args(%scan3A_59 = %scan3A) -> (i32)  : i32 {
      %broadcast_in_dim3A = arith.constant 0.000000e+00 : f32
      %broadcast_in_dim3A_60 = vector.broadcast %broadcast_in_dim3A : f32 to vector<16xf32>
      %jit3A = arith.constant 8 : i32
      %div3A = arith.divsi %scan3A_58, %jit3A : i32
      %sign3A = arith.constant 0 : i32
      %sign3A_61 = arith.cmpi sgt, %scan3A_58, %sign3A : i32
      %sign3A_62 = arith.extui %sign3A_61 : i1 to i32
      %sign3A_63 = arith.constant 0 : i32
      %sign3A_64 = arith.cmpi slt, %scan3A_58, %sign3A_63 : i32
      %sign3A_65 = arith.extui %sign3A_64 : i1 to i32
      %sign3A_66 = arith.subi %sign3A_62, %sign3A_65 : i32
      %sign3A_67 = arith.constant 0 : i32
      %sign3A_68 = arith.cmpi sgt, %jit3A, %sign3A_67 : i32
      %sign3A_69 = arith.extui %sign3A_68 : i1 to i32
      %sign3A_70 = arith.constant 0 : i32
      %sign3A_71 = arith.cmpi slt, %jit3A, %sign3A_70 : i32
      %sign3A_72 = arith.extui %sign3A_71 : i1 to i32
      %sign3A_73 = arith.subi %sign3A_69, %sign3A_72 : i32
      %ne3A = arith.cmpi ne, %sign3A_66, %sign3A_73 : i32
      %rem3A = arith.remsi %scan3A_58, %jit3A : i32
      %ne3A_74 = arith.constant 0 : i32
      %ne3A_75 = arith.cmpi ne, %rem3A, %ne3A_74 : i32
      %and3A = arith.andi %ne3A, %ne3A_75 : i1
      %sub3A = arith.constant 1 : i32
      %sub3A_76 = arith.subi %div3A, %sub3A : i32
      %select_n3A = arith.select %and3A, %sub3A_76, %div3A : i32
      %jit3A_77 = arith.constant 8 : i32
      %eq3A = arith.constant 0 : i32
      %eq3A_78 = arith.cmpi eq, %jit3A_77, %eq3A : i32
      %jit3A_79 = arith.constant 1 : i32
      %select_n3A_80 = arith.select %eq3A_78, %jit3A_79, %jit3A_77 : i32
      %rem3A_81 = arith.remsi %scan3A_58, %select_n3A_80 : i32
      %ne3A_82 = arith.constant 0 : i32
      %ne3A_83 = arith.cmpi ne, %rem3A_81, %ne3A_82 : i32
      %lt3A = arith.constant 0 : i32
      %lt3A_84 = arith.cmpi slt, %rem3A_81, %lt3A : i32
      %lt3A_85 = arith.constant 0 : i32
      %lt3A_86 = arith.cmpi slt, %select_n3A_80, %lt3A_85 : i32
      %ne3A_87 = arith.xori %lt3A_84, %lt3A_86 : i1
      %and3A_88 = arith.andi %ne3A_87, %ne3A_83 : i1
      %add3A_89 = arith.addi %rem3A_81, %select_n3A_80 : i32
      %select_n3A_90 = arith.select %and3A_88, %add3A_89, %rem3A_81 : i32
      %mul3A_91 = arith.constant 16 : i32
      %mul3A_92 = arith.muli %select_n3A_90, %mul3A_91 : i32
      %swap3A = arith.index_cast %select_n3A : i32 to index
      %swap3A_93 = arith.index_cast %mul3A_92 : i32 to index
      %swap3A_94 = tpu.vector_load %arg6[%swap3A, %swap3A_93] {strides = array<i32>} : memref<128x128xf32, #tpu.memory_space<vmem>>, vector<16xf32>,
      tpu.vector_store %arg6[%swap3A, %swap3A_93], %broadcast_in_dim3A_60 {strides = array<i32>} : memref<128x128xf32, #tpu.memory_space<vmem>>, vector<16xf32>,
      %scan3A_95 = arith.constant 0 : i32
      scf.yield %scan3A_95 : i32
    }
    %scan3A_6 = arith.constant 1024 : i32
    %scan3A_7 = arith.constant 0 : i32
    %scan3A_8 = arith.constant 0 : i32
    %scan3A_9 = arith.constant 5 : i32
    %scan3A_10 = arith.addi %scan3A_8, %scan3A_9 : i32
    %scan3A_11 = arith.constant 1 : i32
    %scan3A_12 = scf.for %scan3A_58 = %scan3A_8 to %scan3A_10 step %scan3A_11 iter_args(%scan3A_59 = %scan3A_7) -> (i32)  : i32 {
      %mul3A_60 = arith.constant 640 : i32
      %mul3A_61 = arith.muli %arg1, %mul3A_60 : i32
      %mul3A_62 = arith.constant 128 : i32
      %mul3A_63 = arith.muli %scan3A_58, %mul3A_62 : i32
      %add3A_64 = arith.addi %mul3A_61, %mul3A_63 : i32
      "tpu.region"() ({
        %run_scoped3A = tpu.sem_alloc : memref<!tpu.dma_semaphore, #tpu.memory_space<semaphore_mem>>
        %dma_start3A_66 = arith.constant 0 : i32
        %dma_start3A_67 = tpu.memref_slice %arg18[%add3A_64, %dma_start3A_66] : memref<10240x128xf32, #tpu.memory_space<vmem_shared>> -> memref<128x128xf32, #tpu.memory_space<vmem_shared>>
        %dma_start3A_68 = arith.constant 0 : i32
        %dma_start3A_69 = tpu.memref_slice %arg18[%add3A_64, %dma_start3A_68] : memref<10240x128xf32, #tpu.memory_space<vmem_shared>> -> memref<128x128xf32, #tpu.memory_space<vmem_shared>>
        tpu.enqueue_dma source(%arg6 : memref<128x128xf32, #tpu.memory_space<vmem>>) target(%dma_start3A_69 : memref<128x128xf32, #tpu.memory_space<vmem_shared>>) target_semaphore(%run_scoped3A : memref<!tpu.dma_semaphore, #tpu.memory_space<semaphore_mem>>)
        %dma_wait3A_70 = arith.constant 0 : i32
        %dma_wait3A_71 = tpu.memref_slice %arg18[%add3A_64, %dma_wait3A_70] : memref<10240x128xf32, #tpu.memory_space<vmem_shared>> -> memref<128x128xf32, #tpu.memory_space<vmem_shared>>
        %dma_wait3A_72 = arith.constant 0 : i32
        %dma_wait3A_73 = tpu.memref_slice %arg18[%add3A_64, %dma_wait3A_72] : memref<10240x128xf32, #tpu.memory_space<vmem_shared>> -> memref<128x128xf32, #tpu.memory_space<vmem_shared>>
        tpu.wait_dma2 semaphore(%run_scoped3A : memref<!tpu.dma_semaphore, #tpu.memory_space<semaphore_mem>>) src(%arg6 : memref<128x128xf32, #tpu.memory_space<vmem>>) dst(%dma_wait3A_73 : memref<128x128xf32, #tpu.memory_space<vmem_shared>>)
        tpu.yield
      }) : () -> ()
      %scan3A_65 = arith.constant 0 : i32
      scf.yield %scan3A_65 : i32
    }
    %scan3A_13 = arith.constant 5 : i32
    %barrier3A = arith.constant 0 : index
    tpu.barrier barrier_id(%barrier3A)
    %mul3A_14 = arith.constant 80 : i32
    %mul3A_15 = arith.muli %add3A, %mul3A_14 : i32
    %add3A_16 = arith.constant 0 : i32
    %add3A_17 = arith.addi %mul3A_15, %add3A_16 : i32
    %mul3A_18 = arith.constant 128 : i32
    %mul3A_19 = arith.muli %add3A_17, %mul3A_18 : i32
    "tpu.region"() ({
      %run_scoped3A = tpu.sem_alloc : memref<!tpu.dma_semaphore, #tpu.memory_space<semaphore_mem>>
      %dma_start3A_58 = tpu.memref_slice %arg3[%mul3A_19] : memref<327680xi32, #tpu.memory_space<hbm>> -> memref<128xi32, #tpu.memory_space<hbm>>
      %dma_start3A_59 = tpu.memref_slice %arg3[%mul3A_19] : memref<327680xi32, #tpu.memory_space<hbm>> -> memref<128xi32, #tpu.memory_space<hbm>>
      tpu.enqueue_dma source(%dma_start3A_59 : memref<128xi32, #tpu.memory_space<hbm>>) target(%arg8 : memref<128xi32, #tpu.memory_space<vmem>>) target_semaphore(%run_scoped3A : memref<!tpu.dma_semaphore, #tpu.memory_space<semaphore_mem>>)
      %dma_wait3A_60 = tpu.memref_slice %arg3[%mul3A_19] : memref<327680xi32, #tpu.memory_space<hbm>> -> memref<128xi32, #tpu.memory_space<hbm>>
      %dma_wait3A_61 = tpu.memref_slice %arg3[%mul3A_19] : memref<327680xi32, #tpu.memory_space<hbm>> -> memref<128xi32, #tpu.memory_space<hbm>>
      tpu.wait_dma2 semaphore(%run_scoped3A : memref<!tpu.dma_semaphore, #tpu.memory_space<semaphore_mem>>) src(%dma_wait3A_61 : memref<128xi32, #tpu.memory_space<hbm>>) dst(%arg8 : memref<128xi32, #tpu.memory_space<vmem>>)
      tpu.yield
    }) : () -> ()
    %mul3A_20 = arith.constant 80 : i32
    %mul3A_21 = arith.muli %add3A, %mul3A_20 : i32
    %add3A_22 = arith.constant 0 : i32
    %add3A_23 = arith.addi %mul3A_21, %add3A_22 : i32
    %mul3A_24 = arith.constant 128 : i32
    %mul3A_25 = arith.muli %add3A_23, %mul3A_24 : i32
    "tpu.region"() ({
      %run_scoped3A = tpu.sem_alloc : memref<!tpu.dma_semaphore, #tpu.memory_space<semaphore_mem>>
      %dma_start3A_58 = tpu.memref_slice %arg4[%mul3A_25] : memref<327680xi32, #tpu.memory_space<hbm>> -> memref<128xi32, #tpu.memory_space<hbm>>
      %dma_start3A_59 = tpu.memref_slice %arg4[%mul3A_25] : memref<327680xi32, #tpu.memory_space<hbm>> -> memref<128xi32, #tpu.memory_space<hbm>>
      tpu.enqueue_dma source(%dma_start3A_59 : memref<128xi32, #tpu.memory_space<hbm>>) target(%arg10 : memref<128xi32, #tpu.memory_space<vmem>>) target_semaphore(%run_scoped3A : memref<!tpu.dma_semaphore, #tpu.memory_space<semaphore_mem>>)
      %dma_wait3A_60 = tpu.memref_slice %arg4[%mul3A_25] : memref<327680xi32, #tpu.memory_space<hbm>> -> memref<128xi32, #tpu.memory_space<hbm>>
      %dma_wait3A_61 = tpu.memref_slice %arg4[%mul3A_25] : memref<327680xi32, #tpu.memory_space<hbm>> -> memref<128xi32, #tpu.memory_space<hbm>>
      tpu.wait_dma2 semaphore(%run_scoped3A : memref<!tpu.dma_semaphore, #tpu.memory_space<semaphore_mem>>) src(%dma_wait3A_61 : memref<128xi32, #tpu.memory_space<hbm>>) dst(%arg10 : memref<128xi32, #tpu.memory_space<vmem>>)
      tpu.yield
    }) : () -> ()
    %dma_start3A = arith.constant 0 : i32
    %dma_start3A_26 = arith.constant 0 : i32
    %dma_start3A_27 = tpu.memref_slice %arg2[%dma_start3A, %dma_start3A_26] : memref<10240x128xf32, #tpu.memory_space<hbm>> -> memref<10240x128xf32, #tpu.memory_space<hbm>>
    tpu.enqueue_indirect_dma source(%dma_start3A_27 : memref<10240x128xf32, #tpu.memory_space<hbm>>) target(%arg6 : memref<128x128xf32, #tpu.memory_space<vmem>>) offsets(%arg8 : memref<128xi32, #tpu.memory_space<vmem>>) semaphore(%arg12 : memref<!tpu.dma_semaphore, #tpu.memory_space<semaphore_mem>>)
    %mul3A_28 = arith.constant 80 : i32
    %mul3A_29 = arith.muli %add3A, %mul3A_28 : i32
    %add3A_30 = arith.constant 1 : i32
    %add3A_31 = arith.addi %mul3A_29, %add3A_30 : i32
    %mul3A_32 = arith.constant 128 : i32
    %mul3A_33 = arith.muli %add3A_31, %mul3A_32 : i32
    "tpu.region"() ({
      %run_scoped3A = tpu.sem_alloc : memref<!tpu.dma_semaphore, #tpu.memory_space<semaphore_mem>>
      %dma_start3A_58 = tpu.memref_slice %arg3[%mul3A_33] : memref<327680xi32, #tpu.memory_space<hbm>> -> memref<128xi32, #tpu.memory_space<hbm>>
      %dma_start3A_59 = tpu.memref_slice %arg3[%mul3A_33] : memref<327680xi32, #tpu.memory_space<hbm>> -> memref<128xi32, #tpu.memory_space<hbm>>
      tpu.enqueue_dma source(%dma_start3A_59 : memref<128xi32, #tpu.memory_space<hbm>>) target(%arg9 : memref<128xi32, #tpu.memory_space<vmem>>) target_semaphore(%run_scoped3A : memref<!tpu.dma_semaphore, #tpu.memory_space<semaphore_mem>>)
      %dma_wait3A_60 = tpu.memref_slice %arg3[%mul3A_33] : memref<327680xi32, #tpu.memory_space<hbm>> -> memref<128xi32, #tpu.memory_space<hbm>>
      %dma_wait3A_61 = tpu.memref_slice %arg3[%mul3A_33] : memref<327680xi32, #tpu.memory_space<hbm>> -> memref<128xi32, #tpu.memory_space<hbm>>
      tpu.wait_dma2 semaphore(%run_scoped3A : memref<!tpu.dma_semaphore, #tpu.memory_space<semaphore_mem>>) src(%dma_wait3A_61 : memref<128xi32, #tpu.memory_space<hbm>>) dst(%arg9 : memref<128xi32, #tpu.memory_space<vmem>>)
      tpu.yield
    }) : () -> ()
    %mul3A_34 = arith.constant 80 : i32
    %mul3A_35 = arith.muli %add3A, %mul3A_34 : i32
    %add3A_36 = arith.constant 1 : i32
    %add3A_37 = arith.addi %mul3A_35, %add3A_36 : i32
    %mul3A_38 = arith.constant 128 : i32
    %mul3A_39 = arith.muli %add3A_37, %mul3A_38 : i32
    "tpu.region"() ({
      %run_scoped3A = tpu.sem_alloc : memref<!tpu.dma_semaphore, #tpu.memory_space<semaphore_mem>>
      %dma_start3A_58 = tpu.memref_slice %arg4[%mul3A_39] : memref<327680xi32, #tpu.memory_space<hbm>> -> memref<128xi32, #tpu.memory_space<hbm>>
      %dma_start3A_59 = tpu.memref_slice %arg4[%mul3A_39] : memref<327680xi32, #tpu.memory_space<hbm>> -> memref<128xi32, #tpu.memory_space<hbm>>
      tpu.enqueue_dma source(%dma_start3A_59 : memref<128xi32, #tpu.memory_space<hbm>>) target(%arg11 : memref<128xi32, #tpu.memory_space<vmem>>) target_semaphore(%run_scoped3A : memref<!tpu.dma_semaphore, #tpu.memory_space<semaphore_mem>>)
      %dma_wait3A_60 = tpu.memref_slice %arg4[%mul3A_39] : memref<327680xi32, #tpu.memory_space<hbm>> -> memref<128xi32, #tpu.memory_space<hbm>>
      %dma_wait3A_61 = tpu.memref_slice %arg4[%mul3A_39] : memref<327680xi32, #tpu.memory_space<hbm>> -> memref<128xi32, #tpu.memory_space<hbm>>
      tpu.wait_dma2 semaphore(%run_scoped3A : memref<!tpu.dma_semaphore, #tpu.memory_space<semaphore_mem>>) src(%dma_wait3A_61 : memref<128xi32, #tpu.memory_space<hbm>>) dst(%arg11 : memref<128xi32, #tpu.memory_space<vmem>>)
      tpu.yield
    }) : () -> ()
    %dma_start3A_40 = arith.constant 0 : i32
    %dma_start3A_41 = arith.constant 0 : i32
    %dma_start3A_42 = tpu.memref_slice %arg2[%dma_start3A_40, %dma_start3A_41] : memref<10240x128xf32, #tpu.memory_space<hbm>> -> memref<10240x128xf32, #tpu.memory_space<hbm>>
    tpu.enqueue_indirect_dma source(%dma_start3A_42 : memref<10240x128xf32, #tpu.memory_space<hbm>>) target(%arg7 : memref<128x128xf32, #tpu.memory_space<vmem>>) offsets(%arg9 : memref<128xi32, #tpu.memory_space<vmem>>) semaphore(%arg13 : memref<!tpu.dma_semaphore, #tpu.memory_space<semaphore_mem>>)
    %scan3A_43 = arith.constant 0 : i32
    %scan3A_44 = arith.constant 39 : i32
    %scan3A_45 = arith.addi %scan3A_43, %scan3A_44 : i32
    %scan3A_46 = arith.constant 1 : i32
    scf.for %scan3A_58 = %scan3A_43 to %scan3A_45 step %scan3A_46  : i32 {
      %mul3A_59 = arith.constant 1 : i32
      %mul3A_60 = arith.muli %scan3A_58, %mul3A_59 : i32
      %add3A_61 = arith.constant 0 : i32
      %add3A_62 = arith.addi %add3A_61, %mul3A_60 : i32
      %mul3A_63 = arith.constant 2 : i32
      %mul3A_64 = arith.muli %mul3A_63, %add3A_62 : i32
      %add3A_65 = arith.constant 0 : i32
      %add3A_66 = arith.addi %mul3A_64, %add3A_65 : i32
      %dma_wait3A_67 = arith.constant 0 : i32
      %dma_wait3A_68 = arith.constant 0 : i32
      %dma_wait3A_69 = tpu.memref_slice %arg2[%dma_wait3A_67, %dma_wait3A_68] : memref<10240x128xf32, #tpu.memory_space<hbm>> -> memref<10240x128xf32, #tpu.memory_space<hbm>>
      tpu.wait_indirect_dma semaphore(%arg12 : memref<!tpu.dma_semaphore, #tpu.memory_space<semaphore_mem>>) src(%dma_wait3A_69 : memref<10240x128xf32, #tpu.memory_space<hbm>>) dst(%arg6 : memref<128x128xf32, #tpu.memory_space<vmem>>)
      %dma_start3A_70 = arith.constant 0 : i32
      %dma_start3A_71 = arith.constant 0 : i32
      %dma_start3A_72 = tpu.memref_slice %arg18[%dma_start3A_70, %dma_start3A_71] : memref<10240x128xf32, #tpu.memory_space<vmem_shared>> -> memref<10240x128xf32, #tpu.memory_space<vmem_shared>>
      tpu.enqueue_indirect_dma source(%arg6 : memref<128x128xf32, #tpu.memory_space<vmem>>) target(%dma_start3A_72 : memref<10240x128xf32, #tpu.memory_space<vmem_shared>>) offsets(%arg10 : memref<128xi32, #tpu.memory_space<vmem>>) semaphore(%arg14 : memref<!tpu.dma_semaphore, #tpu.memory_space<semaphore_mem>>) {add = true}
      %add3A_73 = arith.constant 2 : i32
      %add3A_74 = arith.addi %add3A_66, %add3A_73 : i32
      %mul3A_75 = arith.constant 80 : i32
      %mul3A_76 = arith.muli %add3A, %mul3A_75 : i32
      %add3A_77 = arith.addi %mul3A_76, %add3A_74 : i32
      %mul3A_78 = arith.constant 128 : i32
      %mul3A_79 = arith.muli %add3A_77, %mul3A_78 : i32
      %dma_start3A_80 = tpu.memref_slice %arg3[%mul3A_79] : memref<327680xi32, #tpu.memory_space<hbm>> -> memref<128xi32, #tpu.memory_space<hbm>>
      %dma_start3A_81 = tpu.memref_slice %arg3[%mul3A_79] : memref<327680xi32, #tpu.memory_space<hbm>> -> memref<128xi32, #tpu.memory_space<hbm>>
      tpu.enqueue_dma source(%dma_start3A_81 : memref<128xi32, #tpu.memory_space<hbm>>) target(%arg8 : memref<128xi32, #tpu.memory_space<vmem>>) target_semaphore(%arg16 : memref<!tpu.dma_semaphore, #tpu.memory_space<semaphore_mem>>)
      %dma_wait3A_82 = arith.constant 0 : i32
      %dma_wait3A_83 = arith.constant 0 : i32
      %dma_wait3A_84 = tpu.memref_slice %arg18[%dma_wait3A_82, %dma_wait3A_83] : memref<10240x128xf32, #tpu.memory_space<vmem_shared>> -> memref<10240x128xf32, #tpu.memory_space<vmem_shared>>
      tpu.wait_indirect_dma semaphore(%arg14 : memref<!tpu.dma_semaphore, #tpu.memory_space<semaphore_mem>>) src(%arg6 : memref<128x128xf32, #tpu.memory_space<vmem>>) dst(%dma_wait3A_84 : memref<10240x128xf32, #tpu.memory_space<vmem_shared>>)
      %add3A_85 = arith.constant 2 : i32
      %add3A_86 = arith.addi %add3A_66, %add3A_85 : i32
      %mul3A_87 = arith.constant 80 : i32
      %mul3A_88 = arith.muli %add3A, %mul3A_87 : i32
      %add3A_89 = arith.addi %mul3A_88, %add3A_86 : i32
      %mul3A_90 = arith.constant 128 : i32
      %mul3A_91 = arith.muli %add3A_89, %mul3A_90 : i32
      %dma_start3A_92 = tpu.memref_slice %arg4[%mul3A_91] : memref<327680xi32, #tpu.memory_space<hbm>> -> memref<128xi32, #tpu.memory_space<hbm>>
      %dma_start3A_93 = tpu.memref_slice %arg4[%mul3A_91] : memref<327680xi32, #tpu.memory_space<hbm>> -> memref<128xi32, #tpu.memory_space<hbm>>
      tpu.enqueue_dma source(%dma_start3A_93 : memref<128xi32, #tpu.memory_space<hbm>>) target(%arg10 : memref<128xi32, #tpu.memory_space<vmem>>) target_semaphore(%arg16 : memref<!tpu.dma_semaphore, #tpu.memory_space<semaphore_mem>>)
      %add3A_94 = arith.constant 2 : i32
      %add3A_95 = arith.addi %add3A_66, %add3A_94 : i32
      %mul3A_96 = arith.constant 80 : i32
      %mul3A_97 = arith.muli %add3A, %mul3A_96 : i32
      %add3A_98 = arith.addi %mul3A_97, %add3A_95 : i32
      %mul3A_99 = arith.constant 128 : i32
      %mul3A_100 = arith.muli %add3A_98, %mul3A_99 : i32
      %dma_wait3A_101 = tpu.memref_slice %arg3[%mul3A_100] : memref<327680xi32, #tpu.memory_space<hbm>> -> memref<128xi32, #tpu.memory_space<hbm>>
      %dma_wait3A_102 = tpu.memref_slice %arg3[%mul3A_100] : memref<327680xi32, #tpu.memory_space<hbm>> -> memref<128xi32, #tpu.memory_space<hbm>>
      tpu.wait_dma2 semaphore(%arg16 : memref<!tpu.dma_semaphore, #tpu.memory_space<semaphore_mem>>) src(%dma_wait3A_102 : memref<128xi32, #tpu.memory_space<hbm>>) dst(%arg8 : memref<128xi32, #tpu.memory_space<vmem>>)
      %add3A_103 = arith.constant 2 : i32
      %add3A_104 = arith.addi %add3A_66, %add3A_103 : i32
      %mul3A_105 = arith.constant 80 : i32
      %mul3A_106 = arith.muli %add3A, %mul3A_105 : i32
      %add3A_107 = arith.addi %mul3A_106, %add3A_104 : i32
      %mul3A_108 = arith.constant 128 : i32
      %mul3A_109 = arith.muli %add3A_107, %mul3A_108 : i32
      %dma_wait3A_110 = tpu.memref_slice %arg4[%mul3A_109] : memref<327680xi32, #tpu.memory_space<hbm>> -> memref<128xi32, #tpu.memory_space<hbm>>
      %dma_wait3A_111 = tpu.memref_slice %arg4[%mul3A_109] : memref<327680xi32, #tpu.memory_space<hbm>> -> memref<128xi32, #tpu.memory_space<hbm>>
      tpu.wait_dma2 semaphore(%arg16 : memref<!tpu.dma_semaphore, #tpu.memory_space<semaphore_mem>>) src(%dma_wait3A_111 : memref<128xi32, #tpu.memory_space<hbm>>) dst(%arg10 : memref<128xi32, #tpu.memory_space<vmem>>)
      %dma_start3A_112 = arith.constant 0 : i32
      %dma_start3A_113 = arith.constant 0 : i32
      %dma_start3A_114 = tpu.memref_slice %arg2[%dma_start3A_112, %dma_start3A_113] : memref<10240x128xf32, #tpu.memory_space<hbm>> -> memref<10240x128xf32, #tpu.memory_space<hbm>>
      tpu.enqueue_indirect_dma source(%dma_start3A_114 : memref<10240x128xf32, #tpu.memory_space<hbm>>) target(%arg6 : memref<128x128xf32, #tpu.memory_space<vmem>>) offsets(%arg8 : memref<128xi32, #tpu.memory_space<vmem>>) semaphore(%arg12 : memref<!tpu.dma_semaphore, #tpu.memory_space<semaphore_mem>>)
      %mul3A_115 = arith.constant 2 : i32
      %mul3A_116 = arith.muli %mul3A_115, %add3A_62 : i32
      %add3A_117 = arith.constant 1 : i32
      %add3A_118 = arith.addi %mul3A_116, %add3A_117 : i32
      %dma_wait3A_119 = arith.constant 0 : i32
      %dma_wait3A_120 = arith.constant 0 : i32
      %dma_wait3A_121 = tpu.memref_slice %arg2[%dma_wait3A_119, %dma_wait3A_120] : memref<10240x128xf32, #tpu.memory_space<hbm>> -> memref<10240x128xf32, #tpu.memory_space<hbm>>
      tpu.wait_indirect_dma semaphore(%arg13 : memref<!tpu.dma_semaphore, #tpu.memory_space<semaphore_mem>>) src(%dma_wait3A_121 : memref<10240x128xf32, #tpu.memory_space<hbm>>) dst(%arg7 : memref<128x128xf32, #tpu.memory_space<vmem>>)
      %dma_start3A_122 = arith.constant 0 : i32
      %dma_start3A_123 = arith.constant 0 : i32
      %dma_start3A_124 = tpu.memref_slice %arg18[%dma_start3A_122, %dma_start3A_123] : memref<10240x128xf32, #tpu.memory_space<vmem_shared>> -> memref<10240x128xf32, #tpu.memory_space<vmem_shared>>
      tpu.enqueue_indirect_dma source(%arg7 : memref<128x128xf32, #tpu.memory_space<vmem>>) target(%dma_start3A_124 : memref<10240x128xf32, #tpu.memory_space<vmem_shared>>) offsets(%arg11 : memref<128xi32, #tpu.memory_space<vmem>>) semaphore(%arg15 : memref<!tpu.dma_semaphore, #tpu.memory_space<semaphore_mem>>) {add = true}
      %add3A_125 = arith.constant 2 : i32
      %add3A_126 = arith.addi %add3A_118, %add3A_125 : i32
      %mul3A_127 = arith.constant 80 : i32
      %mul3A_128 = arith.muli %add3A, %mul3A_127 : i32
      %add3A_129 = arith.addi %mul3A_128, %add3A_126 : i32
      %mul3A_130 = arith.constant 128 : i32
      %mul3A_131 = arith.muli %add3A_129, %mul3A_130 : i32
      %dma_start3A_132 = tpu.memref_slice %arg3[%mul3A_131] : memref<327680xi32, #tpu.memory_space<hbm>> -> memref<128xi32, #tpu.memory_space<hbm>>
      %dma_start3A_133 = tpu.memref_slice %arg3[%mul3A_131] : memref<327680xi32, #tpu.memory_space<hbm>> -> memref<128xi32, #tpu.memory_space<hbm>>
      tpu.enqueue_dma source(%dma_start3A_133 : memref<128xi32, #tpu.memory_space<hbm>>) target(%arg9 : memref<128xi32, #tpu.memory_space<vmem>>) target_semaphore(%arg17 : memref<!tpu.dma_semaphore, #tpu.memory_space<semaphore_mem>>)
      %dma_wait3A_134 = arith.constant 0 : i32
      %dma_wait3A_135 = arith.constant 0 : i32
      %dma_wait3A_136 = tpu.memref_slice %arg18[%dma_wait3A_134, %dma_wait3A_135] : memref<10240x128xf32, #tpu.memory_space<vmem_shared>> -> memref<10240x128xf32, #tpu.memory_space<vmem_shared>>
      tpu.wait_indirect_dma semaphore(%arg15 : memref<!tpu.dma_semaphore, #tpu.memory_space<semaphore_mem>>) src(%arg7 : memref<128x128xf32, #tpu.memory_space<vmem>>) dst(%dma_wait3A_136 : memref<10240x128xf32, #tpu.memory_space<vmem_shared>>)
      %add3A_137 = arith.constant 2 : i32
      %add3A_138 = arith.addi %add3A_118, %add3A_137 : i32
      %mul3A_139 = arith.constant 80 : i32
      %mul3A_140 = arith.muli %add3A, %mul3A_139 : i32
      %add3A_141 = arith.addi %mul3A_140, %add3A_138 : i32
      %mul3A_142 = arith.constant 128 : i32
      %mul3A_143 = arith.muli %add3A_141, %mul3A_142 : i32
      %dma_start3A_144 = tpu.memref_slice %arg4[%mul3A_143] : memref<327680xi32, #tpu.memory_space<hbm>> -> memref<128xi32, #tpu.memory_space<hbm>>
      %dma_start3A_145 = tpu.memref_slice %arg4[%mul3A_143] : memref<327680xi32, #tpu.memory_space<hbm>> -> memref<128xi32, #tpu.memory_space<hbm>>
      tpu.enqueue_dma source(%dma_start3A_145 : memref<128xi32, #tpu.memory_space<hbm>>) target(%arg11 : memref<128xi32, #tpu.memory_space<vmem>>) target_semaphore(%arg17 : memref<!tpu.dma_semaphore, #tpu.memory_space<semaphore_mem>>)
      %add3A_146 = arith.constant 2 : i32
      %add3A_147 = arith.addi %add3A_118, %add3A_146 : i32
      %mul3A_148 = arith.constant 80 : i32
      %mul3A_149 = arith.muli %add3A, %mul3A_148 : i32
      %add3A_150 = arith.addi %mul3A_149, %add3A_147 : i32
      %mul3A_151 = arith.constant 128 : i32
      %mul3A_152 = arith.muli %add3A_150, %mul3A_151 : i32
      %dma_wait3A_153 = tpu.memref_slice %arg3[%mul3A_152] : memref<327680xi32, #tpu.memory_space<hbm>> -> memref<128xi32, #tpu.memory_space<hbm>>
      %dma_wait3A_154 = tpu.memref_slice %arg3[%mul3A_152] : memref<327680xi32, #tpu.memory_space<hbm>> -> memref<128xi32, #tpu.memory_space<hbm>>
      tpu.wait_dma2 semaphore(%arg17 : memref<!tpu.dma_semaphore, #tpu.memory_space<semaphore_mem>>) src(%dma_wait3A_154 : memref<128xi32, #tpu.memory_space<hbm>>) dst(%arg9 : memref<128xi32, #tpu.memory_space<vmem>>)
      %add3A_155 = arith.constant 2 : i32
      %add3A_156 = arith.addi %add3A_118, %add3A_155 : i32
      %mul3A_157 = arith.constant 80 : i32
      %mul3A_158 = arith.muli %add3A, %mul3A_157 : i32
      %add3A_159 = arith.addi %mul3A_158, %add3A_156 : i32
      %mul3A_160 = arith.constant 128 : i32
      %mul3A_161 = arith.muli %add3A_159, %mul3A_160 : i32
      %dma_wait3A_162 = tpu.memref_slice %arg4[%mul3A_161] : memref<327680xi32, #tpu.memory_space<hbm>> -> memref<128xi32, #tpu.memory_space<hbm>>
      %dma_wait3A_163 = tpu.memref_slice %arg4[%mul3A_161] : memref<327680xi32, #tpu.memory_space<hbm>> -> memref<128xi32, #tpu.memory_space<hbm>>
      tpu.wait_dma2 semaphore(%arg17 : memref<!tpu.dma_semaphore, #tpu.memory_space<semaphore_mem>>) src(%dma_wait3A_163 : memref<128xi32, #tpu.memory_space<hbm>>) dst(%arg11 : memref<128xi32, #tpu.memory_space<vmem>>)
      %dma_start3A_164 = arith.constant 0 : i32
      %dma_start3A_165 = arith.constant 0 : i32
      %dma_start3A_166 = tpu.memref_slice %arg2[%dma_start3A_164, %dma_start3A_165] : memref<10240x128xf32, #tpu.memory_space<hbm>> -> memref<10240x128xf32, #tpu.memory_space<hbm>>
      tpu.enqueue_indirect_dma source(%dma_start3A_166 : memref<10240x128xf32, #tpu.memory_space<hbm>>) target(%arg7 : memref<128x128xf32, #tpu.memory_space<vmem>>) offsets(%arg9 : memref<128xi32, #tpu.memory_space<vmem>>) semaphore(%arg13 : memref<!tpu.dma_semaphore, #tpu.memory_space<semaphore_mem>>)
    }
    %scan3A_47 = arith.constant 39 : i32
    %dma_wait3A = arith.constant 0 : i32
    %dma_wait3A_48 = arith.constant 0 : i32
    %dma_wait3A_49 = tpu.memref_slice %arg2[%dma_wait3A, %dma_wait3A_48] : memref<10240x128xf32, #tpu.memory_space<hbm>> -> memref<10240x128xf32, #tpu.memory_space<hbm>>
    tpu.wait_indirect_dma semaphore(%arg12 : memref<!tpu.dma_semaphore, #tpu.memory_space<semaphore_mem>>) src(%dma_wait3A_49 : memref<10240x128xf32, #tpu.memory_space<hbm>>) dst(%arg6 : memref<128x128xf32, #tpu.memory_space<vmem>>)
    "tpu.region"() ({
      %run_scoped3A = tpu.sem_alloc : memref<!tpu.dma_semaphore, #tpu.memory_space<semaphore_mem>>
      %dma_start3A_58 = arith.constant 0 : i32
      %dma_start3A_59 = arith.constant 0 : i32
      %dma_start3A_60 = tpu.memref_slice %arg18[%dma_start3A_58, %dma_start3A_59] : memref<10240x128xf32, #tpu.memory_space<vmem_shared>> -> memref<10240x128xf32, #tpu.memory_space<vmem_shared>>
      tpu.enqueue_indirect_dma source(%arg6 : memref<128x128xf32, #tpu.memory_space<vmem>>) target(%dma_start3A_60 : memref<10240x128xf32, #tpu.memory_space<vmem_shared>>) offsets(%arg10 : memref<128xi32, #tpu.memory_space<vmem>>) semaphore(%run_scoped3A : memref<!tpu.dma_semaphore, #tpu.memory_space<semaphore_mem>>) {add = true}
      %dma_wait3A_61 = arith.constant 0 : i32
      %dma_wait3A_62 = arith.constant 0 : i32
      %dma_wait3A_63 = tpu.memref_slice %arg18[%dma_wait3A_61, %dma_wait3A_62] : memref<10240x128xf32, #tpu.memory_space<vmem_shared>> -> memref<10240x128xf32, #tpu.memory_space<vmem_shared>>
      tpu.wait_indirect_dma semaphore(%run_scoped3A : memref<!tpu.dma_semaphore, #tpu.memory_space<semaphore_mem>>) src(%arg6 : memref<128x128xf32, #tpu.memory_space<vmem>>) dst(%dma_wait3A_63 : memref<10240x128xf32, #tpu.memory_space<vmem_shared>>)
      tpu.yield
    }) : () -> ()
    %dma_wait3A_50 = arith.constant 0 : i32
    %dma_wait3A_51 = arith.constant 0 : i32
    %dma_wait3A_52 = tpu.memref_slice %arg2[%dma_wait3A_50, %dma_wait3A_51] : memref<10240x128xf32, #tpu.memory_space<hbm>> -> memref<10240x128xf32, #tpu.memory_space<hbm>>
    tpu.wait_indirect_dma semaphore(%arg13 : memref<!tpu.dma_semaphore, #tpu.memory_space<semaphore_mem>>) src(%dma_wait3A_52 : memref<10240x128xf32, #tpu.memory_space<hbm>>) dst(%arg7 : memref<128x128xf32, #tpu.memory_space<vmem>>)
    "tpu.region"() ({
      %run_scoped3A = tpu.sem_alloc : memref<!tpu.dma_semaphore, #tpu.memory_space<semaphore_mem>>
      %dma_start3A_58 = arith.constant 0 : i32
      %dma_start3A_59 = arith.constant 0 : i32
      %dma_start3A_60 = tpu.memref_slice %arg18[%dma_start3A_58, %dma_start3A_59] : memref<10240x128xf32, #tpu.memory_space<vmem_shared>> -> memref<10240x128xf32, #tpu.memory_space<vmem_shared>>
      tpu.enqueue_indirect_dma source(%arg7 : memref<128x128xf32, #tpu.memory_space<vmem>>) target(%dma_start3A_60 : memref<10240x128xf32, #tpu.memory_space<vmem_shared>>) offsets(%arg11 : memref<128xi32, #tpu.memory_space<vmem>>) semaphore(%run_scoped3A : memref<!tpu.dma_semaphore, #tpu.memory_space<semaphore_mem>>) {add = true}
      %dma_wait3A_61 = arith.constant 0 : i32
      %dma_wait3A_62 = arith.constant 0 : i32
      %dma_wait3A_63 = tpu.memref_slice %arg18[%dma_wait3A_61, %dma_wait3A_62] : memref<10240x128xf32, #tpu.memory_space<vmem_shared>> -> memref<10240x128xf32, #tpu.memory_space<vmem_shared>>
      tpu.wait_indirect_dma semaphore(%run_scoped3A : memref<!tpu.dma_semaphore, #tpu.memory_space<semaphore_mem>>) src(%arg7 : memref<128x128xf32, #tpu.memory_space<vmem>>) dst(%dma_wait3A_63 : memref<10240x128xf32, #tpu.memory_space<vmem_shared>>)
      tpu.yield
    }) : () -> ()
    %barrier3A_53 = arith.constant 0 : index
    tpu.barrier barrier_id(%barrier3A_53)
    %mul3A_54 = arith.constant 640 : i32
    %mul3A_55 = arith.muli %arg1, %mul3A_54 : i32
    %mul3A_56 = arith.constant 640 : i32
    %mul3A_57 = arith.muli %arg1, %mul3A_56 : i32
    "tpu.region"() ({
      %run_scoped3A = tpu.sem_alloc : memref<!tpu.dma_semaphore, #tpu.memory_space<semaphore_mem>>
      %dma_start3A_58 = arith.constant 0 : i32
      %dma_start3A_59 = tpu.memref_slice %arg5[%arg0, %mul3A_57, %dma_start3A_58] : memref<2x10240x128xf32, #tpu.memory_space<hbm>> -> memref<1x640x128xf32, #tpu.memory_space<hbm>>
      %dma_start3A_60 = tpu.memref_squeeze %dma_start3A_59 : memref<1x640x128xf32, #tpu.memory_space<hbm>> -> memref<640x128xf32, #tpu.memory_space<hbm>>
      %dma_start3A_61 = arith.constant 0 : i32
      %dma_start3A_62 = tpu.memref_slice %arg18[%mul3A_55, %dma_start3A_61] : memref<10240x128xf32, #tpu.memory_space<vmem_shared>> -> memref<640x128xf32, #tpu.memory_space<vmem_shared>>
      tpu.enqueue_dma source(%dma_start3A_62 : memref<640x128xf32, #tpu.memory_space<vmem_shared>>) target(%dma_start3A_60 : memref<640x128xf32, #tpu.memory_space<hbm>>) target_semaphore(%run_scoped3A : memref<!tpu.dma_semaphore, #tpu.memory_space<semaphore_mem>>)
      %dma_wait3A_63 = arith.constant 0 : i32
      %dma_wait3A_64 = tpu.memref_slice %arg5[%arg0, %mul3A_57, %dma_wait3A_63] : memref<2x10240x128xf32, #tpu.memory_space<hbm>> -> memref<1x640x128xf32, #tpu.memory_space<hbm>>
      %dma_wait3A_65 = tpu.memref_squeeze %dma_wait3A_64 : memref<1x640x128xf32, #tpu.memory_space<hbm>> -> memref<640x128xf32, #tpu.memory_space<hbm>>
      %dma_wait3A_66 = arith.constant 0 : i32
      %dma_wait3A_67 = tpu.memref_slice %arg18[%mul3A_55, %dma_wait3A_66] : memref<10240x128xf32, #tpu.memory_space<vmem_shared>> -> memref<640x128xf32, #tpu.memory_space<vmem_shared>>
      tpu.wait_dma2 semaphore(%run_scoped3A : memref<!tpu.dma_semaphore, #tpu.memory_space<semaphore_mem>>) src(%dma_wait3A_67 : memref<640x128xf32, #tpu.memory_space<vmem_shared>>) dst(%dma_wait3A_65 : memref<640x128xf32, #tpu.memory_space<hbm>>)
      tpu.yield
    }) : () -> ()
    return
  }
}

#map = affine_map<(d0, d1) -> (0)>
#map1 = affine_map<(d0, d1) -> (0, 0, 0)>
module attributes {stable_mosaic.version = 14 : i64} {
  func.func @_sc_deg_body(%arg0: i32, %arg1: i32, %arg2: memref<327680xi32, #tpu.memory_space<hbm>>, %arg3: memref<2x10240x128xf32, #tpu.memory_space<hbm>>, %arg4: memref<128xi32, #tpu.memory_space<vmem>>, %arg5: memref<128xi32, #tpu.memory_space<vmem>>, %arg6: memref<128x128xf32, #tpu.memory_space<vmem>>, %arg7: memref<!tpu.dma_semaphore, #tpu.memory_space<semaphore_mem>>, %arg8: memref<!tpu.dma_semaphore, #tpu.memory_space<semaphore_mem>>, %arg9: memref<10240x128xf32, #tpu.memory_space<vmem_shared>>) attributes {dimension_semantics = [#tpu.dimension_semantics<core_parallel>, #tpu.dimension_semantics<subcore_parallel>], iteration_bounds = array<i64: 2, 16>, scalar_prefetch = 0 : i64, scratch_operands = 6 : i64, tpu.core_type = #tpu.core_type<sc_vector_subcore>, window_params = [{transform_indices = #map}, {transform_indices = #map1}]} {
    %mul3A = arith.constant 16 : i32
    %mul3A_0 = arith.muli %arg0, %mul3A : i32
    %add3A = arith.addi %mul3A_0, %arg1 : i32
    %scan3A = arith.constant 0 : i32
    %scan3A_1 = arith.constant 0 : i32
    %scan3A_2 = arith.constant 1024 : i32
    %scan3A_3 = arith.addi %scan3A_1, %scan3A_2 : i32
    %scan3A_4 = arith.constant 1 : i32
    %scan3A_5 = scf.for %scan3A_53 = %scan3A_1 to %scan3A_3 step %scan3A_4 iter_args(%scan3A_54 = %scan3A) -> (i32)  : i32 {
      %broadcast_in_dim3A = arith.constant 0.000000e+00 : f32
      %broadcast_in_dim3A_55 = vector.broadcast %broadcast_in_dim3A : f32 to vector<16xf32>
      %jit3A = arith.constant 8 : i32
      %div3A = arith.divsi %scan3A_53, %jit3A : i32
      %sign3A = arith.constant 0 : i32
      %sign3A_56 = arith.cmpi sgt, %scan3A_53, %sign3A : i32
      %sign3A_57 = arith.extui %sign3A_56 : i1 to i32
      %sign3A_58 = arith.constant 0 : i32
      %sign3A_59 = arith.cmpi slt, %scan3A_53, %sign3A_58 : i32
      %sign3A_60 = arith.extui %sign3A_59 : i1 to i32
      %sign3A_61 = arith.subi %sign3A_57, %sign3A_60 : i32
      %sign3A_62 = arith.constant 0 : i32
      %sign3A_63 = arith.cmpi sgt, %jit3A, %sign3A_62 : i32
      %sign3A_64 = arith.extui %sign3A_63 : i1 to i32
      %sign3A_65 = arith.constant 0 : i32
      %sign3A_66 = arith.cmpi slt, %jit3A, %sign3A_65 : i32
      %sign3A_67 = arith.extui %sign3A_66 : i1 to i32
      %sign3A_68 = arith.subi %sign3A_64, %sign3A_67 : i32
      %ne3A = arith.cmpi ne, %sign3A_61, %sign3A_68 : i32
      %rem3A = arith.remsi %scan3A_53, %jit3A : i32
      %ne3A_69 = arith.constant 0 : i32
      %ne3A_70 = arith.cmpi ne, %rem3A, %ne3A_69 : i32
      %and3A = arith.andi %ne3A, %ne3A_70 : i1
      %sub3A = arith.constant 1 : i32
      %sub3A_71 = arith.subi %div3A, %sub3A : i32
      %select_n3A = arith.select %and3A, %sub3A_71, %div3A : i32
      %jit3A_72 = arith.constant 8 : i32
      %eq3A = arith.constant 0 : i32
      %eq3A_73 = arith.cmpi eq, %jit3A_72, %eq3A : i32
      %jit3A_74 = arith.constant 1 : i32
      %select_n3A_75 = arith.select %eq3A_73, %jit3A_74, %jit3A_72 : i32
      %rem3A_76 = arith.remsi %scan3A_53, %select_n3A_75 : i32
      %ne3A_77 = arith.constant 0 : i32
      %ne3A_78 = arith.cmpi ne, %rem3A_76, %ne3A_77 : i32
      %lt3A = arith.constant 0 : i32
      %lt3A_79 = arith.cmpi slt, %rem3A_76, %lt3A : i32
      %lt3A_80 = arith.constant 0 : i32
      %lt3A_81 = arith.cmpi slt, %select_n3A_75, %lt3A_80 : i32
      %ne3A_82 = arith.xori %lt3A_79, %lt3A_81 : i1
      %and3A_83 = arith.andi %ne3A_82, %ne3A_78 : i1
      %add3A_84 = arith.addi %rem3A_76, %select_n3A_75 : i32
      %select_n3A_85 = arith.select %and3A_83, %add3A_84, %rem3A_76 : i32
      %mul3A_86 = arith.constant 16 : i32
      %mul3A_87 = arith.muli %select_n3A_85, %mul3A_86 : i32
      %swap3A = arith.index_cast %select_n3A : i32 to index
      %swap3A_88 = arith.index_cast %mul3A_87 : i32 to index
      %swap3A_89 = tpu.vector_load %arg6[%swap3A, %swap3A_88] {strides = array<i32>} : memref<128x128xf32, #tpu.memory_space<vmem>>, vector<16xf32>,
      tpu.vector_store %arg6[%swap3A, %swap3A_88], %broadcast_in_dim3A_55 {strides = array<i32>} : memref<128x128xf32, #tpu.memory_space<vmem>>, vector<16xf32>,
      %scan3A_90 = arith.constant 0 : i32
      scf.yield %scan3A_90 : i32
    }
    %scan3A_6 = arith.constant 1024 : i32
    %scan3A_7 = arith.constant 0 : i32
    %scan3A_8 = arith.constant 0 : i32
    %scan3A_9 = arith.constant 5 : i32
    %scan3A_10 = arith.addi %scan3A_8, %scan3A_9 : i32
    %scan3A_11 = arith.constant 1 : i32
    %scan3A_12 = scf.for %scan3A_53 = %scan3A_8 to %scan3A_10 step %scan3A_11 iter_args(%scan3A_54 = %scan3A_7) -> (i32)  : i32 {
      %mul3A_55 = arith.constant 640 : i32
      %mul3A_56 = arith.muli %arg1, %mul3A_55 : i32
      %mul3A_57 = arith.constant 128 : i32
      %mul3A_58 = arith.muli %scan3A_53, %mul3A_57 : i32
      %add3A_59 = arith.addi %mul3A_56, %mul3A_58 : i32
      "tpu.region"() ({
        %run_scoped3A = tpu.sem_alloc : memref<!tpu.dma_semaphore, #tpu.memory_space<semaphore_mem>>
        %dma_start3A_61 = arith.constant 0 : i32
        %dma_start3A_62 = tpu.memref_slice %arg9[%add3A_59, %dma_start3A_61] : memref<10240x128xf32, #tpu.memory_space<vmem_shared>> -> memref<128x128xf32, #tpu.memory_space<vmem_shared>>
        %dma_start3A_63 = arith.constant 0 : i32
        %dma_start3A_64 = tpu.memref_slice %arg9[%add3A_59, %dma_start3A_63] : memref<10240x128xf32, #tpu.memory_space<vmem_shared>> -> memref<128x128xf32, #tpu.memory_space<vmem_shared>>
        tpu.enqueue_dma source(%arg6 : memref<128x128xf32, #tpu.memory_space<vmem>>) target(%dma_start3A_64 : memref<128x128xf32, #tpu.memory_space<vmem_shared>>) target_semaphore(%run_scoped3A : memref<!tpu.dma_semaphore, #tpu.memory_space<semaphore_mem>>)
        %dma_wait3A_65 = arith.constant 0 : i32
        %dma_wait3A_66 = tpu.memref_slice %arg9[%add3A_59, %dma_wait3A_65] : memref<10240x128xf32, #tpu.memory_space<vmem_shared>> -> memref<128x128xf32, #tpu.memory_space<vmem_shared>>
        %dma_wait3A_67 = arith.constant 0 : i32
        %dma_wait3A_68 = tpu.memref_slice %arg9[%add3A_59, %dma_wait3A_67] : memref<10240x128xf32, #tpu.memory_space<vmem_shared>> -> memref<128x128xf32, #tpu.memory_space<vmem_shared>>
        tpu.wait_dma2 semaphore(%run_scoped3A : memref<!tpu.dma_semaphore, #tpu.memory_space<semaphore_mem>>) src(%arg6 : memref<128x128xf32, #tpu.memory_space<vmem>>) dst(%dma_wait3A_68 : memref<128x128xf32, #tpu.memory_space<vmem_shared>>)
        tpu.yield
      }) : () -> ()
      %scan3A_60 = arith.constant 0 : i32
      scf.yield %scan3A_60 : i32
    }
    %scan3A_13 = arith.constant 5 : i32
    %scan3A_14 = arith.constant 0 : i32
    %scan3A_15 = arith.constant 0 : i32
    %scan3A_16 = arith.constant 1024 : i32
    %scan3A_17 = arith.addi %scan3A_15, %scan3A_16 : i32
    %scan3A_18 = arith.constant 1 : i32
    %scan3A_19 = scf.for %scan3A_53 = %scan3A_15 to %scan3A_17 step %scan3A_18 iter_args(%scan3A_54 = %scan3A_14) -> (i32)  : i32 {
      %broadcast_in_dim3A = arith.constant 1.000000e+00 : f32
      %broadcast_in_dim3A_55 = vector.broadcast %broadcast_in_dim3A : f32 to vector<16xf32>
      %jit3A = arith.constant 8 : i32
      %div3A = arith.divsi %scan3A_53, %jit3A : i32
      %sign3A = arith.constant 0 : i32
      %sign3A_56 = arith.cmpi sgt, %scan3A_53, %sign3A : i32
      %sign3A_57 = arith.extui %sign3A_56 : i1 to i32
      %sign3A_58 = arith.constant 0 : i32
      %sign3A_59 = arith.cmpi slt, %scan3A_53, %sign3A_58 : i32
      %sign3A_60 = arith.extui %sign3A_59 : i1 to i32
      %sign3A_61 = arith.subi %sign3A_57, %sign3A_60 : i32
      %sign3A_62 = arith.constant 0 : i32
      %sign3A_63 = arith.cmpi sgt, %jit3A, %sign3A_62 : i32
      %sign3A_64 = arith.extui %sign3A_63 : i1 to i32
      %sign3A_65 = arith.constant 0 : i32
      %sign3A_66 = arith.cmpi slt, %jit3A, %sign3A_65 : i32
      %sign3A_67 = arith.extui %sign3A_66 : i1 to i32
      %sign3A_68 = arith.subi %sign3A_64, %sign3A_67 : i32
      %ne3A = arith.cmpi ne, %sign3A_61, %sign3A_68 : i32
      %rem3A = arith.remsi %scan3A_53, %jit3A : i32
      %ne3A_69 = arith.constant 0 : i32
      %ne3A_70 = arith.cmpi ne, %rem3A, %ne3A_69 : i32
      %and3A = arith.andi %ne3A, %ne3A_70 : i1
      %sub3A = arith.constant 1 : i32
      %sub3A_71 = arith.subi %div3A, %sub3A : i32
      %select_n3A = arith.select %and3A, %sub3A_71, %div3A : i32
      %jit3A_72 = arith.constant 8 : i32
      %eq3A = arith.constant 0 : i32
      %eq3A_73 = arith.cmpi eq, %jit3A_72, %eq3A : i32
      %jit3A_74 = arith.constant 1 : i32
      %select_n3A_75 = arith.select %eq3A_73, %jit3A_74, %jit3A_72 : i32
      %rem3A_76 = arith.remsi %scan3A_53, %select_n3A_75 : i32
      %ne3A_77 = arith.constant 0 : i32
      %ne3A_78 = arith.cmpi ne, %rem3A_76, %ne3A_77 : i32
      %lt3A = arith.constant 0 : i32
      %lt3A_79 = arith.cmpi slt, %rem3A_76, %lt3A : i32
      %lt3A_80 = arith.constant 0 : i32
      %lt3A_81 = arith.cmpi slt, %select_n3A_75, %lt3A_80 : i32
      %ne3A_82 = arith.xori %lt3A_79, %lt3A_81 : i1
      %and3A_83 = arith.andi %ne3A_82, %ne3A_78 : i1
      %add3A_84 = arith.addi %rem3A_76, %select_n3A_75 : i32
      %select_n3A_85 = arith.select %and3A_83, %add3A_84, %rem3A_76 : i32
      %mul3A_86 = arith.constant 16 : i32
      %mul3A_87 = arith.muli %select_n3A_85, %mul3A_86 : i32
      %swap3A = arith.index_cast %select_n3A : i32 to index
      %swap3A_88 = arith.index_cast %mul3A_87 : i32 to index
      %swap3A_89 = tpu.vector_load %arg6[%swap3A, %swap3A_88] {strides = array<i32>} : memref<128x128xf32, #tpu.memory_space<vmem>>, vector<16xf32>,
      tpu.vector_store %arg6[%swap3A, %swap3A_88], %broadcast_in_dim3A_55 {strides = array<i32>} : memref<128x128xf32, #tpu.memory_space<vmem>>, vector<16xf32>,
      %scan3A_90 = arith.constant 0 : i32
      scf.yield %scan3A_90 : i32
    }
    %scan3A_20 = arith.constant 1024 : i32
    %barrier3A = arith.constant 0 : index
    tpu.barrier barrier_id(%barrier3A)
    %mul3A_21 = arith.constant 80 : i32
    %mul3A_22 = arith.muli %add3A, %mul3A_21 : i32
    %add3A_23 = arith.constant 0 : i32
    %add3A_24 = arith.addi %mul3A_22, %add3A_23 : i32
    %mul3A_25 = arith.constant 128 : i32
    %mul3A_26 = arith.muli %add3A_24, %mul3A_25 : i32
    "tpu.region"() ({
      %run_scoped3A = tpu.sem_alloc : memref<!tpu.dma_semaphore, #tpu.memory_space<semaphore_mem>>
      %dma_start3A_53 = tpu.memref_slice %arg2[%mul3A_26] : memref<327680xi32, #tpu.memory_space<hbm>> -> memref<128xi32, #tpu.memory_space<hbm>>
      %dma_start3A_54 = tpu.memref_slice %arg2[%mul3A_26] : memref<327680xi32, #tpu.memory_space<hbm>> -> memref<128xi32, #tpu.memory_space<hbm>>
      tpu.enqueue_dma source(%dma_start3A_54 : memref<128xi32, #tpu.memory_space<hbm>>) target(%arg4 : memref<128xi32, #tpu.memory_space<vmem>>) target_semaphore(%run_scoped3A : memref<!tpu.dma_semaphore, #tpu.memory_space<semaphore_mem>>)
      %dma_wait3A_55 = tpu.memref_slice %arg2[%mul3A_26] : memref<327680xi32, #tpu.memory_space<hbm>> -> memref<128xi32, #tpu.memory_space<hbm>>
      %dma_wait3A_56 = tpu.memref_slice %arg2[%mul3A_26] : memref<327680xi32, #tpu.memory_space<hbm>> -> memref<128xi32, #tpu.memory_space<hbm>>
      tpu.wait_dma2 semaphore(%run_scoped3A : memref<!tpu.dma_semaphore, #tpu.memory_space<semaphore_mem>>) src(%dma_wait3A_56 : memref<128xi32, #tpu.memory_space<hbm>>) dst(%arg4 : memref<128xi32, #tpu.memory_space<vmem>>)
      tpu.yield
    }) : () -> ()
    %dma_start3A = arith.constant 0 : i32
    %dma_start3A_27 = arith.constant 0 : i32
    %dma_start3A_28 = tpu.memref_slice %arg9[%dma_start3A, %dma_start3A_27] : memref<10240x128xf32, #tpu.memory_space<vmem_shared>> -> memref<10240x128xf32, #tpu.memory_space<vmem_shared>>
    tpu.enqueue_indirect_dma source(%arg6 : memref<128x128xf32, #tpu.memory_space<vmem>>) target(%dma_start3A_28 : memref<10240x128xf32, #tpu.memory_space<vmem_shared>>) offsets(%arg4 : memref<128xi32, #tpu.memory_space<vmem>>) semaphore(%arg7 : memref<!tpu.dma_semaphore, #tpu.memory_space<semaphore_mem>>) {add = true}
    %mul3A_29 = arith.constant 80 : i32
    %mul3A_30 = arith.muli %add3A, %mul3A_29 : i32
    %add3A_31 = arith.constant 1 : i32
    %add3A_32 = arith.addi %mul3A_30, %add3A_31 : i32
    %mul3A_33 = arith.constant 128 : i32
    %mul3A_34 = arith.muli %add3A_32, %mul3A_33 : i32
    "tpu.region"() ({
      %run_scoped3A = tpu.sem_alloc : memref<!tpu.dma_semaphore, #tpu.memory_space<semaphore_mem>>
      %dma_start3A_53 = tpu.memref_slice %arg2[%mul3A_34] : memref<327680xi32, #tpu.memory_space<hbm>> -> memref<128xi32, #tpu.memory_space<hbm>>
      %dma_start3A_54 = tpu.memref_slice %arg2[%mul3A_34] : memref<327680xi32, #tpu.memory_space<hbm>> -> memref<128xi32, #tpu.memory_space<hbm>>
      tpu.enqueue_dma source(%dma_start3A_54 : memref<128xi32, #tpu.memory_space<hbm>>) target(%arg5 : memref<128xi32, #tpu.memory_space<vmem>>) target_semaphore(%run_scoped3A : memref<!tpu.dma_semaphore, #tpu.memory_space<semaphore_mem>>)
      %dma_wait3A_55 = tpu.memref_slice %arg2[%mul3A_34] : memref<327680xi32, #tpu.memory_space<hbm>> -> memref<128xi32, #tpu.memory_space<hbm>>
      %dma_wait3A_56 = tpu.memref_slice %arg2[%mul3A_34] : memref<327680xi32, #tpu.memory_space<hbm>> -> memref<128xi32, #tpu.memory_space<hbm>>
      tpu.wait_dma2 semaphore(%run_scoped3A : memref<!tpu.dma_semaphore, #tpu.memory_space<semaphore_mem>>) src(%dma_wait3A_56 : memref<128xi32, #tpu.memory_space<hbm>>) dst(%arg5 : memref<128xi32, #tpu.memory_space<vmem>>)
      tpu.yield
    }) : () -> ()
    %dma_start3A_35 = arith.constant 0 : i32
    %dma_start3A_36 = arith.constant 0 : i32
    %dma_start3A_37 = tpu.memref_slice %arg9[%dma_start3A_35, %dma_start3A_36] : memref<10240x128xf32, #tpu.memory_space<vmem_shared>> -> memref<10240x128xf32, #tpu.memory_space<vmem_shared>>
    tpu.enqueue_indirect_dma source(%arg6 : memref<128x128xf32, #tpu.memory_space<vmem>>) target(%dma_start3A_37 : memref<10240x128xf32, #tpu.memory_space<vmem_shared>>) offsets(%arg5 : memref<128xi32, #tpu.memory_space<vmem>>) semaphore(%arg8 : memref<!tpu.dma_semaphore, #tpu.memory_space<semaphore_mem>>) {add = true}
    %scan3A_38 = arith.constant 0 : i32
    %scan3A_39 = arith.constant 39 : i32
    %scan3A_40 = arith.addi %scan3A_38, %scan3A_39 : i32
    %scan3A_41 = arith.constant 1 : i32
    scf.for %scan3A_53 = %scan3A_38 to %scan3A_40 step %scan3A_41  : i32 {
      %mul3A_54 = arith.constant 1 : i32
      %mul3A_55 = arith.muli %scan3A_53, %mul3A_54 : i32
      %add3A_56 = arith.constant 1 : i32
      %add3A_57 = arith.addi %add3A_56, %mul3A_55 : i32
      %mul3A_58 = arith.constant 2 : i32
      %mul3A_59 = arith.muli %mul3A_58, %add3A_57 : i32
      %add3A_60 = arith.constant 0 : i32
      %add3A_61 = arith.addi %mul3A_59, %add3A_60 : i32
      %dma_wait3A_62 = arith.constant 0 : i32
      %dma_wait3A_63 = arith.constant 0 : i32
      %dma_wait3A_64 = tpu.memref_slice %arg9[%dma_wait3A_62, %dma_wait3A_63] : memref<10240x128xf32, #tpu.memory_space<vmem_shared>> -> memref<10240x128xf32, #tpu.memory_space<vmem_shared>>
      tpu.wait_indirect_dma semaphore(%arg7 : memref<!tpu.dma_semaphore, #tpu.memory_space<semaphore_mem>>) src(%arg6 : memref<128x128xf32, #tpu.memory_space<vmem>>) dst(%dma_wait3A_64 : memref<10240x128xf32, #tpu.memory_space<vmem_shared>>)
      %mul3A_65 = arith.constant 80 : i32
      %mul3A_66 = arith.muli %add3A, %mul3A_65 : i32
      %add3A_67 = arith.addi %mul3A_66, %add3A_61 : i32
      %mul3A_68 = arith.constant 128 : i32
      %mul3A_69 = arith.muli %add3A_67, %mul3A_68 : i32
      "tpu.region"() ({
        %run_scoped3A = tpu.sem_alloc : memref<!tpu.dma_semaphore, #tpu.memory_space<semaphore_mem>>
        %dma_start3A_88 = tpu.memref_slice %arg2[%mul3A_69] : memref<327680xi32, #tpu.memory_space<hbm>> -> memref<128xi32, #tpu.memory_space<hbm>>
        %dma_start3A_89 = tpu.memref_slice %arg2[%mul3A_69] : memref<327680xi32, #tpu.memory_space<hbm>> -> memref<128xi32, #tpu.memory_space<hbm>>
        tpu.enqueue_dma source(%dma_start3A_89 : memref<128xi32, #tpu.memory_space<hbm>>) target(%arg4 : memref<128xi32, #tpu.memory_space<vmem>>) target_semaphore(%run_scoped3A : memref<!tpu.dma_semaphore, #tpu.memory_space<semaphore_mem>>)
        %dma_wait3A_90 = tpu.memref_slice %arg2[%mul3A_69] : memref<327680xi32, #tpu.memory_space<hbm>> -> memref<128xi32, #tpu.memory_space<hbm>>
        %dma_wait3A_91 = tpu.memref_slice %arg2[%mul3A_69] : memref<327680xi32, #tpu.memory_space<hbm>> -> memref<128xi32, #tpu.memory_space<hbm>>
        tpu.wait_dma2 semaphore(%run_scoped3A : memref<!tpu.dma_semaphore, #tpu.memory_space<semaphore_mem>>) src(%dma_wait3A_91 : memref<128xi32, #tpu.memory_space<hbm>>) dst(%arg4 : memref<128xi32, #tpu.memory_space<vmem>>)
        tpu.yield
      }) : () -> ()
      %dma_start3A_70 = arith.constant 0 : i32
      %dma_start3A_71 = arith.constant 0 : i32
      %dma_start3A_72 = tpu.memref_slice %arg9[%dma_start3A_70, %dma_start3A_71] : memref<10240x128xf32, #tpu.memory_space<vmem_shared>> -> memref<10240x128xf32, #tpu.memory_space<vmem_shared>>
      tpu.enqueue_indirect_dma source(%arg6 : memref<128x128xf32, #tpu.memory_space<vmem>>) target(%dma_start3A_72 : memref<10240x128xf32, #tpu.memory_space<vmem_shared>>) offsets(%arg4 : memref<128xi32, #tpu.memory_space<vmem>>) semaphore(%arg7 : memref<!tpu.dma_semaphore, #tpu.memory_space<semaphore_mem>>) {add = true}
      %mul3A_73 = arith.constant 2 : i32
      %mul3A_74 = arith.muli %mul3A_73, %add3A_57 : i32
      %add3A_75 = arith.constant 1 : i32
      %add3A_76 = arith.addi %mul3A_74, %add3A_75 : i32
      %dma_wait3A_77 = arith.constant 0 : i32
      %dma_wait3A_78 = arith.constant 0 : i32
      %dma_wait3A_79 = tpu.memref_slice %arg9[%dma_wait3A_77, %dma_wait3A_78] : memref<10240x128xf32, #tpu.memory_space<vmem_shared>> -> memref<10240x128xf32, #tpu.memory_space<vmem_shared>>
      tpu.wait_indirect_dma semaphore(%arg8 : memref<!tpu.dma_semaphore, #tpu.memory_space<semaphore_mem>>) src(%arg6 : memref<128x128xf32, #tpu.memory_space<vmem>>) dst(%dma_wait3A_79 : memref<10240x128xf32, #tpu.memory_space<vmem_shared>>)
      %mul3A_80 = arith.constant 80 : i32
      %mul3A_81 = arith.muli %add3A, %mul3A_80 : i32
      %add3A_82 = arith.addi %mul3A_81, %add3A_76 : i32
      %mul3A_83 = arith.constant 128 : i32
      %mul3A_84 = arith.muli %add3A_82, %mul3A_83 : i32
      "tpu.region"() ({
        %run_scoped3A = tpu.sem_alloc : memref<!tpu.dma_semaphore, #tpu.memory_space<semaphore_mem>>
        %dma_start3A_88 = tpu.memref_slice %arg2[%mul3A_84] : memref<327680xi32, #tpu.memory_space<hbm>> -> memref<128xi32, #tpu.memory_space<hbm>>
        %dma_start3A_89 = tpu.memref_slice %arg2[%mul3A_84] : memref<327680xi32, #tpu.memory_space<hbm>> -> memref<128xi32, #tpu.memory_space<hbm>>
        tpu.enqueue_dma source(%dma_start3A_89 : memref<128xi32, #tpu.memory_space<hbm>>) target(%arg5 : memref<128xi32, #tpu.memory_space<vmem>>) target_semaphore(%run_scoped3A : memref<!tpu.dma_semaphore, #tpu.memory_space<semaphore_mem>>)
        %dma_wait3A_90 = tpu.memref_slice %arg2[%mul3A_84] : memref<327680xi32, #tpu.memory_space<hbm>> -> memref<128xi32, #tpu.memory_space<hbm>>
        %dma_wait3A_91 = tpu.memref_slice %arg2[%mul3A_84] : memref<327680xi32, #tpu.memory_space<hbm>> -> memref<128xi32, #tpu.memory_space<hbm>>
        tpu.wait_dma2 semaphore(%run_scoped3A : memref<!tpu.dma_semaphore, #tpu.memory_space<semaphore_mem>>) src(%dma_wait3A_91 : memref<128xi32, #tpu.memory_space<hbm>>) dst(%arg5 : memref<128xi32, #tpu.memory_space<vmem>>)
        tpu.yield
      }) : () -> ()
      %dma_start3A_85 = arith.constant 0 : i32
      %dma_start3A_86 = arith.constant 0 : i32
      %dma_start3A_87 = tpu.memref_slice %arg9[%dma_start3A_85, %dma_start3A_86] : memref<10240x128xf32, #tpu.memory_space<vmem_shared>> -> memref<10240x128xf32, #tpu.memory_space<vmem_shared>>
      tpu.enqueue_indirect_dma source(%arg6 : memref<128x128xf32, #tpu.memory_space<vmem>>) target(%dma_start3A_87 : memref<10240x128xf32, #tpu.memory_space<vmem_shared>>) offsets(%arg5 : memref<128xi32, #tpu.memory_space<vmem>>) semaphore(%arg8 : memref<!tpu.dma_semaphore, #tpu.memory_space<semaphore_mem>>) {add = true}
    }
    %scan3A_42 = arith.constant 39 : i32
    %dma_wait3A = arith.constant 0 : i32
    %dma_wait3A_43 = arith.constant 0 : i32
    %dma_wait3A_44 = tpu.memref_slice %arg9[%dma_wait3A, %dma_wait3A_43] : memref<10240x128xf32, #tpu.memory_space<vmem_shared>> -> memref<10240x128xf32, #tpu.memory_space<vmem_shared>>
    tpu.wait_indirect_dma semaphore(%arg7 : memref<!tpu.dma_semaphore, #tpu.memory_space<semaphore_mem>>) src(%arg6 : memref<128x128xf32, #tpu.memory_space<vmem>>) dst(%dma_wait3A_44 : memref<10240x128xf32, #tpu.memory_space<vmem_shared>>)
    %dma_wait3A_45 = arith.constant 0 : i32
    %dma_wait3A_46 = arith.constant 0 : i32
    %dma_wait3A_47 = tpu.memref_slice %arg9[%dma_wait3A_45, %dma_wait3A_46] : memref<10240x128xf32, #tpu.memory_space<vmem_shared>> -> memref<10240x128xf32, #tpu.memory_space<vmem_shared>>
    tpu.wait_indirect_dma semaphore(%arg8 : memref<!tpu.dma_semaphore, #tpu.memory_space<semaphore_mem>>) src(%arg6 : memref<128x128xf32, #tpu.memory_space<vmem>>) dst(%dma_wait3A_47 : memref<10240x128xf32, #tpu.memory_space<vmem_shared>>)
    %barrier3A_48 = arith.constant 0 : index
    tpu.barrier barrier_id(%barrier3A_48)
    %mul3A_49 = arith.constant 640 : i32
    %mul3A_50 = arith.muli %arg1, %mul3A_49 : i32
    %mul3A_51 = arith.constant 640 : i32
    %mul3A_52 = arith.muli %arg1, %mul3A_51 : i32
    "tpu.region"() ({
      %run_scoped3A = tpu.sem_alloc : memref<!tpu.dma_semaphore, #tpu.memory_space<semaphore_mem>>
      %dma_start3A_53 = arith.constant 0 : i32
      %dma_start3A_54 = tpu.memref_slice %arg3[%arg0, %mul3A_52, %dma_start3A_53] : memref<2x10240x128xf32, #tpu.memory_space<hbm>> -> memref<1x640x128xf32, #tpu.memory_space<hbm>>
      %dma_start3A_55 = tpu.memref_squeeze %dma_start3A_54 : memref<1x640x128xf32, #tpu.memory_space<hbm>> -> memref<640x128xf32, #tpu.memory_space<hbm>>
      %dma_start3A_56 = arith.constant 0 : i32
      %dma_start3A_57 = tpu.memref_slice %arg9[%mul3A_50, %dma_start3A_56] : memref<10240x128xf32, #tpu.memory_space<vmem_shared>> -> memref<640x128xf32, #tpu.memory_space<vmem_shared>>
      tpu.enqueue_dma source(%dma_start3A_57 : memref<640x128xf32, #tpu.memory_space<vmem_shared>>) target(%dma_start3A_55 : memref<640x128xf32, #tpu.memory_space<hbm>>) target_semaphore(%run_scoped3A : memref<!tpu.dma_semaphore, #tpu.memory_space<semaphore_mem>>)
      %dma_wait3A_58 = arith.constant 0 : i32
      %dma_wait3A_59 = tpu.memref_slice %arg3[%arg0, %mul3A_52, %dma_wait3A_58] : memref<2x10240x128xf32, #tpu.memory_space<hbm>> -> memref<1x640x128xf32, #tpu.memory_space<hbm>>
      %dma_wait3A_60 = tpu.memref_squeeze %dma_wait3A_59 : memref<1x640x128xf32, #tpu.memory_space<hbm>> -> memref<640x128xf32, #tpu.memory_space<hbm>>
      %dma_wait3A_61 = arith.constant 0 : i32
      %dma_wait3A_62 = tpu.memref_slice %arg9[%mul3A_50, %dma_wait3A_61] : memref<10240x128xf32, #tpu.memory_space<vmem_shared>> -> memref<640x128xf32, #tpu.memory_space<vmem_shared>>
      tpu.wait_dma2 semaphore(%run_scoped3A : memref<!tpu.dma_semaphore, #tpu.memory_space<semaphore_mem>>) src(%dma_wait3A_62 : memref<640x128xf32, #tpu.memory_space<vmem_shared>>) dst(%dma_wait3A_60 : memref<640x128xf32, #tpu.memory_space<hbm>>)
      tpu.yield
    }) : () -> ()
    return
  }
}

#map = affine_map<(d0, d1) -> (0, 0)>
#map1 = affine_map<(d0, d1) -> (0)>
#map2 = affine_map<(d0, d1) -> (0, 0, 0)>
module attributes {stable_mosaic.version = 14 : i64} {
  func.func @_sc_agg_body(%arg0: i32, %arg1: i32, %arg2: memref<10240x128xf32, #tpu.memory_space<hbm>>, %arg3: memref<327680xi32, #tpu.memory_space<hbm>>, %arg4: memref<327680xi32, #tpu.memory_space<hbm>>, %arg5: memref<2x10240x128xf32, #tpu.memory_space<hbm>>, %arg6: memref<128x128xf32, #tpu.memory_space<vmem>>, %arg7: memref<128x128xf32, #tpu.memory_space<vmem>>, %arg8: memref<128xi32, #tpu.memory_space<vmem>>, %arg9: memref<128xi32, #tpu.memory_space<vmem>>, %arg10: memref<128xi32, #tpu.memory_space<vmem>>, %arg11: memref<128xi32, #tpu.memory_space<vmem>>, %arg12: memref<!tpu.dma_semaphore, #tpu.memory_space<semaphore_mem>>, %arg13: memref<!tpu.dma_semaphore, #tpu.memory_space<semaphore_mem>>, %arg14: memref<!tpu.dma_semaphore, #tpu.memory_space<semaphore_mem>>, %arg15: memref<!tpu.dma_semaphore, #tpu.memory_space<semaphore_mem>>, %arg16: memref<!tpu.dma_semaphore, #tpu.memory_space<semaphore_mem>>, %arg17: memref<!tpu.dma_semaphore, #tpu.memory_space<semaphore_mem>>, %arg18: memref<10240x128xf32, #tpu.memory_space<vmem_shared>>) attributes {dimension_semantics = [#tpu.dimension_semantics<core_parallel>, #tpu.dimension_semantics<subcore_parallel>], iteration_bounds = array<i64: 2, 16>, scalar_prefetch = 0 : i64, scratch_operands = 13 : i64, tpu.core_type = #tpu.core_type<sc_vector_subcore>, window_params = [{transform_indices = #map}, {transform_indices = #map1}, {transform_indices = #map1}, {transform_indices = #map2}]} {
    %mul3A = arith.constant 16 : i32
    %mul3A_0 = arith.muli %arg0, %mul3A : i32
    %add3A = arith.addi %mul3A_0, %arg1 : i32
    %scan3A = arith.constant 0 : i32
    %scan3A_1 = arith.constant 0 : i32
    %scan3A_2 = arith.constant 1024 : i32
    %scan3A_3 = arith.addi %scan3A_1, %scan3A_2 : i32
    %scan3A_4 = arith.constant 1 : i32
    %scan3A_5 = scf.for %scan3A_58 = %scan3A_1 to %scan3A_3 step %scan3A_4 iter_args(%scan3A_59 = %scan3A) -> (i32)  : i32 {
      %broadcast_in_dim3A = arith.constant 0.000000e+00 : f32
      %broadcast_in_dim3A_60 = vector.broadcast %broadcast_in_dim3A : f32 to vector<16xf32>
      %jit3A = arith.constant 8 : i32
      %div3A = arith.divsi %scan3A_58, %jit3A : i32
      %sign3A = arith.constant 0 : i32
      %sign3A_61 = arith.cmpi sgt, %scan3A_58, %sign3A : i32
      %sign3A_62 = arith.extui %sign3A_61 : i1 to i32
      %sign3A_63 = arith.constant 0 : i32
      %sign3A_64 = arith.cmpi slt, %scan3A_58, %sign3A_63 : i32
      %sign3A_65 = arith.extui %sign3A_64 : i1 to i32
      %sign3A_66 = arith.subi %sign3A_62, %sign3A_65 : i32
      %sign3A_67 = arith.constant 0 : i32
      %sign3A_68 = arith.cmpi sgt, %jit3A, %sign3A_67 : i32
      %sign3A_69 = arith.extui %sign3A_68 : i1 to i32
      %sign3A_70 = arith.constant 0 : i32
      %sign3A_71 = arith.cmpi slt, %jit3A, %sign3A_70 : i32
      %sign3A_72 = arith.extui %sign3A_71 : i1 to i32
      %sign3A_73 = arith.subi %sign3A_69, %sign3A_72 : i32
      %ne3A = arith.cmpi ne, %sign3A_66, %sign3A_73 : i32
      %rem3A = arith.remsi %scan3A_58, %jit3A : i32
      %ne3A_74 = arith.constant 0 : i32
      %ne3A_75 = arith.cmpi ne, %rem3A, %ne3A_74 : i32
      %and3A = arith.andi %ne3A, %ne3A_75 : i1
      %sub3A = arith.constant 1 : i32
      %sub3A_76 = arith.subi %div3A, %sub3A : i32
      %select_n3A = arith.select %and3A, %sub3A_76, %div3A : i32
      %jit3A_77 = arith.constant 8 : i32
      %eq3A = arith.constant 0 : i32
      %eq3A_78 = arith.cmpi eq, %jit3A_77, %eq3A : i32
      %jit3A_79 = arith.constant 1 : i32
      %select_n3A_80 = arith.select %eq3A_78, %jit3A_79, %jit3A_77 : i32
      %rem3A_81 = arith.remsi %scan3A_58, %select_n3A_80 : i32
      %ne3A_82 = arith.constant 0 : i32
      %ne3A_83 = arith.cmpi ne, %rem3A_81, %ne3A_82 : i32
      %lt3A = arith.constant 0 : i32
      %lt3A_84 = arith.cmpi slt, %rem3A_81, %lt3A : i32
      %lt3A_85 = arith.constant 0 : i32
      %lt3A_86 = arith.cmpi slt, %select_n3A_80, %lt3A_85 : i32
      %ne3A_87 = arith.xori %lt3A_84, %lt3A_86 : i1
      %and3A_88 = arith.andi %ne3A_87, %ne3A_83 : i1
      %add3A_89 = arith.addi %rem3A_81, %select_n3A_80 : i32
      %select_n3A_90 = arith.select %and3A_88, %add3A_89, %rem3A_81 : i32
      %mul3A_91 = arith.constant 16 : i32
      %mul3A_92 = arith.muli %select_n3A_90, %mul3A_91 : i32
      %swap3A = arith.index_cast %select_n3A : i32 to index
      %swap3A_93 = arith.index_cast %mul3A_92 : i32 to index
      %swap3A_94 = tpu.vector_load %arg6[%swap3A, %swap3A_93] {strides = array<i32>} : memref<128x128xf32, #tpu.memory_space<vmem>>, vector<16xf32>,
      tpu.vector_store %arg6[%swap3A, %swap3A_93], %broadcast_in_dim3A_60 {strides = array<i32>} : memref<128x128xf32, #tpu.memory_space<vmem>>, vector<16xf32>,
      %scan3A_95 = arith.constant 0 : i32
      scf.yield %scan3A_95 : i32
    }
    %scan3A_6 = arith.constant 1024 : i32
    %scan3A_7 = arith.constant 0 : i32
    %scan3A_8 = arith.constant 0 : i32
    %scan3A_9 = arith.constant 5 : i32
    %scan3A_10 = arith.addi %scan3A_8, %scan3A_9 : i32
    %scan3A_11 = arith.constant 1 : i32
    %scan3A_12 = scf.for %scan3A_58 = %scan3A_8 to %scan3A_10 step %scan3A_11 iter_args(%scan3A_59 = %scan3A_7) -> (i32)  : i32 {
      %mul3A_60 = arith.constant 640 : i32
      %mul3A_61 = arith.muli %arg1, %mul3A_60 : i32
      %mul3A_62 = arith.constant 128 : i32
      %mul3A_63 = arith.muli %scan3A_58, %mul3A_62 : i32
      %add3A_64 = arith.addi %mul3A_61, %mul3A_63 : i32
      "tpu.region"() ({
        %run_scoped3A = tpu.sem_alloc : memref<!tpu.dma_semaphore, #tpu.memory_space<semaphore_mem>>
        %dma_start3A_66 = arith.constant 0 : i32
        %dma_start3A_67 = tpu.memref_slice %arg18[%add3A_64, %dma_start3A_66] : memref<10240x128xf32, #tpu.memory_space<vmem_shared>> -> memref<128x128xf32, #tpu.memory_space<vmem_shared>>
        %dma_start3A_68 = arith.constant 0 : i32
        %dma_start3A_69 = tpu.memref_slice %arg18[%add3A_64, %dma_start3A_68] : memref<10240x128xf32, #tpu.memory_space<vmem_shared>> -> memref<128x128xf32, #tpu.memory_space<vmem_shared>>
        tpu.enqueue_dma source(%arg6 : memref<128x128xf32, #tpu.memory_space<vmem>>) target(%dma_start3A_69 : memref<128x128xf32, #tpu.memory_space<vmem_shared>>) target_semaphore(%run_scoped3A : memref<!tpu.dma_semaphore, #tpu.memory_space<semaphore_mem>>)
        %dma_wait3A_70 = arith.constant 0 : i32
        %dma_wait3A_71 = tpu.memref_slice %arg18[%add3A_64, %dma_wait3A_70] : memref<10240x128xf32, #tpu.memory_space<vmem_shared>> -> memref<128x128xf32, #tpu.memory_space<vmem_shared>>
        %dma_wait3A_72 = arith.constant 0 : i32
        %dma_wait3A_73 = tpu.memref_slice %arg18[%add3A_64, %dma_wait3A_72] : memref<10240x128xf32, #tpu.memory_space<vmem_shared>> -> memref<128x128xf32, #tpu.memory_space<vmem_shared>>
        tpu.wait_dma2 semaphore(%run_scoped3A : memref<!tpu.dma_semaphore, #tpu.memory_space<semaphore_mem>>) src(%arg6 : memref<128x128xf32, #tpu.memory_space<vmem>>) dst(%dma_wait3A_73 : memref<128x128xf32, #tpu.memory_space<vmem_shared>>)
        tpu.yield
      }) : () -> ()
      %scan3A_65 = arith.constant 0 : i32
      scf.yield %scan3A_65 : i32
    }
    %scan3A_13 = arith.constant 5 : i32
    %barrier3A = arith.constant 0 : index
    tpu.barrier barrier_id(%barrier3A)
    %mul3A_14 = arith.constant 80 : i32
    %mul3A_15 = arith.muli %add3A, %mul3A_14 : i32
    %add3A_16 = arith.constant 0 : i32
    %add3A_17 = arith.addi %mul3A_15, %add3A_16 : i32
    %mul3A_18 = arith.constant 128 : i32
    %mul3A_19 = arith.muli %add3A_17, %mul3A_18 : i32
    "tpu.region"() ({
      %run_scoped3A = tpu.sem_alloc : memref<!tpu.dma_semaphore, #tpu.memory_space<semaphore_mem>>
      %dma_start3A_58 = tpu.memref_slice %arg3[%mul3A_19] : memref<327680xi32, #tpu.memory_space<hbm>> -> memref<128xi32, #tpu.memory_space<hbm>>
      %dma_start3A_59 = tpu.memref_slice %arg3[%mul3A_19] : memref<327680xi32, #tpu.memory_space<hbm>> -> memref<128xi32, #tpu.memory_space<hbm>>
      tpu.enqueue_dma source(%dma_start3A_59 : memref<128xi32, #tpu.memory_space<hbm>>) target(%arg8 : memref<128xi32, #tpu.memory_space<vmem>>) target_semaphore(%run_scoped3A : memref<!tpu.dma_semaphore, #tpu.memory_space<semaphore_mem>>)
      %dma_wait3A_60 = tpu.memref_slice %arg3[%mul3A_19] : memref<327680xi32, #tpu.memory_space<hbm>> -> memref<128xi32, #tpu.memory_space<hbm>>
      %dma_wait3A_61 = tpu.memref_slice %arg3[%mul3A_19] : memref<327680xi32, #tpu.memory_space<hbm>> -> memref<128xi32, #tpu.memory_space<hbm>>
      tpu.wait_dma2 semaphore(%run_scoped3A : memref<!tpu.dma_semaphore, #tpu.memory_space<semaphore_mem>>) src(%dma_wait3A_61 : memref<128xi32, #tpu.memory_space<hbm>>) dst(%arg8 : memref<128xi32, #tpu.memory_space<vmem>>)
      tpu.yield
    }) : () -> ()
    %mul3A_20 = arith.constant 80 : i32
    %mul3A_21 = arith.muli %add3A, %mul3A_20 : i32
    %add3A_22 = arith.constant 0 : i32
    %add3A_23 = arith.addi %mul3A_21, %add3A_22 : i32
    %mul3A_24 = arith.constant 128 : i32
    %mul3A_25 = arith.muli %add3A_23, %mul3A_24 : i32
    "tpu.region"() ({
      %run_scoped3A = tpu.sem_alloc : memref<!tpu.dma_semaphore, #tpu.memory_space<semaphore_mem>>
      %dma_start3A_58 = tpu.memref_slice %arg4[%mul3A_25] : memref<327680xi32, #tpu.memory_space<hbm>> -> memref<128xi32, #tpu.memory_space<hbm>>
      %dma_start3A_59 = tpu.memref_slice %arg4[%mul3A_25] : memref<327680xi32, #tpu.memory_space<hbm>> -> memref<128xi32, #tpu.memory_space<hbm>>
      tpu.enqueue_dma source(%dma_start3A_59 : memref<128xi32, #tpu.memory_space<hbm>>) target(%arg10 : memref<128xi32, #tpu.memory_space<vmem>>) target_semaphore(%run_scoped3A : memref<!tpu.dma_semaphore, #tpu.memory_space<semaphore_mem>>)
      %dma_wait3A_60 = tpu.memref_slice %arg4[%mul3A_25] : memref<327680xi32, #tpu.memory_space<hbm>> -> memref<128xi32, #tpu.memory_space<hbm>>
      %dma_wait3A_61 = tpu.memref_slice %arg4[%mul3A_25] : memref<327680xi32, #tpu.memory_space<hbm>> -> memref<128xi32, #tpu.memory_space<hbm>>
      tpu.wait_dma2 semaphore(%run_scoped3A : memref<!tpu.dma_semaphore, #tpu.memory_space<semaphore_mem>>) src(%dma_wait3A_61 : memref<128xi32, #tpu.memory_space<hbm>>) dst(%arg10 : memref<128xi32, #tpu.memory_space<vmem>>)
      tpu.yield
    }) : () -> ()
    %dma_start3A = arith.constant 0 : i32
    %dma_start3A_26 = arith.constant 0 : i32
    %dma_start3A_27 = tpu.memref_slice %arg2[%dma_start3A, %dma_start3A_26] : memref<10240x128xf32, #tpu.memory_space<hbm>> -> memref<10240x128xf32, #tpu.memory_space<hbm>>
    tpu.enqueue_indirect_dma source(%dma_start3A_27 : memref<10240x128xf32, #tpu.memory_space<hbm>>) target(%arg6 : memref<128x128xf32, #tpu.memory_space<vmem>>) offsets(%arg8 : memref<128xi32, #tpu.memory_space<vmem>>) semaphore(%arg12 : memref<!tpu.dma_semaphore, #tpu.memory_space<semaphore_mem>>)
    %mul3A_28 = arith.constant 80 : i32
    %mul3A_29 = arith.muli %add3A, %mul3A_28 : i32
    %add3A_30 = arith.constant 1 : i32
    %add3A_31 = arith.addi %mul3A_29, %add3A_30 : i32
    %mul3A_32 = arith.constant 128 : i32
    %mul3A_33 = arith.muli %add3A_31, %mul3A_32 : i32
    "tpu.region"() ({
      %run_scoped3A = tpu.sem_alloc : memref<!tpu.dma_semaphore, #tpu.memory_space<semaphore_mem>>
      %dma_start3A_58 = tpu.memref_slice %arg3[%mul3A_33] : memref<327680xi32, #tpu.memory_space<hbm>> -> memref<128xi32, #tpu.memory_space<hbm>>
      %dma_start3A_59 = tpu.memref_slice %arg3[%mul3A_33] : memref<327680xi32, #tpu.memory_space<hbm>> -> memref<128xi32, #tpu.memory_space<hbm>>
      tpu.enqueue_dma source(%dma_start3A_59 : memref<128xi32, #tpu.memory_space<hbm>>) target(%arg9 : memref<128xi32, #tpu.memory_space<vmem>>) target_semaphore(%run_scoped3A : memref<!tpu.dma_semaphore, #tpu.memory_space<semaphore_mem>>)
      %dma_wait3A_60 = tpu.memref_slice %arg3[%mul3A_33] : memref<327680xi32, #tpu.memory_space<hbm>> -> memref<128xi32, #tpu.memory_space<hbm>>
      %dma_wait3A_61 = tpu.memref_slice %arg3[%mul3A_33] : memref<327680xi32, #tpu.memory_space<hbm>> -> memref<128xi32, #tpu.memory_space<hbm>>
      tpu.wait_dma2 semaphore(%run_scoped3A : memref<!tpu.dma_semaphore, #tpu.memory_space<semaphore_mem>>) src(%dma_wait3A_61 : memref<128xi32, #tpu.memory_space<hbm>>) dst(%arg9 : memref<128xi32, #tpu.memory_space<vmem>>)
      tpu.yield
    }) : () -> ()
    %mul3A_34 = arith.constant 80 : i32
    %mul3A_35 = arith.muli %add3A, %mul3A_34 : i32
    %add3A_36 = arith.constant 1 : i32
    %add3A_37 = arith.addi %mul3A_35, %add3A_36 : i32
    %mul3A_38 = arith.constant 128 : i32
    %mul3A_39 = arith.muli %add3A_37, %mul3A_38 : i32
    "tpu.region"() ({
      %run_scoped3A = tpu.sem_alloc : memref<!tpu.dma_semaphore, #tpu.memory_space<semaphore_mem>>
      %dma_start3A_58 = tpu.memref_slice %arg4[%mul3A_39] : memref<327680xi32, #tpu.memory_space<hbm>> -> memref<128xi32, #tpu.memory_space<hbm>>
      %dma_start3A_59 = tpu.memref_slice %arg4[%mul3A_39] : memref<327680xi32, #tpu.memory_space<hbm>> -> memref<128xi32, #tpu.memory_space<hbm>>
      tpu.enqueue_dma source(%dma_start3A_59 : memref<128xi32, #tpu.memory_space<hbm>>) target(%arg11 : memref<128xi32, #tpu.memory_space<vmem>>) target_semaphore(%run_scoped3A : memref<!tpu.dma_semaphore, #tpu.memory_space<semaphore_mem>>)
      %dma_wait3A_60 = tpu.memref_slice %arg4[%mul3A_39] : memref<327680xi32, #tpu.memory_space<hbm>> -> memref<128xi32, #tpu.memory_space<hbm>>
      %dma_wait3A_61 = tpu.memref_slice %arg4[%mul3A_39] : memref<327680xi32, #tpu.memory_space<hbm>> -> memref<128xi32, #tpu.memory_space<hbm>>
      tpu.wait_dma2 semaphore(%run_scoped3A : memref<!tpu.dma_semaphore, #tpu.memory_space<semaphore_mem>>) src(%dma_wait3A_61 : memref<128xi32, #tpu.memory_space<hbm>>) dst(%arg11 : memref<128xi32, #tpu.memory_space<vmem>>)
      tpu.yield
    }) : () -> ()
    %dma_start3A_40 = arith.constant 0 : i32
    %dma_start3A_41 = arith.constant 0 : i32
    %dma_start3A_42 = tpu.memref_slice %arg2[%dma_start3A_40, %dma_start3A_41] : memref<10240x128xf32, #tpu.memory_space<hbm>> -> memref<10240x128xf32, #tpu.memory_space<hbm>>
    tpu.enqueue_indirect_dma source(%dma_start3A_42 : memref<10240x128xf32, #tpu.memory_space<hbm>>) target(%arg7 : memref<128x128xf32, #tpu.memory_space<vmem>>) offsets(%arg9 : memref<128xi32, #tpu.memory_space<vmem>>) semaphore(%arg13 : memref<!tpu.dma_semaphore, #tpu.memory_space<semaphore_mem>>)
    %scan3A_43 = arith.constant 0 : i32
    %scan3A_44 = arith.constant 39 : i32
    %scan3A_45 = arith.addi %scan3A_43, %scan3A_44 : i32
    %scan3A_46 = arith.constant 1 : i32
    scf.for %scan3A_58 = %scan3A_43 to %scan3A_45 step %scan3A_46  : i32 {
      %mul3A_59 = arith.constant 1 : i32
      %mul3A_60 = arith.muli %scan3A_58, %mul3A_59 : i32
      %add3A_61 = arith.constant 0 : i32
      %add3A_62 = arith.addi %add3A_61, %mul3A_60 : i32
      %mul3A_63 = arith.constant 2 : i32
      %mul3A_64 = arith.muli %mul3A_63, %add3A_62 : i32
      %add3A_65 = arith.constant 0 : i32
      %add3A_66 = arith.addi %mul3A_64, %add3A_65 : i32
      %dma_wait3A_67 = arith.constant 0 : i32
      %dma_wait3A_68 = arith.constant 0 : i32
      %dma_wait3A_69 = tpu.memref_slice %arg2[%dma_wait3A_67, %dma_wait3A_68] : memref<10240x128xf32, #tpu.memory_space<hbm>> -> memref<10240x128xf32, #tpu.memory_space<hbm>>
      tpu.wait_indirect_dma semaphore(%arg12 : memref<!tpu.dma_semaphore, #tpu.memory_space<semaphore_mem>>) src(%dma_wait3A_69 : memref<10240x128xf32, #tpu.memory_space<hbm>>) dst(%arg6 : memref<128x128xf32, #tpu.memory_space<vmem>>)
      %dma_start3A_70 = arith.constant 0 : i32
      %dma_start3A_71 = arith.constant 0 : i32
      %dma_start3A_72 = tpu.memref_slice %arg18[%dma_start3A_70, %dma_start3A_71] : memref<10240x128xf32, #tpu.memory_space<vmem_shared>> -> memref<10240x128xf32, #tpu.memory_space<vmem_shared>>
      tpu.enqueue_indirect_dma source(%arg6 : memref<128x128xf32, #tpu.memory_space<vmem>>) target(%dma_start3A_72 : memref<10240x128xf32, #tpu.memory_space<vmem_shared>>) offsets(%arg10 : memref<128xi32, #tpu.memory_space<vmem>>) semaphore(%arg14 : memref<!tpu.dma_semaphore, #tpu.memory_space<semaphore_mem>>) {add = true}
      %add3A_73 = arith.constant 2 : i32
      %add3A_74 = arith.addi %add3A_66, %add3A_73 : i32
      %mul3A_75 = arith.constant 80 : i32
      %mul3A_76 = arith.muli %add3A, %mul3A_75 : i32
      %add3A_77 = arith.addi %mul3A_76, %add3A_74 : i32
      %mul3A_78 = arith.constant 128 : i32
      %mul3A_79 = arith.muli %add3A_77, %mul3A_78 : i32
      %dma_start3A_80 = tpu.memref_slice %arg3[%mul3A_79] : memref<327680xi32, #tpu.memory_space<hbm>> -> memref<128xi32, #tpu.memory_space<hbm>>
      %dma_start3A_81 = tpu.memref_slice %arg3[%mul3A_79] : memref<327680xi32, #tpu.memory_space<hbm>> -> memref<128xi32, #tpu.memory_space<hbm>>
      tpu.enqueue_dma source(%dma_start3A_81 : memref<128xi32, #tpu.memory_space<hbm>>) target(%arg8 : memref<128xi32, #tpu.memory_space<vmem>>) target_semaphore(%arg16 : memref<!tpu.dma_semaphore, #tpu.memory_space<semaphore_mem>>)
      %dma_wait3A_82 = arith.constant 0 : i32
      %dma_wait3A_83 = arith.constant 0 : i32
      %dma_wait3A_84 = tpu.memref_slice %arg18[%dma_wait3A_82, %dma_wait3A_83] : memref<10240x128xf32, #tpu.memory_space<vmem_shared>> -> memref<10240x128xf32, #tpu.memory_space<vmem_shared>>
      tpu.wait_indirect_dma semaphore(%arg14 : memref<!tpu.dma_semaphore, #tpu.memory_space<semaphore_mem>>) src(%arg6 : memref<128x128xf32, #tpu.memory_space<vmem>>) dst(%dma_wait3A_84 : memref<10240x128xf32, #tpu.memory_space<vmem_shared>>)
      %add3A_85 = arith.constant 2 : i32
      %add3A_86 = arith.addi %add3A_66, %add3A_85 : i32
      %mul3A_87 = arith.constant 80 : i32
      %mul3A_88 = arith.muli %add3A, %mul3A_87 : i32
      %add3A_89 = arith.addi %mul3A_88, %add3A_86 : i32
      %mul3A_90 = arith.constant 128 : i32
      %mul3A_91 = arith.muli %add3A_89, %mul3A_90 : i32
      %dma_start3A_92 = tpu.memref_slice %arg4[%mul3A_91] : memref<327680xi32, #tpu.memory_space<hbm>> -> memref<128xi32, #tpu.memory_space<hbm>>
      %dma_start3A_93 = tpu.memref_slice %arg4[%mul3A_91] : memref<327680xi32, #tpu.memory_space<hbm>> -> memref<128xi32, #tpu.memory_space<hbm>>
      tpu.enqueue_dma source(%dma_start3A_93 : memref<128xi32, #tpu.memory_space<hbm>>) target(%arg10 : memref<128xi32, #tpu.memory_space<vmem>>) target_semaphore(%arg16 : memref<!tpu.dma_semaphore, #tpu.memory_space<semaphore_mem>>)
      %add3A_94 = arith.constant 2 : i32
      %add3A_95 = arith.addi %add3A_66, %add3A_94 : i32
      %mul3A_96 = arith.constant 80 : i32
      %mul3A_97 = arith.muli %add3A, %mul3A_96 : i32
      %add3A_98 = arith.addi %mul3A_97, %add3A_95 : i32
      %mul3A_99 = arith.constant 128 : i32
      %mul3A_100 = arith.muli %add3A_98, %mul3A_99 : i32
      %dma_wait3A_101 = tpu.memref_slice %arg3[%mul3A_100] : memref<327680xi32, #tpu.memory_space<hbm>> -> memref<128xi32, #tpu.memory_space<hbm>>
      %dma_wait3A_102 = tpu.memref_slice %arg3[%mul3A_100] : memref<327680xi32, #tpu.memory_space<hbm>> -> memref<128xi32, #tpu.memory_space<hbm>>
      tpu.wait_dma2 semaphore(%arg16 : memref<!tpu.dma_semaphore, #tpu.memory_space<semaphore_mem>>) src(%dma_wait3A_102 : memref<128xi32, #tpu.memory_space<hbm>>) dst(%arg8 : memref<128xi32, #tpu.memory_space<vmem>>)
      %add3A_103 = arith.constant 2 : i32
      %add3A_104 = arith.addi %add3A_66, %add3A_103 : i32
      %mul3A_105 = arith.constant 80 : i32
      %mul3A_106 = arith.muli %add3A, %mul3A_105 : i32
      %add3A_107 = arith.addi %mul3A_106, %add3A_104 : i32
      %mul3A_108 = arith.constant 128 : i32
      %mul3A_109 = arith.muli %add3A_107, %mul3A_108 : i32
      %dma_wait3A_110 = tpu.memref_slice %arg4[%mul3A_109] : memref<327680xi32, #tpu.memory_space<hbm>> -> memref<128xi32, #tpu.memory_space<hbm>>
      %dma_wait3A_111 = tpu.memref_slice %arg4[%mul3A_109] : memref<327680xi32, #tpu.memory_space<hbm>> -> memref<128xi32, #tpu.memory_space<hbm>>
      tpu.wait_dma2 semaphore(%arg16 : memref<!tpu.dma_semaphore, #tpu.memory_space<semaphore_mem>>) src(%dma_wait3A_111 : memref<128xi32, #tpu.memory_space<hbm>>) dst(%arg10 : memref<128xi32, #tpu.memory_space<vmem>>)
      %dma_start3A_112 = arith.constant 0 : i32
      %dma_start3A_113 = arith.constant 0 : i32
      %dma_start3A_114 = tpu.memref_slice %arg2[%dma_start3A_112, %dma_start3A_113] : memref<10240x128xf32, #tpu.memory_space<hbm>> -> memref<10240x128xf32, #tpu.memory_space<hbm>>
      tpu.enqueue_indirect_dma source(%dma_start3A_114 : memref<10240x128xf32, #tpu.memory_space<hbm>>) target(%arg6 : memref<128x128xf32, #tpu.memory_space<vmem>>) offsets(%arg8 : memref<128xi32, #tpu.memory_space<vmem>>) semaphore(%arg12 : memref<!tpu.dma_semaphore, #tpu.memory_space<semaphore_mem>>)
      %mul3A_115 = arith.constant 2 : i32
      %mul3A_116 = arith.muli %mul3A_115, %add3A_62 : i32
      %add3A_117 = arith.constant 1 : i32
      %add3A_118 = arith.addi %mul3A_116, %add3A_117 : i32
      %dma_wait3A_119 = arith.constant 0 : i32
      %dma_wait3A_120 = arith.constant 0 : i32
      %dma_wait3A_121 = tpu.memref_slice %arg2[%dma_wait3A_119, %dma_wait3A_120] : memref<10240x128xf32, #tpu.memory_space<hbm>> -> memref<10240x128xf32, #tpu.memory_space<hbm>>
      tpu.wait_indirect_dma semaphore(%arg13 : memref<!tpu.dma_semaphore, #tpu.memory_space<semaphore_mem>>) src(%dma_wait3A_121 : memref<10240x128xf32, #tpu.memory_space<hbm>>) dst(%arg7 : memref<128x128xf32, #tpu.memory_space<vmem>>)
      %dma_start3A_122 = arith.constant 0 : i32
      %dma_start3A_123 = arith.constant 0 : i32
      %dma_start3A_124 = tpu.memref_slice %arg18[%dma_start3A_122, %dma_start3A_123] : memref<10240x128xf32, #tpu.memory_space<vmem_shared>> -> memref<10240x128xf32, #tpu.memory_space<vmem_shared>>
      tpu.enqueue_indirect_dma source(%arg7 : memref<128x128xf32, #tpu.memory_space<vmem>>) target(%dma_start3A_124 : memref<10240x128xf32, #tpu.memory_space<vmem_shared>>) offsets(%arg11 : memref<128xi32, #tpu.memory_space<vmem>>) semaphore(%arg15 : memref<!tpu.dma_semaphore, #tpu.memory_space<semaphore_mem>>) {add = true}
      %add3A_125 = arith.constant 2 : i32
      %add3A_126 = arith.addi %add3A_118, %add3A_125 : i32
      %mul3A_127 = arith.constant 80 : i32
      %mul3A_128 = arith.muli %add3A, %mul3A_127 : i32
      %add3A_129 = arith.addi %mul3A_128, %add3A_126 : i32
      %mul3A_130 = arith.constant 128 : i32
      %mul3A_131 = arith.muli %add3A_129, %mul3A_130 : i32
      %dma_start3A_132 = tpu.memref_slice %arg3[%mul3A_131] : memref<327680xi32, #tpu.memory_space<hbm>> -> memref<128xi32, #tpu.memory_space<hbm>>
      %dma_start3A_133 = tpu.memref_slice %arg3[%mul3A_131] : memref<327680xi32, #tpu.memory_space<hbm>> -> memref<128xi32, #tpu.memory_space<hbm>>
      tpu.enqueue_dma source(%dma_start3A_133 : memref<128xi32, #tpu.memory_space<hbm>>) target(%arg9 : memref<128xi32, #tpu.memory_space<vmem>>) target_semaphore(%arg17 : memref<!tpu.dma_semaphore, #tpu.memory_space<semaphore_mem>>)
      %dma_wait3A_134 = arith.constant 0 : i32
      %dma_wait3A_135 = arith.constant 0 : i32
      %dma_wait3A_136 = tpu.memref_slice %arg18[%dma_wait3A_134, %dma_wait3A_135] : memref<10240x128xf32, #tpu.memory_space<vmem_shared>> -> memref<10240x128xf32, #tpu.memory_space<vmem_shared>>
      tpu.wait_indirect_dma semaphore(%arg15 : memref<!tpu.dma_semaphore, #tpu.memory_space<semaphore_mem>>) src(%arg7 : memref<128x128xf32, #tpu.memory_space<vmem>>) dst(%dma_wait3A_136 : memref<10240x128xf32, #tpu.memory_space<vmem_shared>>)
      %add3A_137 = arith.constant 2 : i32
      %add3A_138 = arith.addi %add3A_118, %add3A_137 : i32
      %mul3A_139 = arith.constant 80 : i32
      %mul3A_140 = arith.muli %add3A, %mul3A_139 : i32
      %add3A_141 = arith.addi %mul3A_140, %add3A_138 : i32
      %mul3A_142 = arith.constant 128 : i32
      %mul3A_143 = arith.muli %add3A_141, %mul3A_142 : i32
      %dma_start3A_144 = tpu.memref_slice %arg4[%mul3A_143] : memref<327680xi32, #tpu.memory_space<hbm>> -> memref<128xi32, #tpu.memory_space<hbm>>
      %dma_start3A_145 = tpu.memref_slice %arg4[%mul3A_143] : memref<327680xi32, #tpu.memory_space<hbm>> -> memref<128xi32, #tpu.memory_space<hbm>>
      tpu.enqueue_dma source(%dma_start3A_145 : memref<128xi32, #tpu.memory_space<hbm>>) target(%arg11 : memref<128xi32, #tpu.memory_space<vmem>>) target_semaphore(%arg17 : memref<!tpu.dma_semaphore, #tpu.memory_space<semaphore_mem>>)
      %add3A_146 = arith.constant 2 : i32
      %add3A_147 = arith.addi %add3A_118, %add3A_146 : i32
      %mul3A_148 = arith.constant 80 : i32
      %mul3A_149 = arith.muli %add3A, %mul3A_148 : i32
      %add3A_150 = arith.addi %mul3A_149, %add3A_147 : i32
      %mul3A_151 = arith.constant 128 : i32
      %mul3A_152 = arith.muli %add3A_150, %mul3A_151 : i32
      %dma_wait3A_153 = tpu.memref_slice %arg3[%mul3A_152] : memref<327680xi32, #tpu.memory_space<hbm>> -> memref<128xi32, #tpu.memory_space<hbm>>
      %dma_wait3A_154 = tpu.memref_slice %arg3[%mul3A_152] : memref<327680xi32, #tpu.memory_space<hbm>> -> memref<128xi32, #tpu.memory_space<hbm>>
      tpu.wait_dma2 semaphore(%arg17 : memref<!tpu.dma_semaphore, #tpu.memory_space<semaphore_mem>>) src(%dma_wait3A_154 : memref<128xi32, #tpu.memory_space<hbm>>) dst(%arg9 : memref<128xi32, #tpu.memory_space<vmem>>)
      %add3A_155 = arith.constant 2 : i32
      %add3A_156 = arith.addi %add3A_118, %add3A_155 : i32
      %mul3A_157 = arith.constant 80 : i32
      %mul3A_158 = arith.muli %add3A, %mul3A_157 : i32
      %add3A_159 = arith.addi %mul3A_158, %add3A_156 : i32
      %mul3A_160 = arith.constant 128 : i32
      %mul3A_161 = arith.muli %add3A_159, %mul3A_160 : i32
      %dma_wait3A_162 = tpu.memref_slice %arg4[%mul3A_161] : memref<327680xi32, #tpu.memory_space<hbm>> -> memref<128xi32, #tpu.memory_space<hbm>>
      %dma_wait3A_163 = tpu.memref_slice %arg4[%mul3A_161] : memref<327680xi32, #tpu.memory_space<hbm>> -> memref<128xi32, #tpu.memory_space<hbm>>
      tpu.wait_dma2 semaphore(%arg17 : memref<!tpu.dma_semaphore, #tpu.memory_space<semaphore_mem>>) src(%dma_wait3A_163 : memref<128xi32, #tpu.memory_space<hbm>>) dst(%arg11 : memref<128xi32, #tpu.memory_space<vmem>>)
      %dma_start3A_164 = arith.constant 0 : i32
      %dma_start3A_165 = arith.constant 0 : i32
      %dma_start3A_166 = tpu.memref_slice %arg2[%dma_start3A_164, %dma_start3A_165] : memref<10240x128xf32, #tpu.memory_space<hbm>> -> memref<10240x128xf32, #tpu.memory_space<hbm>>
      tpu.enqueue_indirect_dma source(%dma_start3A_166 : memref<10240x128xf32, #tpu.memory_space<hbm>>) target(%arg7 : memref<128x128xf32, #tpu.memory_space<vmem>>) offsets(%arg9 : memref<128xi32, #tpu.memory_space<vmem>>) semaphore(%arg13 : memref<!tpu.dma_semaphore, #tpu.memory_space<semaphore_mem>>)
    }
    %scan3A_47 = arith.constant 39 : i32
    %dma_wait3A = arith.constant 0 : i32
    %dma_wait3A_48 = arith.constant 0 : i32
    %dma_wait3A_49 = tpu.memref_slice %arg2[%dma_wait3A, %dma_wait3A_48] : memref<10240x128xf32, #tpu.memory_space<hbm>> -> memref<10240x128xf32, #tpu.memory_space<hbm>>
    tpu.wait_indirect_dma semaphore(%arg12 : memref<!tpu.dma_semaphore, #tpu.memory_space<semaphore_mem>>) src(%dma_wait3A_49 : memref<10240x128xf32, #tpu.memory_space<hbm>>) dst(%arg6 : memref<128x128xf32, #tpu.memory_space<vmem>>)
    "tpu.region"() ({
      %run_scoped3A = tpu.sem_alloc : memref<!tpu.dma_semaphore, #tpu.memory_space<semaphore_mem>>
      %dma_start3A_58 = arith.constant 0 : i32
      %dma_start3A_59 = arith.constant 0 : i32
      %dma_start3A_60 = tpu.memref_slice %arg18[%dma_start3A_58, %dma_start3A_59] : memref<10240x128xf32, #tpu.memory_space<vmem_shared>> -> memref<10240x128xf32, #tpu.memory_space<vmem_shared>>
      tpu.enqueue_indirect_dma source(%arg6 : memref<128x128xf32, #tpu.memory_space<vmem>>) target(%dma_start3A_60 : memref<10240x128xf32, #tpu.memory_space<vmem_shared>>) offsets(%arg10 : memref<128xi32, #tpu.memory_space<vmem>>) semaphore(%run_scoped3A : memref<!tpu.dma_semaphore, #tpu.memory_space<semaphore_mem>>) {add = true}
      %dma_wait3A_61 = arith.constant 0 : i32
      %dma_wait3A_62 = arith.constant 0 : i32
      %dma_wait3A_63 = tpu.memref_slice %arg18[%dma_wait3A_61, %dma_wait3A_62] : memref<10240x128xf32, #tpu.memory_space<vmem_shared>> -> memref<10240x128xf32, #tpu.memory_space<vmem_shared>>
      tpu.wait_indirect_dma semaphore(%run_scoped3A : memref<!tpu.dma_semaphore, #tpu.memory_space<semaphore_mem>>) src(%arg6 : memref<128x128xf32, #tpu.memory_space<vmem>>) dst(%dma_wait3A_63 : memref<10240x128xf32, #tpu.memory_space<vmem_shared>>)
      tpu.yield
    }) : () -> ()
    %dma_wait3A_50 = arith.constant 0 : i32
    %dma_wait3A_51 = arith.constant 0 : i32
    %dma_wait3A_52 = tpu.memref_slice %arg2[%dma_wait3A_50, %dma_wait3A_51] : memref<10240x128xf32, #tpu.memory_space<hbm>> -> memref<10240x128xf32, #tpu.memory_space<hbm>>
    tpu.wait_indirect_dma semaphore(%arg13 : memref<!tpu.dma_semaphore, #tpu.memory_space<semaphore_mem>>) src(%dma_wait3A_52 : memref<10240x128xf32, #tpu.memory_space<hbm>>) dst(%arg7 : memref<128x128xf32, #tpu.memory_space<vmem>>)
    "tpu.region"() ({
      %run_scoped3A = tpu.sem_alloc : memref<!tpu.dma_semaphore, #tpu.memory_space<semaphore_mem>>
      %dma_start3A_58 = arith.constant 0 : i32
      %dma_start3A_59 = arith.constant 0 : i32
      %dma_start3A_60 = tpu.memref_slice %arg18[%dma_start3A_58, %dma_start3A_59] : memref<10240x128xf32, #tpu.memory_space<vmem_shared>> -> memref<10240x128xf32, #tpu.memory_space<vmem_shared>>
      tpu.enqueue_indirect_dma source(%arg7 : memref<128x128xf32, #tpu.memory_space<vmem>>) target(%dma_start3A_60 : memref<10240x128xf32, #tpu.memory_space<vmem_shared>>) offsets(%arg11 : memref<128xi32, #tpu.memory_space<vmem>>) semaphore(%run_scoped3A : memref<!tpu.dma_semaphore, #tpu.memory_space<semaphore_mem>>) {add = true}
      %dma_wait3A_61 = arith.constant 0 : i32
      %dma_wait3A_62 = arith.constant 0 : i32
      %dma_wait3A_63 = tpu.memref_slice %arg18[%dma_wait3A_61, %dma_wait3A_62] : memref<10240x128xf32, #tpu.memory_space<vmem_shared>> -> memref<10240x128xf32, #tpu.memory_space<vmem_shared>>
      tpu.wait_indirect_dma semaphore(%run_scoped3A : memref<!tpu.dma_semaphore, #tpu.memory_space<semaphore_mem>>) src(%arg7 : memref<128x128xf32, #tpu.memory_space<vmem>>) dst(%dma_wait3A_63 : memref<10240x128xf32, #tpu.memory_space<vmem_shared>>)
      tpu.yield
    }) : () -> ()
    %barrier3A_53 = arith.constant 0 : index
    tpu.barrier barrier_id(%barrier3A_53)
    %mul3A_54 = arith.constant 640 : i32
    %mul3A_55 = arith.muli %arg1, %mul3A_54 : i32
    %mul3A_56 = arith.constant 640 : i32
    %mul3A_57 = arith.muli %arg1, %mul3A_56 : i32
    "tpu.region"() ({
      %run_scoped3A = tpu.sem_alloc : memref<!tpu.dma_semaphore, #tpu.memory_space<semaphore_mem>>
      %dma_start3A_58 = arith.constant 0 : i32
      %dma_start3A_59 = tpu.memref_slice %arg5[%arg0, %mul3A_57, %dma_start3A_58] : memref<2x10240x128xf32, #tpu.memory_space<hbm>> -> memref<1x640x128xf32, #tpu.memory_space<hbm>>
      %dma_start3A_60 = tpu.memref_squeeze %dma_start3A_59 : memref<1x640x128xf32, #tpu.memory_space<hbm>> -> memref<640x128xf32, #tpu.memory_space<hbm>>
      %dma_start3A_61 = arith.constant 0 : i32
      %dma_start3A_62 = tpu.memref_slice %arg18[%mul3A_55, %dma_start3A_61] : memref<10240x128xf32, #tpu.memory_space<vmem_shared>> -> memref<640x128xf32, #tpu.memory_space<vmem_shared>>
      tpu.enqueue_dma source(%dma_start3A_62 : memref<640x128xf32, #tpu.memory_space<vmem_shared>>) target(%dma_start3A_60 : memref<640x128xf32, #tpu.memory_space<hbm>>) target_semaphore(%run_scoped3A : memref<!tpu.dma_semaphore, #tpu.memory_space<semaphore_mem>>)
      %dma_wait3A_63 = arith.constant 0 : i32
      %dma_wait3A_64 = tpu.memref_slice %arg5[%arg0, %mul3A_57, %dma_wait3A_63] : memref<2x10240x128xf32, #tpu.memory_space<hbm>> -> memref<1x640x128xf32, #tpu.memory_space<hbm>>
      %dma_wait3A_65 = tpu.memref_squeeze %dma_wait3A_64 : memref<1x640x128xf32, #tpu.memory_space<hbm>> -> memref<640x128xf32, #tpu.memory_space<hbm>>
      %dma_wait3A_66 = arith.constant 0 : i32
      %dma_wait3A_67 = tpu.memref_slice %arg18[%mul3A_55, %dma_wait3A_66] : memref<10240x128xf32, #tpu.memory_space<vmem_shared>> -> memref<640x128xf32, #tpu.memory_space<vmem_shared>>
      tpu.wait_dma2 semaphore(%run_scoped3A : memref<!tpu.dma_semaphore, #tpu.memory_space<semaphore_mem>>) src(%dma_wait3A_67 : memref<640x128xf32, #tpu.memory_space<vmem_shared>>) dst(%dma_wait3A_65 : memref<640x128xf32, #tpu.memory_space<hbm>>)
      tpu.yield
    }) : () -> ()
    return
  }
}

#map = affine_map<(d0, d1) -> (0, 0)>
#map1 = affine_map<(d0, d1) -> (0)>
#map2 = affine_map<(d0, d1) -> (0, 0, 0)>
module attributes {stable_mosaic.version = 14 : i64} {
  func.func @_sc_pool_body(%arg0: i32, %arg1: i32, %arg2: memref<10240x128xf32, #tpu.memory_space<hbm>>, %arg3: memref<10240xi32, #tpu.memory_space<hbm>>, %arg4: memref<32x257x128xf32, #tpu.memory_space<hbm>>, %arg5: memref<32x257x128xf32, #tpu.memory_space<hbm>>, %arg6: memref<32x257x128xf32, #tpu.memory_space<hbm>>, %arg7: memref<320xi32, #tpu.memory_space<vmem>>, %arg8: memref<64x128xf32, #tpu.memory_space<vmem>>, %arg9: memref<257x128xf32, #tpu.memory_space<vmem>>, %arg10: memref<257x128xf32, #tpu.memory_space<vmem>>, %arg11: memref<257x128xf32, #tpu.memory_space<vmem>>) attributes {dimension_semantics = [#tpu.dimension_semantics<core_parallel>, #tpu.dimension_semantics<subcore_parallel>], iteration_bounds = array<i64: 2, 16>, scalar_prefetch = 0 : i64, scratch_operands = 5 : i64, tpu.core_type = #tpu.core_type<sc_vector_subcore>, window_params = [{transform_indices = #map}, {transform_indices = #map1}, {transform_indices = #map2}, {transform_indices = #map2}, {transform_indices = #map2}]} {
    %mul3A = arith.constant 16 : i32
    %mul3A_0 = arith.muli %arg0, %mul3A : i32
    %add3A = arith.addi %mul3A_0, %arg1 : i32
    %mul3A_1 = arith.constant 320 : i32
    %mul3A_2 = arith.muli %add3A, %mul3A_1 : i32
    %scan3A = arith.constant 0 : i32
    %scan3A_3 = arith.constant 0 : i32
    %scan3A_4 = arith.constant 2056 : i32
    %scan3A_5 = arith.addi %scan3A_3, %scan3A_4 : i32
    %scan3A_6 = arith.constant 1 : i32
    %scan3A_7 = scf.for %scan3A_24 = %scan3A_3 to %scan3A_5 step %scan3A_6 iter_args(%scan3A_25 = %scan3A) -> (i32)  : i32 {
      %broadcast_in_dim3A_26 = arith.constant 0xFF800000 : f32
      %broadcast_in_dim3A_27 = vector.broadcast %broadcast_in_dim3A_26 : f32 to vector<16xf32>
      %jit3A = arith.constant 8 : i32
      %div3A = arith.divsi %scan3A_24, %jit3A : i32
      %sign3A = arith.constant 0 : i32
      %sign3A_28 = arith.cmpi sgt, %scan3A_24, %sign3A : i32
      %sign3A_29 = arith.extui %sign3A_28 : i1 to i32
      %sign3A_30 = arith.constant 0 : i32
      %sign3A_31 = arith.cmpi slt, %scan3A_24, %sign3A_30 : i32
      %sign3A_32 = arith.extui %sign3A_31 : i1 to i32
      %sign3A_33 = arith.subi %sign3A_29, %sign3A_32 : i32
      %sign3A_34 = arith.constant 0 : i32
      %sign3A_35 = arith.cmpi sgt, %jit3A, %sign3A_34 : i32
      %sign3A_36 = arith.extui %sign3A_35 : i1 to i32
      %sign3A_37 = arith.constant 0 : i32
      %sign3A_38 = arith.cmpi slt, %jit3A, %sign3A_37 : i32
      %sign3A_39 = arith.extui %sign3A_38 : i1 to i32
      %sign3A_40 = arith.subi %sign3A_36, %sign3A_39 : i32
      %ne3A = arith.cmpi ne, %sign3A_33, %sign3A_40 : i32
      %rem3A = arith.remsi %scan3A_24, %jit3A : i32
      %ne3A_41 = arith.constant 0 : i32
      %ne3A_42 = arith.cmpi ne, %rem3A, %ne3A_41 : i32
      %and3A = arith.andi %ne3A, %ne3A_42 : i1
      %sub3A = arith.constant 1 : i32
      %sub3A_43 = arith.subi %div3A, %sub3A : i32
      %select_n3A = arith.select %and3A, %sub3A_43, %div3A : i32
      %jit3A_44 = arith.constant 8 : i32
      %eq3A = arith.constant 0 : i32
      %eq3A_45 = arith.cmpi eq, %jit3A_44, %eq3A : i32
      %jit3A_46 = arith.constant 1 : i32
      %select_n3A_47 = arith.select %eq3A_45, %jit3A_46, %jit3A_44 : i32
      %rem3A_48 = arith.remsi %scan3A_24, %select_n3A_47 : i32
      %ne3A_49 = arith.constant 0 : i32
      %ne3A_50 = arith.cmpi ne, %rem3A_48, %ne3A_49 : i32
      %lt3A = arith.constant 0 : i32
      %lt3A_51 = arith.cmpi slt, %rem3A_48, %lt3A : i32
      %lt3A_52 = arith.constant 0 : i32
      %lt3A_53 = arith.cmpi slt, %select_n3A_47, %lt3A_52 : i32
      %ne3A_54 = arith.xori %lt3A_51, %lt3A_53 : i1
      %and3A_55 = arith.andi %ne3A_54, %ne3A_50 : i1
      %add3A_56 = arith.addi %rem3A_48, %select_n3A_47 : i32
      %select_n3A_57 = arith.select %and3A_55, %add3A_56, %rem3A_48 : i32
      %mul3A_58 = arith.constant 16 : i32
      %mul3A_59 = arith.muli %select_n3A_57, %mul3A_58 : i32
      %swap3A = arith.index_cast %select_n3A : i32 to index
      %swap3A_60 = arith.index_cast %mul3A_59 : i32 to index
      %swap3A_61 = tpu.vector_load %arg9[%swap3A, %swap3A_60] {strides = array<i32>} : memref<257x128xf32, #tpu.memory_space<vmem>>, vector<16xf32>,
      tpu.vector_store %arg9[%swap3A, %swap3A_60], %broadcast_in_dim3A_27 {strides = array<i32>} : memref<257x128xf32, #tpu.memory_space<vmem>>, vector<16xf32>,
      %broadcast_in_dim3A_62 = arith.constant 0.000000e+00 : f32
      %broadcast_in_dim3A_63 = vector.broadcast %broadcast_in_dim3A_62 : f32 to vector<16xf32>
      %jit3A_64 = arith.constant 8 : i32
      %div3A_65 = arith.divsi %scan3A_24, %jit3A_64 : i32
      %sign3A_66 = arith.constant 0 : i32
      %sign3A_67 = arith.cmpi sgt, %scan3A_24, %sign3A_66 : i32
      %sign3A_68 = arith.extui %sign3A_67 : i1 to i32
      %sign3A_69 = arith.constant 0 : i32
      %sign3A_70 = arith.cmpi slt, %scan3A_24, %sign3A_69 : i32
      %sign3A_71 = arith.extui %sign3A_70 : i1 to i32
      %sign3A_72 = arith.subi %sign3A_68, %sign3A_71 : i32
      %sign3A_73 = arith.constant 0 : i32
      %sign3A_74 = arith.cmpi sgt, %jit3A_64, %sign3A_73 : i32
      %sign3A_75 = arith.extui %sign3A_74 : i1 to i32
      %sign3A_76 = arith.constant 0 : i32
      %sign3A_77 = arith.cmpi slt, %jit3A_64, %sign3A_76 : i32
      %sign3A_78 = arith.extui %sign3A_77 : i1 to i32
      %sign3A_79 = arith.subi %sign3A_75, %sign3A_78 : i32
      %ne3A_80 = arith.cmpi ne, %sign3A_72, %sign3A_79 : i32
      %rem3A_81 = arith.remsi %scan3A_24, %jit3A_64 : i32
      %ne3A_82 = arith.constant 0 : i32
      %ne3A_83 = arith.cmpi ne, %rem3A_81, %ne3A_82 : i32
      %and3A_84 = arith.andi %ne3A_80, %ne3A_83 : i1
      %sub3A_85 = arith.constant 1 : i32
      %sub3A_86 = arith.subi %div3A_65, %sub3A_85 : i32
      %select_n3A_87 = arith.select %and3A_84, %sub3A_86, %div3A_65 : i32
      %jit3A_88 = arith.constant 8 : i32
      %eq3A_89 = arith.constant 0 : i32
      %eq3A_90 = arith.cmpi eq, %jit3A_88, %eq3A_89 : i32
      %jit3A_91 = arith.constant 1 : i32
      %select_n3A_92 = arith.select %eq3A_90, %jit3A_91, %jit3A_88 : i32
      %rem3A_93 = arith.remsi %scan3A_24, %select_n3A_92 : i32
      %ne3A_94 = arith.constant 0 : i32
      %ne3A_95 = arith.cmpi ne, %rem3A_93, %ne3A_94 : i32
      %lt3A_96 = arith.constant 0 : i32
      %lt3A_97 = arith.cmpi slt, %rem3A_93, %lt3A_96 : i32
      %lt3A_98 = arith.constant 0 : i32
      %lt3A_99 = arith.cmpi slt, %select_n3A_92, %lt3A_98 : i32
      %ne3A_100 = arith.xori %lt3A_97, %lt3A_99 : i1
      %and3A_101 = arith.andi %ne3A_100, %ne3A_95 : i1
      %add3A_102 = arith.addi %rem3A_93, %select_n3A_92 : i32
      %select_n3A_103 = arith.select %and3A_101, %add3A_102, %rem3A_93 : i32
      %mul3A_104 = arith.constant 16 : i32
      %mul3A_105 = arith.muli %select_n3A_103, %mul3A_104 : i32
      %swap3A_106 = arith.index_cast %select_n3A_87 : i32 to index
      %swap3A_107 = arith.index_cast %mul3A_105 : i32 to index
      %swap3A_108 = tpu.vector_load %arg10[%swap3A_106, %swap3A_107] {strides = array<i32>} : memref<257x128xf32, #tpu.memory_space<vmem>>, vector<16xf32>,
      tpu.vector_store %arg10[%swap3A_106, %swap3A_107], %broadcast_in_dim3A_63 {strides = array<i32>} : memref<257x128xf32, #tpu.memory_space<vmem>>, vector<16xf32>,
      %scan3A_109 = arith.constant 0 : i32
      scf.yield %scan3A_109 : i32
    }
    %scan3A_8 = arith.constant 2056 : i32
    %scan3A_9 = arith.constant 0 : i32
    %scan3A_10 = arith.constant 0 : i32
    %scan3A_11 = arith.constant 2056 : i32
    %scan3A_12 = arith.addi %scan3A_10, %scan3A_11 : i32
    %scan3A_13 = arith.constant 1 : i32
    %scan3A_14 = scf.for %scan3A_24 = %scan3A_10 to %scan3A_12 step %scan3A_13 iter_args(%scan3A_25 = %scan3A_9) -> (i32)  : i32 {
      %broadcast_in_dim3A_26 = arith.constant 0.000000e+00 : f32
      %broadcast_in_dim3A_27 = vector.broadcast %broadcast_in_dim3A_26 : f32 to vector<16xf32>
      %jit3A = arith.constant 8 : i32
      %div3A = arith.divsi %scan3A_24, %jit3A : i32
      %sign3A = arith.constant 0 : i32
      %sign3A_28 = arith.cmpi sgt, %scan3A_24, %sign3A : i32
      %sign3A_29 = arith.extui %sign3A_28 : i1 to i32
      %sign3A_30 = arith.constant 0 : i32
      %sign3A_31 = arith.cmpi slt, %scan3A_24, %sign3A_30 : i32
      %sign3A_32 = arith.extui %sign3A_31 : i1 to i32
      %sign3A_33 = arith.subi %sign3A_29, %sign3A_32 : i32
      %sign3A_34 = arith.constant 0 : i32
      %sign3A_35 = arith.cmpi sgt, %jit3A, %sign3A_34 : i32
      %sign3A_36 = arith.extui %sign3A_35 : i1 to i32
      %sign3A_37 = arith.constant 0 : i32
      %sign3A_38 = arith.cmpi slt, %jit3A, %sign3A_37 : i32
      %sign3A_39 = arith.extui %sign3A_38 : i1 to i32
      %sign3A_40 = arith.subi %sign3A_36, %sign3A_39 : i32
      %ne3A = arith.cmpi ne, %sign3A_33, %sign3A_40 : i32
      %rem3A = arith.remsi %scan3A_24, %jit3A : i32
      %ne3A_41 = arith.constant 0 : i32
      %ne3A_42 = arith.cmpi ne, %rem3A, %ne3A_41 : i32
      %and3A = arith.andi %ne3A, %ne3A_42 : i1
      %sub3A = arith.constant 1 : i32
      %sub3A_43 = arith.subi %div3A, %sub3A : i32
      %select_n3A = arith.select %and3A, %sub3A_43, %div3A : i32
      %jit3A_44 = arith.constant 8 : i32
      %eq3A = arith.constant 0 : i32
      %eq3A_45 = arith.cmpi eq, %jit3A_44, %eq3A : i32
      %jit3A_46 = arith.constant 1 : i32
      %select_n3A_47 = arith.select %eq3A_45, %jit3A_46, %jit3A_44 : i32
      %rem3A_48 = arith.remsi %scan3A_24, %select_n3A_47 : i32
      %ne3A_49 = arith.constant 0 : i32
      %ne3A_50 = arith.cmpi ne, %rem3A_48, %ne3A_49 : i32
      %lt3A = arith.constant 0 : i32
      %lt3A_51 = arith.cmpi slt, %rem3A_48, %lt3A : i32
      %lt3A_52 = arith.constant 0 : i32
      %lt3A_53 = arith.cmpi slt, %select_n3A_47, %lt3A_52 : i32
      %ne3A_54 = arith.xori %lt3A_51, %lt3A_53 : i1
      %and3A_55 = arith.andi %ne3A_54, %ne3A_50 : i1
      %add3A_56 = arith.addi %rem3A_48, %select_n3A_47 : i32
      %select_n3A_57 = arith.select %and3A_55, %add3A_56, %rem3A_48 : i32
      %mul3A_58 = arith.constant 16 : i32
      %mul3A_59 = arith.muli %select_n3A_57, %mul3A_58 : i32
      %swap3A = arith.index_cast %select_n3A : i32 to index
      %swap3A_60 = arith.index_cast %mul3A_59 : i32 to index
      %swap3A_61 = tpu.vector_load %arg11[%swap3A, %swap3A_60] {strides = array<i32>} : memref<257x128xf32, #tpu.memory_space<vmem>>, vector<16xf32>,
      tpu.vector_store %arg11[%swap3A, %swap3A_60], %broadcast_in_dim3A_27 {strides = array<i32>} : memref<257x128xf32, #tpu.memory_space<vmem>>, vector<16xf32>,
      %scan3A_62 = arith.constant 0 : i32
      scf.yield %scan3A_62 : i32
    }
    %scan3A_15 = arith.constant 2056 : i32
    "tpu.region"() ({
      %run_scoped3A = tpu.sem_alloc : memref<!tpu.dma_semaphore, #tpu.memory_space<semaphore_mem>>
      %dma_start3A = tpu.memref_slice %arg3[%mul3A_2] : memref<10240xi32, #tpu.memory_space<hbm>> -> memref<320xi32, #tpu.memory_space<hbm>>
      %dma_start3A_24 = tpu.memref_slice %arg3[%mul3A_2] : memref<10240xi32, #tpu.memory_space<hbm>> -> memref<320xi32, #tpu.memory_space<hbm>>
      tpu.enqueue_dma source(%dma_start3A_24 : memref<320xi32, #tpu.memory_space<hbm>>) target(%arg7 : memref<320xi32, #tpu.memory_space<vmem>>) target_semaphore(%run_scoped3A : memref<!tpu.dma_semaphore, #tpu.memory_space<semaphore_mem>>)
      %dma_wait3A = tpu.memref_slice %arg3[%mul3A_2] : memref<10240xi32, #tpu.memory_space<hbm>> -> memref<320xi32, #tpu.memory_space<hbm>>
      %dma_wait3A_25 = tpu.memref_slice %arg3[%mul3A_2] : memref<10240xi32, #tpu.memory_space<hbm>> -> memref<320xi32, #tpu.memory_space<hbm>>
      tpu.wait_dma2 semaphore(%run_scoped3A : memref<!tpu.dma_semaphore, #tpu.memory_space<semaphore_mem>>) src(%dma_wait3A_25 : memref<320xi32, #tpu.memory_space<hbm>>) dst(%arg7 : memref<320xi32, #tpu.memory_space<vmem>>)
      tpu.yield
    }) : () -> ()
    %iota3A = tpu.iota {dimensions = array<i32: 0>} : vector<16xi32>
    %broadcast_in_dim3A = arith.constant 1.000000e+00 : f32
    %broadcast_in_dim3A_16 = vector.broadcast %broadcast_in_dim3A : f32 to vector<16xf32>
    %scan3A_17 = arith.constant 0 : i32
    %scan3A_18 = arith.constant 0 : i32
    %scan3A_19 = arith.constant 5 : i32
    %scan3A_20 = arith.addi %scan3A_18, %scan3A_19 : i32
    %scan3A_21 = arith.constant 1 : i32
    %scan3A_22 = scf.for %scan3A_24 = %scan3A_18 to %scan3A_20 step %scan3A_21 iter_args(%scan3A_25 = %scan3A_17) -> (i32)  : i32 {
      %mul3A_26 = arith.constant 64 : i32
      %mul3A_27 = arith.muli %scan3A_24, %mul3A_26 : i32
      %add3A_28 = arith.addi %mul3A_2, %mul3A_27 : i32
      "tpu.region"() ({
        %run_scoped3A = tpu.sem_alloc : memref<!tpu.dma_semaphore, #tpu.memory_space<semaphore_mem>>
        %dma_start3A = arith.constant 0 : i32
        %dma_start3A_37 = tpu.memref_slice %arg2[%add3A_28, %dma_start3A] : memref<10240x128xf32, #tpu.memory_space<hbm>> -> memref<64x128xf32, #tpu.memory_space<hbm>>
        %dma_start3A_38 = arith.constant 0 : i32
        %dma_start3A_39 = tpu.memref_slice %arg2[%add3A_28, %dma_start3A_38] : memref<10240x128xf32, #tpu.memory_space<hbm>> -> memref<64x128xf32, #tpu.memory_space<hbm>>
        tpu.enqueue_dma source(%dma_start3A_39 : memref<64x128xf32, #tpu.memory_space<hbm>>) target(%arg8 : memref<64x128xf32, #tpu.memory_space<vmem>>) target_semaphore(%run_scoped3A : memref<!tpu.dma_semaphore, #tpu.memory_space<semaphore_mem>>)
        %dma_wait3A = arith.constant 0 : i32
        %dma_wait3A_40 = tpu.memref_slice %arg2[%add3A_28, %dma_wait3A] : memref<10240x128xf32, #tpu.memory_space<hbm>> -> memref<64x128xf32, #tpu.memory_space<hbm>>
        %dma_wait3A_41 = arith.constant 0 : i32
        %dma_wait3A_42 = tpu.memref_slice %arg2[%add3A_28, %dma_wait3A_41] : memref<10240x128xf32, #tpu.memory_space<hbm>> -> memref<64x128xf32, #tpu.memory_space<hbm>>
        tpu.wait_dma2 semaphore(%run_scoped3A : memref<!tpu.dma_semaphore, #tpu.memory_space<semaphore_mem>>) src(%dma_wait3A_42 : memref<64x128xf32, #tpu.memory_space<hbm>>) dst(%arg8 : memref<64x128xf32, #tpu.memory_space<vmem>>)
        tpu.yield
      }) : () -> ()
      %scan3A_29 = arith.constant 0 : i32
      %scan3A_30 = arith.constant 0 : i32
      %scan3A_31 = arith.constant 64 : i32
      %scan3A_32 = arith.addi %scan3A_30, %scan3A_31 : i32
      %scan3A_33 = arith.constant 1 : i32
      %scan3A_34 = scf.for %scan3A_37 = %scan3A_30 to %scan3A_32 step %scan3A_33 iter_args(%scan3A_38 = %scan3A_29) -> (i32)  : i32 {
        %mul3A_39 = arith.constant 64 : i32
        %mul3A_40 = arith.muli %scan3A_24, %mul3A_39 : i32
        %add3A_41 = arith.addi %mul3A_40, %scan3A_37 : i32
        %broadcast_in_dim3A_42 = vector.broadcast %add3A_41 : i32 to vector<16xi32>
        %gather3A = tpu.vector_load_idx %arg7[%broadcast_in_dim3A_42] : memref<320xi32, #tpu.memory_space<vmem>>[vector<16xi32>], vector<16xi32>,
        %get3A = arith.index_cast %scan3A_37 : i32 to index
        %get3A_43 = arith.constant 0 : index
        %get3A_44 = tpu.vector_load %arg8[%get3A, %get3A_43] {strides = array<i32>} : memref<64x128xf32, #tpu.memory_space<vmem>>, vector<16xf32>,
        %add3A_45 = arith.constant 0 : i32
        %add3A_46 = vector.broadcast %add3A_45 : i32 to vector<16xi32>
        %add3A_47 = arith.addi %add3A_46, %iota3A : vector<16xi32>
        tpu.vector_store_idx %arg10[%gather3A, %add3A_47], %get3A_44 {add = true} : memref<257x128xf32, #tpu.memory_space<vmem>>[vector<16xi32>, vector<16xi32>], vector<16xf32>,
        %gather3A_48 = tpu.vector_load_idx %arg9[%gather3A, %add3A_47] : memref<257x128xf32, #tpu.memory_space<vmem>>[vector<16xi32>, vector<16xi32>], vector<16xf32>,
        %max3A = arith.maximumf %gather3A_48, %get3A_44 : vector<16xf32>
        tpu.vector_store_idx %arg9[%gather3A, %add3A_47], %max3A : memref<257x128xf32, #tpu.memory_space<vmem>>[vector<16xi32>, vector<16xi32>], vector<16xf32>,
        %get3A_49 = arith.index_cast %scan3A_37 : i32 to index
        %get3A_50 = arith.constant 16 : index
        %get3A_51 = tpu.vector_load %arg8[%get3A_49, %get3A_50] {strides = array<i32>} : memref<64x128xf32, #tpu.memory_space<vmem>>, vector<16xf32>,
        %add3A_52 = arith.constant 16 : i32
        %add3A_53 = vector.broadcast %add3A_52 : i32 to vector<16xi32>
        %add3A_54 = arith.addi %add3A_53, %iota3A : vector<16xi32>
        tpu.vector_store_idx %arg10[%gather3A, %add3A_54], %get3A_51 {add = true} : memref<257x128xf32, #tpu.memory_space<vmem>>[vector<16xi32>, vector<16xi32>], vector<16xf32>,
        %gather3A_55 = tpu.vector_load_idx %arg9[%gather3A, %add3A_54] : memref<257x128xf32, #tpu.memory_space<vmem>>[vector<16xi32>, vector<16xi32>], vector<16xf32>,
        %max3A_56 = arith.maximumf %gather3A_55, %get3A_51 : vector<16xf32>
        tpu.vector_store_idx %arg9[%gather3A, %add3A_54], %max3A_56 : memref<257x128xf32, #tpu.memory_space<vmem>>[vector<16xi32>, vector<16xi32>], vector<16xf32>,
        %get3A_57 = arith.index_cast %scan3A_37 : i32 to index
        %get3A_58 = arith.constant 32 : index
        %get3A_59 = tpu.vector_load %arg8[%get3A_57, %get3A_58] {strides = array<i32>} : memref<64x128xf32, #tpu.memory_space<vmem>>, vector<16xf32>,
        %add3A_60 = arith.constant 32 : i32
        %add3A_61 = vector.broadcast %add3A_60 : i32 to vector<16xi32>
        %add3A_62 = arith.addi %add3A_61, %iota3A : vector<16xi32>
        tpu.vector_store_idx %arg10[%gather3A, %add3A_62], %get3A_59 {add = true} : memref<257x128xf32, #tpu.memory_space<vmem>>[vector<16xi32>, vector<16xi32>], vector<16xf32>,
        %gather3A_63 = tpu.vector_load_idx %arg9[%gather3A, %add3A_62] : memref<257x128xf32, #tpu.memory_space<vmem>>[vector<16xi32>, vector<16xi32>], vector<16xf32>,
        %max3A_64 = arith.maximumf %gather3A_63, %get3A_59 : vector<16xf32>
        tpu.vector_store_idx %arg9[%gather3A, %add3A_62], %max3A_64 : memref<257x128xf32, #tpu.memory_space<vmem>>[vector<16xi32>, vector<16xi32>], vector<16xf32>,
        %get3A_65 = arith.index_cast %scan3A_37 : i32 to index
        %get3A_66 = arith.constant 48 : index
        %get3A_67 = tpu.vector_load %arg8[%get3A_65, %get3A_66] {strides = array<i32>} : memref<64x128xf32, #tpu.memory_space<vmem>>, vector<16xf32>,
        %add3A_68 = arith.constant 48 : i32
        %add3A_69 = vector.broadcast %add3A_68 : i32 to vector<16xi32>
        %add3A_70 = arith.addi %add3A_69, %iota3A : vector<16xi32>
        tpu.vector_store_idx %arg10[%gather3A, %add3A_70], %get3A_67 {add = true} : memref<257x128xf32, #tpu.memory_space<vmem>>[vector<16xi32>, vector<16xi32>], vector<16xf32>,
        %gather3A_71 = tpu.vector_load_idx %arg9[%gather3A, %add3A_70] : memref<257x128xf32, #tpu.memory_space<vmem>>[vector<16xi32>, vector<16xi32>], vector<16xf32>,
        %max3A_72 = arith.maximumf %gather3A_71, %get3A_67 : vector<16xf32>
        tpu.vector_store_idx %arg9[%gather3A, %add3A_70], %max3A_72 : memref<257x128xf32, #tpu.memory_space<vmem>>[vector<16xi32>, vector<16xi32>], vector<16xf32>,
        %get3A_73 = arith.index_cast %scan3A_37 : i32 to index
        %get3A_74 = arith.constant 64 : index
        %get3A_75 = tpu.vector_load %arg8[%get3A_73, %get3A_74] {strides = array<i32>} : memref<64x128xf32, #tpu.memory_space<vmem>>, vector<16xf32>,
        %add3A_76 = arith.constant 64 : i32
        %add3A_77 = vector.broadcast %add3A_76 : i32 to vector<16xi32>
        %add3A_78 = arith.addi %add3A_77, %iota3A : vector<16xi32>
        tpu.vector_store_idx %arg10[%gather3A, %add3A_78], %get3A_75 {add = true} : memref<257x128xf32, #tpu.memory_space<vmem>>[vector<16xi32>, vector<16xi32>], vector<16xf32>,
        %gather3A_79 = tpu.vector_load_idx %arg9[%gather3A, %add3A_78] : memref<257x128xf32, #tpu.memory_space<vmem>>[vector<16xi32>, vector<16xi32>], vector<16xf32>,
        %max3A_80 = arith.maximumf %gather3A_79, %get3A_75 : vector<16xf32>
        tpu.vector_store_idx %arg9[%gather3A, %add3A_78], %max3A_80 : memref<257x128xf32, #tpu.memory_space<vmem>>[vector<16xi32>, vector<16xi32>], vector<16xf32>,
        %get3A_81 = arith.index_cast %scan3A_37 : i32 to index
        %get3A_82 = arith.constant 80 : index
        %get3A_83 = tpu.vector_load %arg8[%get3A_81, %get3A_82] {strides = array<i32>} : memref<64x128xf32, #tpu.memory_space<vmem>>, vector<16xf32>,
        %add3A_84 = arith.constant 80 : i32
        %add3A_85 = vector.broadcast %add3A_84 : i32 to vector<16xi32>
        %add3A_86 = arith.addi %add3A_85, %iota3A : vector<16xi32>
        tpu.vector_store_idx %arg10[%gather3A, %add3A_86], %get3A_83 {add = true} : memref<257x128xf32, #tpu.memory_space<vmem>>[vector<16xi32>, vector<16xi32>], vector<16xf32>,
        %gather3A_87 = tpu.vector_load_idx %arg9[%gather3A, %add3A_86] : memref<257x128xf32, #tpu.memory_space<vmem>>[vector<16xi32>, vector<16xi32>], vector<16xf32>,
        %max3A_88 = arith.maximumf %gather3A_87, %get3A_83 : vector<16xf32>
        tpu.vector_store_idx %arg9[%gather3A, %add3A_86], %max3A_88 : memref<257x128xf32, #tpu.memory_space<vmem>>[vector<16xi32>, vector<16xi32>], vector<16xf32>,
        %get3A_89 = arith.index_cast %scan3A_37 : i32 to index
        %get3A_90 = arith.constant 96 : index
        %get3A_91 = tpu.vector_load %arg8[%get3A_89, %get3A_90] {strides = array<i32>} : memref<64x128xf32, #tpu.memory_space<vmem>>, vector<16xf32>,
        %add3A_92 = arith.constant 96 : i32
        %add3A_93 = vector.broadcast %add3A_92 : i32 to vector<16xi32>
        %add3A_94 = arith.addi %add3A_93, %iota3A : vector<16xi32>
        tpu.vector_store_idx %arg10[%gather3A, %add3A_94], %get3A_91 {add = true} : memref<257x128xf32, #tpu.memory_space<vmem>>[vector<16xi32>, vector<16xi32>], vector<16xf32>,
        %gather3A_95 = tpu.vector_load_idx %arg9[%gather3A, %add3A_94] : memref<257x128xf32, #tpu.memory_space<vmem>>[vector<16xi32>, vector<16xi32>], vector<16xf32>,
        %max3A_96 = arith.maximumf %gather3A_95, %get3A_91 : vector<16xf32>
        tpu.vector_store_idx %arg9[%gather3A, %add3A_94], %max3A_96 : memref<257x128xf32, #tpu.memory_space<vmem>>[vector<16xi32>, vector<16xi32>], vector<16xf32>,
        %get3A_97 = arith.index_cast %scan3A_37 : i32 to index
        %get3A_98 = arith.constant 112 : index
        %get3A_99 = tpu.vector_load %arg8[%get3A_97, %get3A_98] {strides = array<i32>} : memref<64x128xf32, #tpu.memory_space<vmem>>, vector<16xf32>,
        %add3A_100 = arith.constant 112 : i32
        %add3A_101 = vector.broadcast %add3A_100 : i32 to vector<16xi32>
        %add3A_102 = arith.addi %add3A_101, %iota3A : vector<16xi32>
        tpu.vector_store_idx %arg10[%gather3A, %add3A_102], %get3A_99 {add = true} : memref<257x128xf32, #tpu.memory_space<vmem>>[vector<16xi32>, vector<16xi32>], vector<16xf32>,
        %gather3A_103 = tpu.vector_load_idx %arg9[%gather3A, %add3A_102] : memref<257x128xf32, #tpu.memory_space<vmem>>[vector<16xi32>, vector<16xi32>], vector<16xf32>,
        %max3A_104 = arith.maximumf %gather3A_103, %get3A_99 : vector<16xf32>
        tpu.vector_store_idx %arg9[%gather3A, %add3A_102], %max3A_104 : memref<257x128xf32, #tpu.memory_space<vmem>>[vector<16xi32>, vector<16xi32>], vector<16xf32>,
        tpu.vector_store_idx %arg11[%gather3A, %iota3A], %broadcast_in_dim3A_16 {add = true} : memref<257x128xf32, #tpu.memory_space<vmem>>[vector<16xi32>, vector<16xi32>], vector<16xf32>,
        %scan3A_105 = arith.constant 0 : i32
        scf.yield %scan3A_105 : i32
      }
      %scan3A_35 = arith.constant 64 : i32
      %scan3A_36 = arith.constant 0 : i32
      scf.yield %scan3A_36 : i32
    }
    %scan3A_23 = arith.constant 5 : i32
    "tpu.region"() ({
      %run_scoped3A = tpu.sem_alloc : memref<!tpu.dma_semaphore, #tpu.memory_space<semaphore_mem>>
      %dma_start3A = arith.constant 0 : i32
      %dma_start3A_24 = arith.constant 0 : i32
      %dma_start3A_25 = tpu.memref_slice %arg4[%add3A, %dma_start3A, %dma_start3A_24] : memref<32x257x128xf32, #tpu.memory_space<hbm>> -> memref<1x257x128xf32, #tpu.memory_space<hbm>>
      %dma_start3A_26 = tpu.memref_squeeze %dma_start3A_25 : memref<1x257x128xf32, #tpu.memory_space<hbm>> -> memref<257x128xf32, #tpu.memory_space<hbm>>
      %dma_start3A_27 = arith.constant 0 : i32
      %dma_start3A_28 = arith.constant 0 : i32
      %dma_start3A_29 = tpu.memref_slice %arg4[%add3A, %dma_start3A_27, %dma_start3A_28] : memref<32x257x128xf32, #tpu.memory_space<hbm>> -> memref<1x257x128xf32, #tpu.memory_space<hbm>>
      %dma_start3A_30 = tpu.memref_squeeze %dma_start3A_29 : memref<1x257x128xf32, #tpu.memory_space<hbm>> -> memref<257x128xf32, #tpu.memory_space<hbm>>
      tpu.enqueue_dma source(%arg9 : memref<257x128xf32, #tpu.memory_space<vmem>>) target(%dma_start3A_30 : memref<257x128xf32, #tpu.memory_space<hbm>>) target_semaphore(%run_scoped3A : memref<!tpu.dma_semaphore, #tpu.memory_space<semaphore_mem>>)
      %dma_wait3A = arith.constant 0 : i32
      %dma_wait3A_31 = arith.constant 0 : i32
      %dma_wait3A_32 = tpu.memref_slice %arg4[%add3A, %dma_wait3A, %dma_wait3A_31] : memref<32x257x128xf32, #tpu.memory_space<hbm>> -> memref<1x257x128xf32, #tpu.memory_space<hbm>>
      %dma_wait3A_33 = tpu.memref_squeeze %dma_wait3A_32 : memref<1x257x128xf32, #tpu.memory_space<hbm>> -> memref<257x128xf32, #tpu.memory_space<hbm>>
      %dma_wait3A_34 = arith.constant 0 : i32
      %dma_wait3A_35 = arith.constant 0 : i32
      %dma_wait3A_36 = tpu.memref_slice %arg4[%add3A, %dma_wait3A_34, %dma_wait3A_35] : memref<32x257x128xf32, #tpu.memory_space<hbm>> -> memref<1x257x128xf32, #tpu.memory_space<hbm>>
      %dma_wait3A_37 = tpu.memref_squeeze %dma_wait3A_36 : memref<1x257x128xf32, #tpu.memory_space<hbm>> -> memref<257x128xf32, #tpu.memory_space<hbm>>
      tpu.wait_dma2 semaphore(%run_scoped3A : memref<!tpu.dma_semaphore, #tpu.memory_space<semaphore_mem>>) src(%arg9 : memref<257x128xf32, #tpu.memory_space<vmem>>) dst(%dma_wait3A_37 : memref<257x128xf32, #tpu.memory_space<hbm>>)
      tpu.yield
    }) : () -> ()
    "tpu.region"() ({
      %run_scoped3A = tpu.sem_alloc : memref<!tpu.dma_semaphore, #tpu.memory_space<semaphore_mem>>
      %dma_start3A = arith.constant 0 : i32
      %dma_start3A_24 = arith.constant 0 : i32
      %dma_start3A_25 = tpu.memref_slice %arg5[%add3A, %dma_start3A, %dma_start3A_24] : memref<32x257x128xf32, #tpu.memory_space<hbm>> -> memref<1x257x128xf32, #tpu.memory_space<hbm>>
      %dma_start3A_26 = tpu.memref_squeeze %dma_start3A_25 : memref<1x257x128xf32, #tpu.memory_space<hbm>> -> memref<257x128xf32, #tpu.memory_space<hbm>>
      %dma_start3A_27 = arith.constant 0 : i32
      %dma_start3A_28 = arith.constant 0 : i32
      %dma_start3A_29 = tpu.memref_slice %arg5[%add3A, %dma_start3A_27, %dma_start3A_28] : memref<32x257x128xf32, #tpu.memory_space<hbm>> -> memref<1x257x128xf32, #tpu.memory_space<hbm>>
      %dma_start3A_30 = tpu.memref_squeeze %dma_start3A_29 : memref<1x257x128xf32, #tpu.memory_space<hbm>> -> memref<257x128xf32, #tpu.memory_space<hbm>>
      tpu.enqueue_dma source(%arg10 : memref<257x128xf32, #tpu.memory_space<vmem>>) target(%dma_start3A_30 : memref<257x128xf32, #tpu.memory_space<hbm>>) target_semaphore(%run_scoped3A : memref<!tpu.dma_semaphore, #tpu.memory_space<semaphore_mem>>)
      %dma_wait3A = arith.constant 0 : i32
      %dma_wait3A_31 = arith.constant 0 : i32
      %dma_wait3A_32 = tpu.memref_slice %arg5[%add3A, %dma_wait3A, %dma_wait3A_31] : memref<32x257x128xf32, #tpu.memory_space<hbm>> -> memref<1x257x128xf32, #tpu.memory_space<hbm>>
      %dma_wait3A_33 = tpu.memref_squeeze %dma_wait3A_32 : memref<1x257x128xf32, #tpu.memory_space<hbm>> -> memref<257x128xf32, #tpu.memory_space<hbm>>
      %dma_wait3A_34 = arith.constant 0 : i32
      %dma_wait3A_35 = arith.constant 0 : i32
      %dma_wait3A_36 = tpu.memref_slice %arg5[%add3A, %dma_wait3A_34, %dma_wait3A_35] : memref<32x257x128xf32, #tpu.memory_space<hbm>> -> memref<1x257x128xf32, #tpu.memory_space<hbm>>
      %dma_wait3A_37 = tpu.memref_squeeze %dma_wait3A_36 : memref<1x257x128xf32, #tpu.memory_space<hbm>> -> memref<257x128xf32, #tpu.memory_space<hbm>>
      tpu.wait_dma2 semaphore(%run_scoped3A : memref<!tpu.dma_semaphore, #tpu.memory_space<semaphore_mem>>) src(%arg10 : memref<257x128xf32, #tpu.memory_space<vmem>>) dst(%dma_wait3A_37 : memref<257x128xf32, #tpu.memory_space<hbm>>)
      tpu.yield
    }) : () -> ()
    "tpu.region"() ({
      %run_scoped3A = tpu.sem_alloc : memref<!tpu.dma_semaphore, #tpu.memory_space<semaphore_mem>>
      %dma_start3A = arith.constant 0 : i32
      %dma_start3A_24 = arith.constant 0 : i32
      %dma_start3A_25 = tpu.memref_slice %arg6[%add3A, %dma_start3A, %dma_start3A_24] : memref<32x257x128xf32, #tpu.memory_space<hbm>> -> memref<1x257x128xf32, #tpu.memory_space<hbm>>
      %dma_start3A_26 = tpu.memref_squeeze %dma_start3A_25 : memref<1x257x128xf32, #tpu.memory_space<hbm>> -> memref<257x128xf32, #tpu.memory_space<hbm>>
      %dma_start3A_27 = arith.constant 0 : i32
      %dma_start3A_28 = arith.constant 0 : i32
      %dma_start3A_29 = tpu.memref_slice %arg6[%add3A, %dma_start3A_27, %dma_start3A_28] : memref<32x257x128xf32, #tpu.memory_space<hbm>> -> memref<1x257x128xf32, #tpu.memory_space<hbm>>
      %dma_start3A_30 = tpu.memref_squeeze %dma_start3A_29 : memref<1x257x128xf32, #tpu.memory_space<hbm>> -> memref<257x128xf32, #tpu.memory_space<hbm>>
      tpu.enqueue_dma source(%arg11 : memref<257x128xf32, #tpu.memory_space<vmem>>) target(%dma_start3A_30 : memref<257x128xf32, #tpu.memory_space<hbm>>) target_semaphore(%run_scoped3A : memref<!tpu.dma_semaphore, #tpu.memory_space<semaphore_mem>>)
      %dma_wait3A = arith.constant 0 : i32
      %dma_wait3A_31 = arith.constant 0 : i32
      %dma_wait3A_32 = tpu.memref_slice %arg6[%add3A, %dma_wait3A, %dma_wait3A_31] : memref<32x257x128xf32, #tpu.memory_space<hbm>> -> memref<1x257x128xf32, #tpu.memory_space<hbm>>
      %dma_wait3A_33 = tpu.memref_squeeze %dma_wait3A_32 : memref<1x257x128xf32, #tpu.memory_space<hbm>> -> memref<257x128xf32, #tpu.memory_space<hbm>>
      %dma_wait3A_34 = arith.constant 0 : i32
      %dma_wait3A_35 = arith.constant 0 : i32
      %dma_wait3A_36 = tpu.memref_slice %arg6[%add3A, %dma_wait3A_34, %dma_wait3A_35] : memref<32x257x128xf32, #tpu.memory_space<hbm>> -> memref<1x257x128xf32, #tpu.memory_space<hbm>>
      %dma_wait3A_37 = tpu.memref_squeeze %dma_wait3A_36 : memref<1x257x128xf32, #tpu.memory_space<hbm>> -> memref<257x128xf32, #tpu.memory_space<hbm>>
      tpu.wait_dma2 semaphore(%run_scoped3A : memref<!tpu.dma_semaphore, #tpu.memory_space<semaphore_mem>>) src(%arg11 : memref<257x128xf32, #tpu.memory_space<vmem>>) dst(%dma_wait3A_37 : memref<257x128xf32, #tpu.memory_space<hbm>>)
      tpu.yield
    }) : () -> ()
    return
  }
}

module attributes {stable_mosaic.version = 14 : i64} {
  func.func @_tc1_body(%arg0: i32, %arg1: memref<512x128xf32, #tpu.memory_space<vmem>>, %arg2: memref<128x128xf32, #tpu.memory_space<vmem>>, %arg3: memref<2x512x128xf32, #tpu.memory_space<vmem>>, %arg4: memref<512x128xf32, #tpu.memory_space<vmem>>, %arg5: memref<512x128xf32, #tpu.memory_space<vmem>>) attributes {dimension_semantics = [#tpu.dimension_semantics<arbitrary>], iteration_bounds = array<i64: 20>, scalar_prefetch = 0 : i64, scratch_operands = 0 : i64, tpu.core_type = #tpu.core_type<tc>, window_params = [{transform_indices = @transform_0, window_bounds = array<i64: 512, 128>}, {pipeline_mode = #tpu.pipeline_mode<synchronous>, transform_indices = @transform_1, window_bounds = array<i64: 128, 128>}, {transform_indices = @transform_2, window_bounds = array<i64: 2, 512, 128>}, {transform_indices = @transform_3, window_bounds = array<i64: 512, 128>}, {transform_indices = @transform_4, window_bounds = array<i64: 512, 128>}]} {
    %get3A = arith.constant 0 : index
    %get3A_0 = arith.constant 0 : index
    %get3A_1 = vector.load %arg1[%get3A, %get3A_0] : memref<512x128xf32, #tpu.memory_space<vmem>>, vector<512x128xf32>
    %get3A_2 = arith.constant 0 : index
    %get3A_3 = arith.constant 0 : index
    %get3A_4 = vector.load %arg2[%get3A_2, %get3A_3] : memref<128x128xf32, #tpu.memory_space<vmem>>, vector<128x128xf32>
    %dot_general3A = arith.constant dense<0.000000e+00> : vector<512x128xf32>
    %dot_general3A_5 = tpu.matmul %get3A_1, %get3A_4, %dot_general3A {dimension_numbers = #tpu.dot_dimension_numbers<[1], [0], [0], [1], [0, 0, 1, 1], [], []>, transpose_lhs_hint = false} : vector<512x128xf32>, vector<128x128xf32>, vector<512x128xf32> -> vector<512x128xf32>
    %get3A_6 = arith.constant 0 : index
    %get3A_7 = arith.constant 0 : index
    %get3A_8 = arith.constant 0 : index
    %get3A_9 = vector.load %arg3[%get3A_6, %get3A_7, %get3A_8] : memref<2x512x128xf32, #tpu.memory_space<vmem>>, vector<1x512x128xf32>
    %get3A_10 = vector.shape_cast %get3A_9 : vector<1x512x128xf32> to vector<512x128xf32>
    %get3A_11 = arith.constant 1 : index
    %get3A_12 = arith.constant 0 : index
    %get3A_13 = arith.constant 0 : index
    %get3A_14 = vector.load %arg3[%get3A_11, %get3A_12, %get3A_13] : memref<2x512x128xf32, #tpu.memory_space<vmem>>, vector<1x512x128xf32>
    %get3A_15 = vector.shape_cast %get3A_14 : vector<1x512x128xf32> to vector<512x128xf32>
    %add3A = arith.addf %get3A_10, %get3A_15 : vector<512x128xf32>
    %add3A_16 = arith.constant 1.000000e+00 : f32
    %add3A_17 = vector.broadcast %add3A_16 : f32 to vector<512x128xf32>
    %add3A_18 = arith.addf %add3A, %add3A_17 : vector<512x128xf32>
    %rsqrt3A = math.rsqrt %add3A_18 : vector<512x128xf32>
    %mul3A = arith.constant 512 : i32
    %mul3A_19 = arith.muli %arg0, %mul3A : i32
    %iota3A = tpu.iota {dimensions = array<i32: 0>} : vector<512x128xi32>
    %add3A_20 = vector.broadcast %mul3A_19 : i32 to vector<512x128xi32>
    %add3A_21 = arith.addi %add3A_20, %iota3A : vector<512x128xi32>
    %swap3A = arith.constant 0 : index
    %swap3A_22 = arith.constant 0 : index
    %swap3A_23 = vector.load %arg4[%swap3A, %swap3A_22] : memref<512x128xf32, #tpu.memory_space<vmem>>, vector<512x128xf32>
    tpu.vector_store %arg4[%swap3A, %swap3A_22], %rsqrt3A {strides = array<i32>} : memref<512x128xf32, #tpu.memory_space<vmem>>, vector<512x128xf32>,
    %lt3A = arith.constant 10000 : i32
    %lt3A_24 = vector.broadcast %lt3A : i32 to vector<512x128xi32>
    %lt3A_25 = arith.cmpi slt, %add3A_21, %lt3A_24 : vector<512x128xi32>
    %mul3A_26 = arith.mulf %dot_general3A_5, %rsqrt3A : vector<512x128xf32>
    %jit3A = arith.constant 0.000000e+00 : f32
    %broadcast_in_dim3A = vector.broadcast %jit3A : f32 to vector<512x128xf32>
    %select_n3A = arith.select %lt3A_25, %mul3A_26, %broadcast_in_dim3A : vector<512x128xi1>, vector<512x128xf32>
    %swap3A_27 = arith.constant 0 : index
    %swap3A_28 = arith.constant 0 : index
    %swap3A_29 = vector.load %arg5[%swap3A_27, %swap3A_28] : memref<512x128xf32, #tpu.memory_space<vmem>>, vector<512x128xf32>
    tpu.vector_store %arg5[%swap3A_27, %swap3A_28], %select_n3A {strides = array<i32>} : memref<512x128xf32, #tpu.memory_space<vmem>>, vector<512x128xf32>,
    return
  }
  func.func @transform_0(%arg0: i32) -> (i32, i32) {
    %c0_i32 = arith.constant 0 : i32
    %c0_i32_0 = arith.constant 0 : i32
    return %arg0, %c0_i32 : i32, i32
  }
  func.func @transform_1(%arg0: i32) -> (i32, i32) {
    %c0_i32 = arith.constant 0 : i32
    %c0_i32_0 = arith.constant 0 : i32
    %c0_i32_1 = arith.constant 0 : i32
    return %c0_i32, %c0_i32_0 : i32, i32
  }
  func.func @transform_2(%arg0: i32) -> (i32, i32, i32) {
    %c0_i32 = arith.constant 0 : i32
    %c0_i32_0 = arith.constant 0 : i32
    %c0_i32_1 = arith.constant 0 : i32
    return %c0_i32, %arg0, %c0_i32_0 : i32, i32, i32
  }
  func.func @transform_3(%arg0: i32) -> (i32, i32) {
    %c0_i32 = arith.constant 0 : i32
    %c0_i32_0 = arith.constant 0 : i32
    return %arg0, %c0_i32 : i32, i32
  }
  func.func @transform_4(%arg0: i32) -> (i32, i32) {
    %c0_i32 = arith.constant 0 : i32
    %c0_i32_0 = arith.constant 0 : i32
    return %arg0, %c0_i32 : i32, i32
  }
}

module attributes {stable_mosaic.version = 14 : i64} {
  func.func @_tcl_body(%arg0: i32, %arg1: memref<2x512x128xf32, #tpu.memory_space<vmem>>, %arg2: memref<512x128xf32, #tpu.memory_space<vmem>>, %arg3: memref<512x128xf32, #tpu.memory_space<vmem>>, %arg4: memref<1x128xf32, #tpu.memory_space<vmem>>, %arg5: memref<128x128xf32, #tpu.memory_space<vmem>>, %arg6: memref<512x128xf32, #tpu.memory_space<vmem>>) attributes {dimension_semantics = [#tpu.dimension_semantics<arbitrary>], iteration_bounds = array<i64: 20>, scalar_prefetch = 0 : i64, scratch_operands = 0 : i64, tpu.core_type = #tpu.core_type<tc>, window_params = [{transform_indices = @transform_0, window_bounds = array<i64: 2, 512, 128>}, {transform_indices = @transform_1, window_bounds = array<i64: 512, 128>}, {transform_indices = @transform_2, window_bounds = array<i64: 512, 128>}, {pipeline_mode = #tpu.pipeline_mode<synchronous>, transform_indices = @transform_3, window_bounds = array<i64: 1, 128>}, {pipeline_mode = #tpu.pipeline_mode<synchronous>, transform_indices = @transform_4, window_bounds = array<i64: 128, 128>}, {transform_indices = @transform_5, window_bounds = array<i64: 512, 128>}]} {
    %get3A = arith.constant 0 : index
    %get3A_0 = arith.constant 0 : index
    %get3A_1 = arith.constant 0 : index
    %get3A_2 = vector.load %arg1[%get3A, %get3A_0, %get3A_1] : memref<2x512x128xf32, #tpu.memory_space<vmem>>, vector<1x512x128xf32>
    %get3A_3 = vector.shape_cast %get3A_2 : vector<1x512x128xf32> to vector<512x128xf32>
    %get3A_4 = arith.constant 1 : index
    %get3A_5 = arith.constant 0 : index
    %get3A_6 = arith.constant 0 : index
    %get3A_7 = vector.load %arg1[%get3A_4, %get3A_5, %get3A_6] : memref<2x512x128xf32, #tpu.memory_space<vmem>>, vector<1x512x128xf32>
    %get3A_8 = vector.shape_cast %get3A_7 : vector<1x512x128xf32> to vector<512x128xf32>
    %add3A = arith.addf %get3A_3, %get3A_8 : vector<512x128xf32>
    %get3A_9 = arith.constant 0 : index
    %get3A_10 = arith.constant 0 : index
    %get3A_11 = vector.load %arg2[%get3A_9, %get3A_10] : memref<512x128xf32, #tpu.memory_space<vmem>>, vector<512x128xf32>
    %add3A_12 = arith.addf %add3A, %get3A_11 : vector<512x128xf32>
    %get3A_13 = arith.constant 0 : index
    %get3A_14 = arith.constant 0 : index
    %get3A_15 = vector.load %arg3[%get3A_13, %get3A_14] : memref<512x128xf32, #tpu.memory_space<vmem>>, vector<512x128xf32>
    %mul3A = arith.mulf %get3A_15, %add3A_12 : vector<512x128xf32>
    %get3A_16 = arith.constant 0 : index
    %get3A_17 = arith.constant 0 : index
    %get3A_18 = vector.load %arg4[%get3A_16, %get3A_17] : memref<1x128xf32, #tpu.memory_space<vmem>>, vector<1x128xf32>
    %add3A_19 = vector.broadcast %get3A_18 : vector<1x128xf32> to vector<512x128xf32>
    %add3A_20 = arith.addf %mul3A, %add3A_19 : vector<512x128xf32>
    %ge3A = arith.constant 0.000000e+00 : f32
    %ge3A_21 = vector.broadcast %ge3A : f32 to vector<512x128xf32>
    %ge3A_22 = arith.cmpf oge, %add3A_20, %ge3A_21 : vector<512x128xf32>
    %mul3A_23 = arith.constant 0.00999999977 : f32
    %mul3A_24 = vector.broadcast %mul3A_23 : f32 to vector<512x128xf32>
    %mul3A_25 = arith.mulf %mul3A_24, %add3A_20 : vector<512x128xf32>
    %select_n3A = arith.select %ge3A_22, %add3A_20, %mul3A_25 : vector<512x128xi1>, vector<512x128xf32>
    %mul3A_26 = arith.constant 512 : i32
    %mul3A_27 = arith.muli %arg0, %mul3A_26 : i32
    %iota3A = tpu.iota {dimensions = array<i32: 0>} : vector<512x128xi32>
    %add3A_28 = vector.broadcast %mul3A_27 : i32 to vector<512x128xi32>
    %add3A_29 = arith.addi %add3A_28, %iota3A : vector<512x128xi32>
    %lt3A = arith.constant 10000 : i32
    %lt3A_30 = vector.broadcast %lt3A : i32 to vector<512x128xi32>
    %lt3A_31 = arith.cmpi slt, %add3A_29, %lt3A_30 : vector<512x128xi32>
    %jit3A = arith.constant 0.000000e+00 : f32
    %broadcast_in_dim3A = vector.broadcast %jit3A : f32 to vector<512x128xf32>
    %select_n3A_32 = arith.select %lt3A_31, %select_n3A, %broadcast_in_dim3A : vector<512x128xi1>, vector<512x128xf32>
    %get3A_33 = arith.constant 0 : index
    %get3A_34 = arith.constant 0 : index
    %get3A_35 = vector.load %arg5[%get3A_33, %get3A_34] : memref<128x128xf32, #tpu.memory_space<vmem>>, vector<128x128xf32>
    %dot_general3A = arith.constant dense<0.000000e+00> : vector<512x128xf32>
    %dot_general3A_36 = tpu.matmul %select_n3A_32, %get3A_35, %dot_general3A {dimension_numbers = #tpu.dot_dimension_numbers<[1], [0], [0], [1], [0, 0, 1, 1], [], []>, transpose_lhs_hint = false} : vector<512x128xf32>, vector<128x128xf32>, vector<512x128xf32> -> vector<512x128xf32>
    %get3A_37 = arith.constant 0 : index
    %get3A_38 = arith.constant 0 : index
    %get3A_39 = vector.load %arg3[%get3A_37, %get3A_38] : memref<512x128xf32, #tpu.memory_space<vmem>>, vector<512x128xf32>
    %mul3A_40 = arith.mulf %dot_general3A_36, %get3A_39 : vector<512x128xf32>
    %swap3A = arith.constant 0 : index
    %swap3A_41 = arith.constant 0 : index
    %swap3A_42 = vector.load %arg6[%swap3A, %swap3A_41] : memref<512x128xf32, #tpu.memory_space<vmem>>, vector<512x128xf32>
    tpu.vector_store %arg6[%swap3A, %swap3A_41], %mul3A_40 {strides = array<i32>} : memref<512x128xf32, #tpu.memory_space<vmem>>, vector<512x128xf32>,
    return
  }
  func.func @transform_0(%arg0: i32) -> (i32, i32, i32) {
    %c0_i32 = arith.constant 0 : i32
    %c0_i32_0 = arith.constant 0 : i32
    %c0_i32_1 = arith.constant 0 : i32
    return %c0_i32, %arg0, %c0_i32_0 : i32, i32, i32
  }
  func.func @transform_1(%arg0: i32) -> (i32, i32) {
    %c0_i32 = arith.constant 0 : i32
    %c0_i32_0 = arith.constant 0 : i32
    return %arg0, %c0_i32 : i32, i32
  }
  func.func @transform_2(%arg0: i32) -> (i32, i32) {
    %c0_i32 = arith.constant 0 : i32
    %c0_i32_0 = arith.constant 0 : i32
    return %arg0, %c0_i32 : i32, i32
  }
  func.func @transform_3(%arg0: i32) -> (i32, i32) {
    %c0_i32 = arith.constant 0 : i32
    %c0_i32_0 = arith.constant 0 : i32
    %c0_i32_1 = arith.constant 0 : i32
    return %c0_i32, %c0_i32_0 : i32, i32
  }
  func.func @transform_4(%arg0: i32) -> (i32, i32) {
    %c0_i32 = arith.constant 0 : i32
    %c0_i32_0 = arith.constant 0 : i32
    %c0_i32_1 = arith.constant 0 : i32
    return %c0_i32, %c0_i32_0 : i32, i32
  }
  func.func @transform_5(%arg0: i32) -> (i32, i32) {
    %c0_i32 = arith.constant 0 : i32
    %c0_i32_0 = arith.constant 0 : i32
    return %arg0, %c0_i32 : i32, i32
  }
}

module attributes {stable_mosaic.version = 14 : i64} {
  func.func @_tcl_body(%arg0: i32, %arg1: memref<2x512x128xf32, #tpu.memory_space<vmem>>, %arg2: memref<512x128xf32, #tpu.memory_space<vmem>>, %arg3: memref<512x128xf32, #tpu.memory_space<vmem>>, %arg4: memref<1x128xf32, #tpu.memory_space<vmem>>, %arg5: memref<128x128xf32, #tpu.memory_space<vmem>>, %arg6: memref<512x128xf32, #tpu.memory_space<vmem>>) attributes {dimension_semantics = [#tpu.dimension_semantics<arbitrary>], iteration_bounds = array<i64: 20>, scalar_prefetch = 0 : i64, scratch_operands = 0 : i64, tpu.core_type = #tpu.core_type<tc>, window_params = [{transform_indices = @transform_0, window_bounds = array<i64: 2, 512, 128>}, {transform_indices = @transform_1, window_bounds = array<i64: 512, 128>}, {transform_indices = @transform_2, window_bounds = array<i64: 512, 128>}, {pipeline_mode = #tpu.pipeline_mode<synchronous>, transform_indices = @transform_3, window_bounds = array<i64: 1, 128>}, {pipeline_mode = #tpu.pipeline_mode<synchronous>, transform_indices = @transform_4, window_bounds = array<i64: 128, 128>}, {transform_indices = @transform_5, window_bounds = array<i64: 512, 128>}]} {
    %get3A = arith.constant 0 : index
    %get3A_0 = arith.constant 0 : index
    %get3A_1 = arith.constant 0 : index
    %get3A_2 = vector.load %arg1[%get3A, %get3A_0, %get3A_1] : memref<2x512x128xf32, #tpu.memory_space<vmem>>, vector<1x512x128xf32>
    %get3A_3 = vector.shape_cast %get3A_2 : vector<1x512x128xf32> to vector<512x128xf32>
    %get3A_4 = arith.constant 1 : index
    %get3A_5 = arith.constant 0 : index
    %get3A_6 = arith.constant 0 : index
    %get3A_7 = vector.load %arg1[%get3A_4, %get3A_5, %get3A_6] : memref<2x512x128xf32, #tpu.memory_space<vmem>>, vector<1x512x128xf32>
    %get3A_8 = vector.shape_cast %get3A_7 : vector<1x512x128xf32> to vector<512x128xf32>
    %add3A = arith.addf %get3A_3, %get3A_8 : vector<512x128xf32>
    %get3A_9 = arith.constant 0 : index
    %get3A_10 = arith.constant 0 : index
    %get3A_11 = vector.load %arg2[%get3A_9, %get3A_10] : memref<512x128xf32, #tpu.memory_space<vmem>>, vector<512x128xf32>
    %add3A_12 = arith.addf %add3A, %get3A_11 : vector<512x128xf32>
    %get3A_13 = arith.constant 0 : index
    %get3A_14 = arith.constant 0 : index
    %get3A_15 = vector.load %arg3[%get3A_13, %get3A_14] : memref<512x128xf32, #tpu.memory_space<vmem>>, vector<512x128xf32>
    %mul3A = arith.mulf %get3A_15, %add3A_12 : vector<512x128xf32>
    %get3A_16 = arith.constant 0 : index
    %get3A_17 = arith.constant 0 : index
    %get3A_18 = vector.load %arg4[%get3A_16, %get3A_17] : memref<1x128xf32, #tpu.memory_space<vmem>>, vector<1x128xf32>
    %add3A_19 = vector.broadcast %get3A_18 : vector<1x128xf32> to vector<512x128xf32>
    %add3A_20 = arith.addf %mul3A, %add3A_19 : vector<512x128xf32>
    %ge3A = arith.constant 0.000000e+00 : f32
    %ge3A_21 = vector.broadcast %ge3A : f32 to vector<512x128xf32>
    %ge3A_22 = arith.cmpf oge, %add3A_20, %ge3A_21 : vector<512x128xf32>
    %mul3A_23 = arith.constant 0.00999999977 : f32
    %mul3A_24 = vector.broadcast %mul3A_23 : f32 to vector<512x128xf32>
    %mul3A_25 = arith.mulf %mul3A_24, %add3A_20 : vector<512x128xf32>
    %select_n3A = arith.select %ge3A_22, %add3A_20, %mul3A_25 : vector<512x128xi1>, vector<512x128xf32>
    %mul3A_26 = arith.constant 512 : i32
    %mul3A_27 = arith.muli %arg0, %mul3A_26 : i32
    %iota3A = tpu.iota {dimensions = array<i32: 0>} : vector<512x128xi32>
    %add3A_28 = vector.broadcast %mul3A_27 : i32 to vector<512x128xi32>
    %add3A_29 = arith.addi %add3A_28, %iota3A : vector<512x128xi32>
    %lt3A = arith.constant 10000 : i32
    %lt3A_30 = vector.broadcast %lt3A : i32 to vector<512x128xi32>
    %lt3A_31 = arith.cmpi slt, %add3A_29, %lt3A_30 : vector<512x128xi32>
    %jit3A = arith.constant 0.000000e+00 : f32
    %broadcast_in_dim3A = vector.broadcast %jit3A : f32 to vector<512x128xf32>
    %select_n3A_32 = arith.select %lt3A_31, %select_n3A, %broadcast_in_dim3A : vector<512x128xi1>, vector<512x128xf32>
    %swap3A = arith.constant 0 : index
    %swap3A_33 = arith.constant 0 : index
    %swap3A_34 = vector.load %arg6[%swap3A, %swap3A_33] : memref<512x128xf32, #tpu.memory_space<vmem>>, vector<512x128xf32>
    tpu.vector_store %arg6[%swap3A, %swap3A_33], %select_n3A_32 {strides = array<i32>} : memref<512x128xf32, #tpu.memory_space<vmem>>, vector<512x128xf32>,
    return
  }
  func.func @transform_0(%arg0: i32) -> (i32, i32, i32) {
    %c0_i32 = arith.constant 0 : i32
    %c0_i32_0 = arith.constant 0 : i32
    %c0_i32_1 = arith.constant 0 : i32
    return %c0_i32, %arg0, %c0_i32_0 : i32, i32, i32
  }
  func.func @transform_1(%arg0: i32) -> (i32, i32) {
    %c0_i32 = arith.constant 0 : i32
    %c0_i32_0 = arith.constant 0 : i32
    return %arg0, %c0_i32 : i32, i32
  }
  func.func @transform_2(%arg0: i32) -> (i32, i32) {
    %c0_i32 = arith.constant 0 : i32
    %c0_i32_0 = arith.constant 0 : i32
    return %arg0, %c0_i32 : i32, i32
  }
  func.func @transform_3(%arg0: i32) -> (i32, i32) {
    %c0_i32 = arith.constant 0 : i32
    %c0_i32_0 = arith.constant 0 : i32
    %c0_i32_1 = arith.constant 0 : i32
    return %c0_i32, %c0_i32_0 : i32, i32
  }
  func.func @transform_4(%arg0: i32) -> (i32, i32) {
    %c0_i32 = arith.constant 0 : i32
    %c0_i32_0 = arith.constant 0 : i32
    %c0_i32_1 = arith.constant 0 : i32
    return %c0_i32, %c0_i32_0 : i32, i32
  }
  func.func @transform_5(%arg0: i32) -> (i32, i32) {
    %c0_i32 = arith.constant 0 : i32
    %c0_i32_0 = arith.constant 0 : i32
    return %arg0, %c0_i32 : i32, i32
  }
}

module attributes {stable_mosaic.version = 14 : i64} {
  func.func @_tc5_body(%arg0: memref<32x257x128xf32, #tpu.memory_space<vmem>>, %arg1: memref<32x257x128xf32, #tpu.memory_space<vmem>>, %arg2: memref<32x257x128xf32, #tpu.memory_space<vmem>>, %arg3: memref<256x128xf32, #tpu.memory_space<vmem>>, %arg4: memref<1x128xf32, #tpu.memory_space<vmem>>, %arg5: memref<1x128xf32, #tpu.memory_space<vmem>>, %arg6: memref<1x1xf32, #tpu.memory_space<vmem>>, %arg7: memref<256x1xf32, #tpu.memory_space<vmem>>) attributes {dimension_semantics = [], scalar_prefetch = 0 : i64, scratch_operands = 0 : i64, tpu.core_type = #tpu.core_type<tc>} {
    %get3A = arith.constant 0 : index
    %get3A_0 = arith.constant 0 : index
    %get3A_1 = arith.constant 0 : index
    %get3A_2 = vector.load %arg0[%get3A, %get3A_0, %get3A_1] : memref<32x257x128xf32, #tpu.memory_space<vmem>>, vector<32x257x128xf32>
    %reduce_max3A = arith.constant dense<0xFF800000> : vector<257x128xf32>
    %reduce_max3A_3 = vector.multi_reduction <maximumf>, %get3A_2, %reduce_max3A [0] : vector<32x257x128xf32> to vector<257x128xf32>
    %slice3A = vector.extract_strided_slice %reduce_max3A_3 {offsets = [0, 0], sizes = [256, 128], strides = [1, 1]} : vector<257x128xf32> to vector<256x128xf32>
    %get3A_4 = arith.constant 0 : index
    %get3A_5 = arith.constant 0 : index
    %get3A_6 = arith.constant 0 : index
    %get3A_7 = vector.load %arg1[%get3A_4, %get3A_5, %get3A_6] : memref<32x257x128xf32, #tpu.memory_space<vmem>>, vector<32x257x128xf32>
    %reduce_sum3A = arith.constant dense<0.000000e+00> : vector<257x128xf32>
    %reduce_sum3A_8 = vector.multi_reduction <add>, %get3A_7, %reduce_sum3A [0] : vector<32x257x128xf32> to vector<257x128xf32>
    %slice3A_9 = vector.extract_strided_slice %reduce_sum3A_8 {offsets = [0, 0], sizes = [256, 128], strides = [1, 1]} : vector<257x128xf32> to vector<256x128xf32>
    %get3A_10 = arith.constant 0 : index
    %get3A_11 = arith.constant 0 : index
    %get3A_12 = arith.constant 0 : index
    %get3A_13 = vector.load %arg2[%get3A_10, %get3A_11, %get3A_12] : memref<32x257x128xf32, #tpu.memory_space<vmem>>, vector<32x257x128xf32>
    %reduce_sum3A_14 = arith.constant dense<0.000000e+00> : vector<257x128xf32>
    %reduce_sum3A_15 = vector.multi_reduction <add>, %get3A_13, %reduce_sum3A_14 [0] : vector<32x257x128xf32> to vector<257x128xf32>
    %reduce_sum3A_16 = arith.constant dense<0.000000e+00> : vector<257xf32>
    %reduce_sum3A_17 = vector.multi_reduction <add>, %reduce_sum3A_15, %reduce_sum3A_16 [1] : vector<257x128xf32> to vector<257xf32>
    %broadcast_in_dim3A = vector.shape_cast %reduce_sum3A_17 : vector<257xf32> to vector<257x1xf32>
    %slice3A_18 = vector.extract_strided_slice %broadcast_in_dim3A {offsets = [0, 0], sizes = [256, 1], strides = [1, 1]} : vector<257x1xf32> to vector<256x1xf32>
    %div3A = arith.constant 1.600000e+01 : f32
    %div3A_19 = vector.broadcast %div3A : f32 to vector<256x1xf32>
    %div3A_20 = arith.divf %slice3A_18, %div3A_19 : vector<256x1xf32>
    %max3A = arith.constant 1.000000e+00 : f32
    %max3A_21 = vector.broadcast %max3A : f32 to vector<256x1xf32>
    %max3A_22 = arith.maximumf %div3A_20, %max3A_21 : vector<256x1xf32>
    %div3A_23 = vector.broadcast %max3A_22 : vector<256x1xf32> to vector<256x128xf32>
    %div3A_24 = arith.divf %slice3A_9, %div3A_23 : vector<256x128xf32>
    %concatenate3A = tpu.concatenate %slice3A, %div3A_24 in 1 : vector<256x128xf32>, vector<256x128xf32> -> vector<256x256xf32>
    %get3A_25 = arith.constant 0 : index
    %get3A_26 = arith.constant 0 : index
    %get3A_27 = vector.load %arg3[%get3A_25, %get3A_26] : memref<256x128xf32, #tpu.memory_space<vmem>>, vector<256x128xf32>
    %dot_general3A = arith.constant dense<0.000000e+00> : vector<256x128xf32>
    %dot_general3A_28 = tpu.matmul %concatenate3A, %get3A_27, %dot_general3A {dimension_numbers = #tpu.dot_dimension_numbers<[1], [0], [0], [1], [0, 0, 1, 1], [], []>, transpose_lhs_hint = false} : vector<256x256xf32>, vector<256x128xf32>, vector<256x128xf32> -> vector<256x128xf32>
    %get3A_29 = arith.constant 0 : index
    %get3A_30 = arith.constant 0 : index
    %get3A_31 = vector.load %arg4[%get3A_29, %get3A_30] : memref<1x128xf32, #tpu.memory_space<vmem>>, vector<1x128xf32>
    %add3A = vector.broadcast %get3A_31 : vector<1x128xf32> to vector<256x128xf32>
    %add3A_32 = arith.addf %dot_general3A_28, %add3A : vector<256x128xf32>
    %ge3A = arith.constant 0.000000e+00 : f32
    %ge3A_33 = vector.broadcast %ge3A : f32 to vector<256x128xf32>
    %ge3A_34 = arith.cmpf oge, %add3A_32, %ge3A_33 : vector<256x128xf32>
    %mul3A = arith.constant 0.00999999977 : f32
    %mul3A_35 = vector.broadcast %mul3A : f32 to vector<256x128xf32>
    %mul3A_36 = arith.mulf %mul3A_35, %add3A_32 : vector<256x128xf32>
    %select_n3A = arith.select %ge3A_34, %add3A_32, %mul3A_36 : vector<256x128xi1>, vector<256x128xf32>
    %get3A_37 = arith.constant 0 : index
    %get3A_38 = arith.constant 0 : index
    %get3A_39 = vector.load %arg5[%get3A_37, %get3A_38] : memref<1x128xf32, #tpu.memory_space<vmem>>, vector<1x128xf32>
    %mul3A_40 = vector.broadcast %get3A_39 : vector<1x128xf32> to vector<256x128xf32>
    %mul3A_41 = arith.mulf %select_n3A, %mul3A_40 : vector<256x128xf32>
    %reduce_sum3A_42 = arith.constant dense<0.000000e+00> : vector<256xf32>
    %reduce_sum3A_43 = vector.multi_reduction <add>, %mul3A_41, %reduce_sum3A_42 [1] : vector<256x128xf32> to vector<256xf32>
    %broadcast_in_dim3A_44 = vector.shape_cast %reduce_sum3A_43 : vector<256xf32> to vector<256x1xf32>
    %get3A_45 = arith.constant 0 : index
    %get3A_46 = arith.constant 0 : index
    %get3A_47 = vector.load %arg6[%get3A_45, %get3A_46] : memref<1x1xf32, #tpu.memory_space<vmem>>, vector<1x1xf32>
    %add3A_48 = vector.broadcast %get3A_47 : vector<1x1xf32> to vector<256x1xf32>
    %add3A_49 = arith.addf %broadcast_in_dim3A_44, %add3A_48 : vector<256x1xf32>
    %neg3A = arith.constant 0.000000e+00 : f32
    %neg3A_50 = vector.broadcast %neg3A : f32 to vector<256x1xf32>
    %neg3A_51 = arith.subf %neg3A_50, %add3A_49 : vector<256x1xf32>
    %exp3A = math.exp %neg3A_51 : vector<256x1xf32>
    %add3A_52 = arith.constant 1.000000e+00 : f32
    %add3A_53 = vector.broadcast %add3A_52 : f32 to vector<256x1xf32>
    %add3A_54 = arith.addf %add3A_53, %exp3A : vector<256x1xf32>
    %div3A_55 = arith.constant 1.000000e+02 : f32
    %div3A_56 = vector.broadcast %div3A_55 : f32 to vector<256x1xf32>
    %div3A_57 = arith.divf %div3A_56, %add3A_54 : vector<256x1xf32>
    %swap3A = arith.constant 0 : index
    %swap3A_58 = arith.constant 0 : index
    %swap3A_59 = vector.load %arg7[%swap3A, %swap3A_58] : memref<256x1xf32, #tpu.memory_space<vmem>>, vector<256x1xf32>
    tpu.vector_store %arg7[%swap3A, %swap3A_58], %div3A_57 {strides = array<i32>} : memref<256x1xf32, #tpu.memory_space<vmem>>, vector<256x1xf32>,
    return
  }
}

</mosaic_0001>

<sc_bundles>
// kernel: kernel.12.cloned.1.call-start
scs
__scs_entry_jumppad:
0x0: {  	(pc) =	sbr.rel $0x88, $3  }
0x1: {  	(tag) =	ssettag $0x0;
	lr =	simm.s32 $0x1  }
0x2: {  	[smem:$0x3F94] =	sst lr;
	_ =	strace $0xD0000000  }
0x3: {  	_ = 	snop  }
0x4: {  	_ = 	snop  }
0x5: {  	_ = 	snop  }
0x6: {  	_ = 	snop  }
0x7: {  	_ = 	snop  }
__scs_overlays_trampoline_lowered:
0x8: {  	[smem:$0x3FA3] =	sst s0  }
0x9: {  	[smem:$0x3FA4] =	sst s1  }
0xa: {  	[smem:$0x3FA5] =	sst s2  }
0xb: {  	[smem:$0x3FA6] =	sst s3  }
0xc: {  	[smem:$0x3FA7] =	sst s4  }
0xd: {  	[smem:$0x3FA8] =	sst s5  }
0xe: {  	[smem:$0x3FA9] =	sst s6  }
0xf: {  	[smem:$0x3FAA] =	sst s7  }
0x10: {  	[smem:$0x3FAB] =	sst s8  }
0x11: {  	[smem:$0x3FAC] =	sst s9;
	s0 =	simm.s32 @!p0 $0x0  }
0x12: {  	s1 =	sld [smem:$0x3F92];
	s0 =	simm.s32 @p0 $0x1  }
0x13: {  	[smem:$0x3FAD] =	sst s0;
	s0 =	simm.s32 @!p1 $0x0  }
0x14: {  	s2 =	sld [smem:$0x3F91];
	s0 =	simm.s32 @p1 $0x1  }
0x15: {  	[smem:$0x3FAE] =	sst s0;
	s0 =	simm.s32 @!p2 $0x0  }
0x16: {  	s3 =	sld [smem:$0x3FDB];
	s0 =	simm.s32 @p2 $0x1  }
0x17: {  	s4 =	simm.s32 $0x1BF5;
	[smem:$0x3FB0] =	sst s0  }
0x18: {  	s0 =	sld [smem:$0x3F93];
	_ =	swait.ge [sflag:s4], $0x0  }
0x19: {  	s7 =	sld [smem:$0x3F94]  }
0x1a: {  	s8 =	sadd.s32 $0xFFFFE003, lr  }
0x1b: {  	s9 =	sadd.s32 $0xFFFFFEF7, lr;
	s5 =	simm.s32 $0xFFFFFFFF;
	p2 =	slt.u32 s8, $0xFFFFF086  }
0x1c: {  	p1 =	slt.u32 s9, $0xF7A;
	s5 =	simm.s32 @!p2 $0x0  }
0x1d: {  	s5 =	simm.s32 @p1 $0x1;
	p0 =	seq.s32 s7, s2  }
0x1e: {  	s7 =	smul.u32 @!p0 $0xF7A, s2;
	p2 =	seq.s32 @!p0 s5, $0x0  }
0x1f: {  	s9 =	smul.u32 $0xF7A, s1;
	s8 =	simm.s32 @!p0 $0x1BF5;
	p2 =	por !p2, p0  }
0x20: {  	[sflag:s8] =	ssyncset.s32 @!p0 $0xFFFFF086;
	s6 =	sadd.s32 @!p0 s3, s7;
	s7 =	simm.s32 @!p0 $0x108  }
0x21: {  	s3 =	sadd.s32 s3, s9;
	s6 =	sadd.s32 @!p0 $0x88, s6;
	s7 =	simm.s32 @p2 $0x1082  }
0x22: {  	[simem:s7], [sflag:s8] =	dma.local @!p0 [hbm:s6], $0xF7A  }
0x23: {  	s9 =	sor.u32 $0xD0000000, s2;
	s6 =	simm.s32 $0x108;
	_ =	swait.ge @!p0 [sflag:s8], $0x0  }
0x24: {  	s3 =	sadd.s32 $0x88, s3;
	s6 =	simm.s32 @!p1 $0x1082;
	[sflag:s4] =	ssyncset.s32 $0xFFFFF086  }
0x25: {  	[simem:s6], [sflag:s4] =	dma.local [hbm:s3], $0xF7A  }
0x26: {  	[smem:$0x3F94] =	sst s1;
	(tag) =	ssettag s2;
	_ =	strace s9  }
0x27: {  	s1 =	sld [smem:$0x3FA4]  }
0x28: {  	s2 =	sld [smem:$0x3FA5]  }
0x29: {  	s4 =	sld [smem:$0x3FA7]  }
0x2a: {  	p0 =	seq.s32 s5, $0x0;
	s5 =	sld [smem:$0x3FA8]  }
0x2b: {  	s6 =	sld [smem:$0x3FA9]  }
0x2c: {  	s7 =	sld [smem:$0x3FAA]  }
0x2d: {  	s3 =	simm.s32 $0x108;
	s8 =	sld [smem:$0x3FAB]  }
0x2e: {  	s3 =	simm.s32 @!p0 $0x1082;
	s9 =	sld [smem:$0x3FAC]  }
0x2f: {  	lr =	sadd.s32 s0, s3;
	s0 =	sld [smem:$0x3FA3]  }
0x30: {  	s3 =	sld [smem:$0x3FA6]  }
0x31: {  	[smem:$0x3FAF] =	sst s10  }
0x32: {  	s10 =	sld [smem:$0x3FAD];
	_ =	sdelay $0x3  }
0x33: {  	p0 =	seq.s32 s10, $0x1;
	s10 =	sld [smem:$0x3FAF];
	_ =	sdelay $0x3  }
0x34: {  	[smem:$0x3FAF] =	sst s10  }
0x35: {  	s10 =	sld [smem:$0x3FAE];
	_ =	sdelay $0x3  }
0x36: {  	p1 =	seq.s32 s10, $0x1;
	s10 =	sld [smem:$0x3FAF];
	_ =	sdelay $0x3  }
0x37: {  	[smem:$0x3FAF] =	sst s10  }
0x38: {  	s10 =	sld [smem:$0x3FB0]  }
0x39: {  	_ = 	snop;
	(pc) =	sbr.ind lr, $3  }
0x3a: {  	_ = 	snop  }
0x3b: {  	_ = 	snop  }
0x3c: {  	p2 =	seq.s32 s10, $0x1;
	s10 =	sld [smem:$0x3FAF]  }
0x3d: {  	_ =	shalt  }
0x3e: {  	_ =	shalt  }
0x3f: {  	_ =	shalt  }
0x40: {  	_ =	shalt  }
0x41: {  	_ =	shalt  }
0x42: {  	_ =	shalt  }
0x43: {  	_ =	shalt  }
0x44: {  	_ =	shalt  }
0x45: {  	_ =	shalt  }
0x46: {  	_ =	shalt  }
0x47: {  	_ =	shalt  }
0x48: {  	_ =	shalt  }
0x49: {  	_ =	shalt  }
0x4a: {  	_ =	shalt  }
0x4b: {  	_ =	shalt  }
0x4c: {  	_ =	shalt  }
0x4d: {  	_ =	shalt  }
0x4e: {  	_ =	shalt  }
0x4f: {  	_ =	shalt  }
0x50: {  	_ =	shalt  }
0x51: {  	_ =	shalt  }
0x52: {  	_ =	shalt  }
0x53: {  	_ =	shalt  }
0x54: {  	_ =	shalt  }
0x55: {  	_ =	shalt  }
0x56: {  	_ =	shalt  }
0x57: {  	_ =	shalt  }
0x58: {  	_ =	shalt  }
0x59: {  	_ =	shalt  }
0x5a: {  	_ =	shalt  }
0x5b: {  	_ =	shalt  }
0x5c: {  	_ =	shalt  }
0x5d: {  	_ =	shalt  }
0x5e: {  	_ =	shalt  }
0x5f: {  	_ =	shalt  }
0x60: {  	_ =	shalt  }
0x61: {  	_ =	shalt  }
0x62: {  	_ =	shalt  }
0x63: {  	_ =	shalt  }
0x64: {  	_ =	shalt  }
0x65: {  	_ =	shalt  }
0x66: {  	_ =	shalt  }
0x67: {  	_ =	shalt  }
0x68: {  	_ =	shalt  }
0x69: {  	_ =	shalt  }
0x6a: {  	_ =	shalt  }
0x6b: {  	_ =	shalt  }
0x6c: {  	_ =	shalt  }
0x6d: {  	_ =	shalt  }
0x6e: {  	_ =	shalt  }
0x6f: {  	_ =	shalt  }
0x70: {  	_ =	shalt  }
0x71: {  	_ =	shalt  }
0x72: {  	_ =	shalt  }
0x73: {  	_ =	shalt  }
0x74: {  	_ =	shalt  }
0x75: {  	_ =	shalt  }
0x76: {  	_ =	shalt  }
0x77: {  	_ =	shalt  }
0x78: {  	_ =	shalt  }
0x79: {  	_ =	shalt  }
0x7a: {  	_ =	shalt  }
0x7b: {  	_ =	shalt  }
0x7c: {  	_ =	shalt  }
0x7d: {  	_ =	shalt  }
0x7e: {  	_ =	shalt  }
0x7f: {  	_ =	shalt  }
0x80: {  	_ =	shalt  }
0x81: {  	_ =	shalt  }
0x82: {  	_ =	shalt  }
0x83: {  	_ =	shalt  }
0x84: {  	_ =	shalt  }
0x85: {  	_ =	shalt  }
0x86: {  	_ =	shalt  }
0x87: {  	_ =	shalt  }
.Lfunc_end0:
.L_simem_size_0:
called_computation_lowered:
.L_overlay_start_0:
0x88: {  	s2 =	sld [smem:$0x3FD9]  }
0x89: {  	s3 =	sld [smem:$0x3FFE];
	_ =	sdelay $0x1  }
0x8a: {  	s1 =	srdreg.scid  }
0x8b: {  	s0 =	sand.u32 $0x1, s1  }
0x8c: {  	s16 =	sshll.u32 s0, $0xA;
	s2 =	sadd.s32 s3, s2  }
0x8d: {  	s2 =	sadd.s32 s2, s16  }
0x8e: {  	[smem:$0x3FBB] =	sst s2  }
0x8f: {  	_ = 	snop  }
0x90: {  	(tm) =	ssettm $0x1  }
0x91: {  	s17 =	sld [smem:$0x3FFB];
	_ =	sdelay $0x3  }
0x92: {  	_ =	strace s17  }
0x93: {  	s2 =	sld [smem:$0x3FFC];
	_ =	sdelay $0x3  }
0x94: {  	_ =	strace s2  }
0x95: {  	s2 =	sld [smem:$0x3FFD];
	_ =	sdelay $0x3  }
0x96: {  	_ =	strace s2  }
0x97: {  	_ =	strace $0x8FFFFFFF  }
0x98: {  	s18 =	sld [smem:$0x3FDB];
	_ =	sdelay $0x1  }
0x99: {  	s19 =	simm.s32 $_scs_section_size  }
0x9a: {  	s4 =	simm.s32 $_size__tile_overlayer_lowered;
	s5 =	simm.s32 $_tile_overlayer_lowered  }
0x9b: {  	s22 =	simm.s32 $0x1BFF;
	s21 =	sshll.u32 s5, $0x1;
	s2 =	sadd.s32 s19, s18  }
0x9c: {  	s6 =	simm.s32 $0x0;
	s20 =	sshll.u32 s4, $0x1;
	s4 =	sadd.s32 s21, s2  }
0x9d: {  	[timem:s6], [sflag:s22] =	dma.local [hbm:s4], s20  }
0x9e: {  	_ =	swait.ge [sflag:s22], s20  }
0x9f: {  	s3 =	ssub.s32 $0x0, s20;
	[sflag:s22] =	ssyncset.done $0x0  }
0xa0: {  	[sflag:s22] =	ssyncadd.s32 s3;
	_ =	sdelay $0x1  }
0xa1: {  	s23 =	simm.s32 $0x1B8B  }
0xa2: {  	_ =	swait.ge [sflag:s23], $0x1  }
0xa3: {  	[sflag:s23] =	ssyncset.done $0x0  }
0xa4: {  	s25 =	simm.s32 $0x1B8E;
	s24 =	sld [smem:$0x3FFE];
	[sflag:s23] =	ssyncadd.s32 $0xFFFFFFFF  }
0xa5: {  	s26 =	simm.s32 $execute0_lowered;
	[smem:$0x3FD2] =	sst s25  }
0xa6: {  	s4 =	sshll.u32 s26, $0x1;
	_ =	strace $0x80000046;
	[dreg:$0x1] =	wrdreg $0xFFFFFFFF  }
0xa7: {  	s28 =	simm.s32 $_size_execute0_lowered;
	s2 =	sadd.s32 s2, s4;
	[dreg:$0x0] =	wrdreg $0x0  }
0xa8: {  	s4 =	sshll.u32 s28, $0x1;
	[dreg:$0x2] =	wrdreg s2  }
0xa9: {  	[dreg:$0x3] =	wrdreg s4  }
0xaa: {  	[dreg:$0x4] =	wrdreg $0xC0  }
0xab: {  	_ =	task [dreg:s6], $0x5FFFF  }
0xac: {  	[dreg:$0x1] =	wrdreg $0xFFFFFFFF  }
0xad: {  	[dreg:$0x0] =	wrdreg $0x60  }
0xae: {  	[dreg:$0x2] =	wrdreg s24  }
0xaf: {  	[dreg:$0x3] =	wrdreg $0x41000  }
0xb0: {  	[dreg:$0x4] =	wrdreg $0x9  }
0xb1: {  	_ =	task.clear_ibuf [dreg:s6], $0x5FFFF;
	_ =	strace $0x90000046  }
0xb2: {  	s29 =	simm.s32 $0x9;
	_ =	strace $0x80000048  }
0xb3: {  	_ =	swait.ge [sflag:s29], $0x1  }
0xb4: {  	[sflag:s29] =	ssyncadd.s32 $0xFFFFFFFF  }
0xb5: {  	_ =	strace $0x90000048  }
0xb6: {  	_ =	sfence  }
0xb7: {  	s30 =	sld [smem:$0x0];
	_ =	sdelay $0x2  }
0xb8: {  	s31 =	sshll.u32 s1, $0xD;
	s1 =	sshrl.u32 s1, $0x2  }
0xb9: {  	s3 =	sand.u32 $0x4000, s31;
	s1 =	sadd.s32 s1, s30  }
0xba: {  	s0 =	sor.u32 s3, s0;
	s1 =	sshll.u32 s1, $0x11  }
0xbb: {  	s0 =	sor.u32 s1, s0  }
0xbc: {  	s0 =	sadd.s32 $0x8F2B, s0  }
0xbd: {  	[sflag:s0] =	ssyncadd.remote.s32 $0x1  }
0xbe: {  	_ =	sfence.sel $0xFFFF  }
0xbf: {  	[dreg:$0x0] =	wrdreg $0xFFFFFFFF;
	(pc) =	sbr.abs _section_cstart, $3  }
0xc0: {  	[dreg:$0x1] =	wrdreg $0xFFFFFFFF  }
0xc1: {  	_ =	task.clear_ibuf [dreg:s6], $0x2FFFF;
	_ =	strace $0x9FFFFFFF  }
0xc2: {  	(tm) =	ssettm $0x7FFFFFFF  }
0xc3: {  	_ =	shalt  }
tec
execute0_lowered:
.L_overlay_start_1:
0x0: {  	(tag) =	ssettag $0x1  }
0x1: {  	s4 =	rddreg [dreg:$0x0]  }
0x2: {  	s1 =	rddreg [dreg:$0x1];
	s2 =	srdreg.scid  }
0x3: {  	s0 =	rddreg [dreg:$0x2];
	s3 =	simm.s32 $0x0;
	s15 =	simm.s32 $0x100  }
0x4: {  	s16 =	simm.s32 $0x3;
	s17 =	simm.s32 $0x80;
	s5 =	sand.u32 $0x1, s2  }
0x5: {  	s18 =	simm.s32 $0x1;
	s2 =	stileid.u32;
	s6 =	smul.u32 $0x140000, s5  }
0x6: {  	s19 =	simm.s32 $0x2;
	s20 =	simm.s32 $0x0;
	s7 =	smul.u32 $0x14000, s2  }
0x7: {  	[smem:$0x7FF] =	sst s3;
	s12 =	sadd.s32 $0x4A00, s4;
	s26 =	smul.u32 $0x50000, s2  }
0x8: {  	_ =	strace $0x80000047;
	s8 =	sshll.u32 s5, $0x4;
	s10 =	smul.u32 $0x500, s5  }
0x9: {  	s28 =	ssub.s32 $0x2, s5;
	s31 =	smul.u32 $0x50, s2;
	s25 =	sor.u32 s2, s8  }
0xa: {  	s29 =	sshrl.u32 s28, $0x1;
	s6 =	sadd.s32 s7, s6;
	s7 =	smul.u32 $0x500, s25  }
0xb: {  	s30 =	sshrl.u32 s26, $0x2;
	s11 =	ssub.s32 s28, s29;
	s10 =	sadd.s32 s31, s10  }
0xc: {  	s6 =	sshrl.u32 s6, $0x3;
	s8 =	smax.u32 s11, $0x1;
	s13 =	sshll.u32 s10, $0x4  }
0xd: {  	s9 =	sadd.s32 s6, s4;
	s4 =	sadd.s32 s30, s1;
	s5 =	sadd.s32 s12, s7  }
0xe: {  	s14 =	sadd.s32 s13, s12;
	s6 =	sadd.s32 $0x10, s5;
	s7 =	sadd.s32 $0x18A00, s9  }
0xf: {  	s9 =	sadd.s32 $0x4000, s4;
	s10 =	sadd.s32 $0x8000, s4;
	s11 =	sadd.s32 $0xC000, s4  }
0x10: {  	v0 =	vimm.f32 $0.0e+00;
	v1 =	vimm.f32 $1.000000000e+00;
	s12 =	sadd.s32 $0x10000, s4;
	s13 =	sadd.s32 $0x30, s14;
	s14 =	sadd.s32 $0x20, s14  }
.LBB2_1:
0x11: {  	s21 =	sand.u32 $0xFE00, s3  }
0x12: {  	s22 =	sand.u32 $0x70, s3;
	s23 =	sshrl.u32 s21, $0x2  }
0x13: {  	s21 =	simm.s32 $0x40;
	s23 =	sor.u32 s22, s23;
	s22 =	simm.s32 $0x0  }
.LBB2_2:
0x14: {  	p0 =	sne.s32 s21, $0xFFC0  }
0x15: {  	[tilespmem:s23+$0x100] =	vst v0;
	s22 =	sadd.s32 $0x10, s22;
	s23 =	smov.u32 s21;
	s21 =	sadd.s32 $0x40, s21  }
.Ltmp0:
0x16: {  	(pc) =	sbr.rel @p0 .LBB2_2-.Ltmp0, $4  }
0x17: {  	_ = 	snop  }
0x18: {  	s23 =	sand.u32 $0xFE00, s23  }
0x19: {  	s24 =	sand.u32 $0x70, s22;
	s23 =	sshrl.u32 s23, $0x2  }
0x1a: {  	s23 =	sor.u32 s24, s23  }
0x1b: {  	[tilespmem:s23+$0x100] =	vst v0  }
0x1c: {  	[spmem:s4] =	stream.linear.scatter [tilespmem:s15], [sflag:$0x3], $0x4000, $0x38;
	[tilespmem:$0x18100] =	vst v63  }
0x1d: {  	_ =	swait.ge [sflag:s16], $0x4000  }
0x1e: {  	[sflag:s16] =	ssyncset.done $0x0  }
0x1f: {  	[sflag:s16] =	ssyncadd.s32 $0xFFFFC000  }
0x20: {  	[spmem:s9] =	stream.linear.scatter [tilespmem:s15], [sflag:$0x3], $0x4000, $0x38;
	[tilespmem:$0x18100] =	vst v63  }
0x21: {  	_ =	swait.ge [sflag:s16], $0x4000  }
0x22: {  	[sflag:s16] =	ssyncset.done $0x0  }
0x23: {  	[sflag:s16] =	ssyncadd.s32 $0xFFFFC000  }
0x24: {  	[spmem:s10] =	stream.linear.scatter [tilespmem:s15], [sflag:$0x3], $0x4000, $0x38;
	[tilespmem:$0x18100] =	vst v63  }
0x25: {  	_ =	swait.ge [sflag:s16], $0x4000  }
0x26: {  	[sflag:s16] =	ssyncset.done $0x0  }
0x27: {  	[sflag:s16] =	ssyncadd.s32 $0xFFFFC000  }
0x28: {  	[spmem:s11] =	stream.linear.scatter [tilespmem:s15], [sflag:$0x3], $0x4000, $0x38;
	[tilespmem:$0x18100] =	vst v63  }
0x29: {  	_ =	swait.ge [sflag:s16], $0x4000  }
0x2a: {  	[sflag:s16] =	ssyncset.done $0x0  }
0x2b: {  	s21 =	simm.s32 $0x0;
	[sflag:s16] =	ssyncadd.s32 $0xFFFFC000  }
0x2c: {  	[spmem:s12] =	stream.linear.scatter [tilespmem:s15], [sflag:$0x3], $0x4000, $0x38;
	[tilespmem:$0x18100] =	vst v63  }
0x2d: {  	s22 =	sand.u32 $0xFE00, s21;
	_ =	swait.ge [sflag:s16], $0x4000  }
0x2e: {  	s31 =	sand.u32 $0x70, s21;
	s24 =	sshrl.u32 s22, $0x2;
	[sflag:s16] =	ssyncset.done $0x0  }
0x2f: {  	s22 =	simm.s32 $0x40;
	s23 =	sor.u32 s31, s24;
	[sflag:s16] =	ssyncadd.s32 $0xFFFFC000  }
.LBB2_4:
0x30: {  	p0 =	sne.s32 s22, $0xFFC0  }
0x31: {  	[tilespmem:s23+$0x100] =	vst v1;
	s21 =	sadd.s32 $0x10, s21;
	s23 =	smov.u32 s22;
	s22 =	sadd.s32 $0x40, s22  }
.Ltmp1:
0x32: {  	(pc) =	sbr.rel @p0 .LBB2_4-.Ltmp1, $4  }
0x33: {  	_ = 	snop  }
0x34: {  	s23 =	sand.u32 $0xFE00, s23  }
0x35: {  	s24 =	sand.u32 $0x70, s21;
	s23 =	sshrl.u32 s23, $0x2  }
0x36: {  	s23 =	sor.u32 s24, s23  }
0x37: {  	[tilespmem:s23+$0x100] =	vst v1  }
0x38: {  	s21 =	simm.s32 $0x0;
	[bflag:$0x0] =	sbarrier.arrive $0xFFFF  }
0x39: {  	[tilespmem:s21], [sflag:$0x3] =	stream.linear.gather [hbm4b:s5+s21], $0x80, $0x38;
	[tilespmem:$0x18100] =	vst v63  }
0x3a: {  	_ =	swait.ge [sflag:s16], $0x80  }
0x3b: {  	[sflag:s16] =	ssyncset.done $0x0  }
0x3c: {  	[sflag:s16] =	ssyncadd.s32 $0xFFFFFF80  }
0x3d: {  	[spmem:s1] =	stream.indirect.scatter.add.f32 [tilespmem:s15], [sflag:$0x1], $0x80, s21, s17, $0xb8;
	[tilespmem:$0x18100] =	vst v63  }
0x3e: {  	_ = 	snop  }
0x3f: {  	[tilespmem:s17], [sflag:$0x3] =	stream.linear.gather [hbm4b:s6+s21], $0x80, $0x38;
	[tilespmem:$0x18100] =	vst v63  }
0x40: {  	_ =	swait.ge [sflag:s16], $0x80  }
0x41: {  	[sflag:s16] =	ssyncset.done $0x0  }
0x42: {  	[sflag:s16] =	ssyncadd.s32 $0xFFFFFF80  }
0x43: {  	[spmem:s1] =	stream.indirect.scatter.add.f32 [tilespmem:s15], [sflag:$0x2], $0x80, s17, s17, $0xb8;
	[tilespmem:$0x18100] =	vst v63  }
0x44: {  	_ =	swait.ge [sflag:s18], $0x4000  }
0x45: {  	[sflag:s18] =	ssyncset.done $0x0  }
0x46: {  	s30 =	sadd.s32 $0x0, s14;
	[sflag:s18] =	ssyncadd.s32 $0xFFFFC000  }
0x47: {  	[tilespmem:s3], [sflag:$0x3] =	stream.linear.gather [hbm4b:s30+s3], $0x80, $0x38;
	[tilespmem:$0x18100] =	vst v63  }
0x48: {  	_ =	swait.ge [sflag:s16], $0x80  }
0x49: {  	[sflag:s16] =	ssyncset.done $0x0  }
0x4a: {  	[sflag:s16] =	ssyncadd.s32 $0xFFFFFF80  }
0x4b: {  	[spmem:s1] =	stream.indirect.scatter.add.f32 [tilespmem:s15], [sflag:$0x1], $0x80, s3, s17, $0xb8;
	[tilespmem:$0x18100] =	vst v63  }
0x4c: {  	_ =	swait.ge [sflag:s19], $0x4000  }
0x4d: {  	[sflag:s19] =	ssyncset.done $0x0  }
0x4e: {  	s31 =	sadd.s32 $0x0, s13;
	[sflag:s19] =	ssyncadd.s32 $0xFFFFC000  }
0x4f: {  	[tilespmem:s17], [sflag:$0x3] =	stream.linear.gather [hbm4b:s31+s3], $0x80, $0x38;
	[tilespmem:$0x18100] =	vst v63  }
0x50: {  	_ =	swait.ge [sflag:s16], $0x80  }
0x51: {  	[sflag:s16] =	ssyncset.done $0x0  }
0x52: {  	s21 =	simm.s32 $0x20;
	[sflag:s16] =	ssyncadd.s32 $0xFFFFFF80  }
.LBB2_6:
0x53: {  	[spmem:s1] =	stream.indirect.scatter.add.f32 [tilespmem:s15], [sflag:$0x2], $0x80, s17, s17, $0xb8;
	[tilespmem:$0x18100] =	vst v63  }
0x54: {  	s22 =	smov.u32 s21  }
0x55: {  	p0 =	sne.s32 s21, $0x4C0;
	s21 =	sadd.s32 $0x20, s21;
	_ =	swait.ge [sflag:s18], $0x4000  }
0x56: {  	[sflag:s18] =	ssyncset.done $0x0  }
0x57: {  	s23 =	sadd.s32 s22, s14;
	[sflag:s18] =	ssyncadd.s32 $0xFFFFC000  }
0x58: {  	[tilespmem:s3], [sflag:$0x3] =	stream.linear.gather [hbm4b:s23+s3], $0x80, $0x38;
	[tilespmem:$0x18100] =	vst v63  }
0x59: {  	_ =	swait.ge [sflag:s16], $0x80  }
0x5a: {  	[sflag:s16] =	ssyncset.done $0x0  }
0x5b: {  	[sflag:s16] =	ssyncadd.s32 $0xFFFFFF80  }
0x5c: {  	[spmem:s1] =	stream.indirect.scatter.add.f32 [tilespmem:s15], [sflag:$0x1], $0x80, s3, s17, $0xb8;
	[tilespmem:$0x18100] =	vst v63  }
0x5d: {  	_ =	swait.ge [sflag:s19], $0x4000  }
0x5e: {  	[sflag:s19] =	ssyncset.done $0x0  }
.Ltmp2:
0x5f: {  	s22 =	sadd.s32 s22, s13;
	[sflag:s19] =	ssyncadd.s32 $0xFFFFC000;
	(pc) =	sbr.rel @p0 .LBB2_6-.Ltmp2, $4  }
0x60: {  	[tilespmem:s17], [sflag:$0x3] =	stream.linear.gather [hbm4b:s22+s3], $0x80, $0x38;
	[tilespmem:$0x18100] =	vst v63  }
0x61: {  	_ =	swait.ge [sflag:s16], $0x80  }
0x62: {  	[sflag:s16] =	ssyncset.done $0x0  }
0x63: {  	[sflag:s16] =	ssyncadd.s32 $0xFFFFFF80  }
0x64: {  	[spmem:s1] =	stream.indirect.scatter.add.f32 [tilespmem:s15], [sflag:$0x2], $0x80, s17, s17, $0xb8;
	[tilespmem:$0x18100] =	vst v63  }
0x65: {  	_ =	swait.ge [sflag:s18], $0x4000  }
0x66: {  	[sflag:s18] =	ssyncset.done $0x0  }
0x67: {  	[sflag:s18] =	ssyncadd.s32 $0xFFFFC000  }
0x68: {  	_ =	swait.ge [sflag:s19], $0x4000  }
0x69: {  	s21 =	sshll.u32 s2, $0x6;
	s20 =	sadd.s32 $0x1, s20;
	[sflag:s19] =	ssyncset.done $0x0  }
0x6a: {  	s22 =	sshrl.u32 s4, $0x3;
	p0 =	sne.s32 s20, s8;
	[sflag:s19] =	ssyncadd.s32 $0xFFFFC000  }
.Ltmp3:
0x6b: {  	s21 =	sor.u32 $0x1C03, s21;
	[bflag:$0x0] =	sbarrier.arrive $0xFFFF;
	(pc) =	sbr.rel @p0 .LBB2_1-.Ltmp3, $4  }
0x6c: {  	[hbm:s7], [sflag:s21] =	dma.local [spmem:s22], $0x2800  }
0x6d: {  	_ =	swait.ge [sflag:s16], $0x2800  }
0x6e: {  	[sflag:s16] =	ssyncset.done $0x0  }
0x6f: {  	[sflag:s16] =	ssyncadd.s32 $0xFFFFD800  }
0x70: {  	_ =	sfence.sel $0x180000  }
0x71: {  	[bflag:$0x0] =	sbarrier.arrive $0xFFFF  }
0x72: {  	p0 =	sne.s32 s2, $0x0;
	_ =	strace $0x90000047  }
0x73: {  	s0 =	sadd.s32 @!p0 $0x100000, s0;
	[bflag:$0x2] =	sbarrier.arrive $0xFFFF  }
0x74: {  	[sflag:s0] =	ssyncadd.tile.s32 @!p0 $0x1;
	_ =	shalt  }
.Lfunc_end2:
_tile_overlayer_lowered:
.L_overlay_start_2:
0x75: {  	(tag) =	ssettag $0x2  }
0x76: {  	s0 =	rddreg [dreg:$0x0];
	s2 =	stileid.u32  }
0x77: {  	s1 =	rddreg [dreg:$0x1];
	p0 =	sne.s32 s2, $0x0  }
0x78: {  	s3 =	rddreg [dreg:$0x2];
	[bflag:$0x3] =	sbarrier.arrive $0xFFFF;
	s2 =	simm.s32 @!p0 $0x1C03  }
0x79: {  	[timem:s3], [sflag:s2] =	dma.local @!p0 [hbm:s0], s1  }
0x7a: {  	s0 =	simm.s32 @!p0 $0x3  }
0x7b: {  	_ =	swait.ge @!p0 [sflag:s0], s1  }
0x7c: {  	s1 =	ssub.s32 @!p0 $0x0, s1;
	[sflag:s0] =	ssyncset.done @!p0 $0x0  }
0x7d: {  	[sflag:s0] =	ssyncadd.s32 @!p0 s1  }
0x7e: {  	[bflag:$0x3] =	sbarrier.arrive $0xFFFF  }
0x7f: {  	_ =	shalt  }

// kernel: kernel.15.cloned.1.call-start
scs
__scs_entry_jumppad:
0x0: {  	(pc) =	sbr.rel $0x88, $3  }
0x1: {  	(tag) =	ssettag $0x0;
	lr =	simm.s32 $0x1  }
0x2: {  	[smem:$0x3F94] =	sst lr;
	_ =	strace $0xD0000000  }
0x3: {  	_ = 	snop  }
0x4: {  	_ = 	snop  }
0x5: {  	_ = 	snop  }
0x6: {  	_ = 	snop  }
0x7: {  	_ = 	snop  }
__scs_overlays_trampoline_lowered:
0x8: {  	[smem:$0x3FA3] =	sst s0  }
0x9: {  	[smem:$0x3FA4] =	sst s1  }
0xa: {  	[smem:$0x3FA5] =	sst s2  }
0xb: {  	[smem:$0x3FA6] =	sst s3  }
0xc: {  	[smem:$0x3FA7] =	sst s4  }
0xd: {  	[smem:$0x3FA8] =	sst s5  }
0xe: {  	[smem:$0x3FA9] =	sst s6  }
0xf: {  	[smem:$0x3FAA] =	sst s7  }
0x10: {  	[smem:$0x3FAB] =	sst s8  }
0x11: {  	[smem:$0x3FAC] =	sst s9;
	s0 =	simm.s32 @!p0 $0x0  }
0x12: {  	s1 =	sld [smem:$0x3F92];
	s0 =	simm.s32 @p0 $0x1  }
0x13: {  	[smem:$0x3FAD] =	sst s0;
	s0 =	simm.s32 @!p1 $0x0  }
0x14: {  	s2 =	sld [smem:$0x3F91];
	s0 =	simm.s32 @p1 $0x1  }
0x15: {  	[smem:$0x3FAE] =	sst s0;
	s0 =	simm.s32 @!p2 $0x0  }
0x16: {  	s3 =	sld [smem:$0x3FDB];
	s0 =	simm.s32 @p2 $0x1  }
0x17: {  	s4 =	simm.s32 $0x1BF5;
	[smem:$0x3FB0] =	sst s0  }
0x18: {  	s0 =	sld [smem:$0x3F93];
	_ =	swait.ge [sflag:s4], $0x0  }
0x19: {  	s7 =	sld [smem:$0x3F94]  }
0x1a: {  	s8 =	sadd.s32 $0xFFFFE003, lr  }
0x1b: {  	s9 =	sadd.s32 $0xFFFFFEF7, lr;
	s5 =	simm.s32 $0xFFFFFFFF;
	p2 =	slt.u32 s8, $0xFFFFF086  }
0x1c: {  	p1 =	slt.u32 s9, $0xF7A;
	s5 =	simm.s32 @!p2 $0x0  }
0x1d: {  	s5 =	simm.s32 @p1 $0x1;
	p0 =	seq.s32 s7, s2  }
0x1e: {  	s7 =	smul.u32 @!p0 $0xF7A, s2;
	p2 =	seq.s32 @!p0 s5, $0x0  }
0x1f: {  	s9 =	smul.u32 $0xF7A, s1;
	s8 =	simm.s32 @!p0 $0x1BF5;
	p2 =	por !p2, p0  }
0x20: {  	[sflag:s8] =	ssyncset.s32 @!p0 $0xFFFFF086;
	s6 =	sadd.s32 @!p0 s3, s7;
	s7 =	simm.s32 @!p0 $0x108  }
0x21: {  	s3 =	sadd.s32 s3, s9;
	s6 =	sadd.s32 @!p0 $0x88, s6;
	s7 =	simm.s32 @p2 $0x1082  }
0x22: {  	[simem:s7], [sflag:s8] =	dma.local @!p0 [hbm:s6], $0xF7A  }
0x23: {  	s9 =	sor.u32 $0xD0000000, s2;
	s6 =	simm.s32 $0x108;
	_ =	swait.ge @!p0 [sflag:s8], $0x0  }
0x24: {  	s3 =	sadd.s32 $0x88, s3;
	s6 =	simm.s32 @!p1 $0x1082;
	[sflag:s4] =	ssyncset.s32 $0xFFFFF086  }
0x25: {  	[simem:s6], [sflag:s4] =	dma.local [hbm:s3], $0xF7A  }
0x26: {  	[smem:$0x3F94] =	sst s1;
	(tag) =	ssettag s2;
	_ =	strace s9  }
0x27: {  	s1 =	sld [smem:$0x3FA4]  }
0x28: {  	s2 =	sld [smem:$0x3FA5]  }
0x29: {  	s4 =	sld [smem:$0x3FA7]  }
0x2a: {  	p0 =	seq.s32 s5, $0x0;
	s5 =	sld [smem:$0x3FA8]  }
0x2b: {  	s6 =	sld [smem:$0x3FA9]  }
0x2c: {  	s7 =	sld [smem:$0x3FAA]  }
0x2d: {  	s3 =	simm.s32 $0x108;
	s8 =	sld [smem:$0x3FAB]  }
0x2e: {  	s3 =	simm.s32 @!p0 $0x1082;
	s9 =	sld [smem:$0x3FAC]  }
0x2f: {  	lr =	sadd.s32 s0, s3;
	s0 =	sld [smem:$0x3FA3]  }
0x30: {  	s3 =	sld [smem:$0x3FA6]  }
0x31: {  	[smem:$0x3FAF] =	sst s10  }
0x32: {  	s10 =	sld [smem:$0x3FAD];
	_ =	sdelay $0x3  }
0x33: {  	p0 =	seq.s32 s10, $0x1;
	s10 =	sld [smem:$0x3FAF];
	_ =	sdelay $0x3  }
0x34: {  	[smem:$0x3FAF] =	sst s10  }
0x35: {  	s10 =	sld [smem:$0x3FAE];
	_ =	sdelay $0x3  }
0x36: {  	p1 =	seq.s32 s10, $0x1;
	s10 =	sld [smem:$0x3FAF];
	_ =	sdelay $0x3  }
0x37: {  	[smem:$0x3FAF] =	sst s10  }
0x38: {  	s10 =	sld [smem:$0x3FB0]  }
0x39: {  	_ = 	snop;
	(pc) =	sbr.ind lr, $3  }
0x3a: {  	_ = 	snop  }
0x3b: {  	_ = 	snop  }
0x3c: {  	p2 =	seq.s32 s10, $0x1;
	s10 =	sld [smem:$0x3FAF]  }
0x3d: {  	_ =	shalt  }
0x3e: {  	_ =	shalt  }
0x3f: {  	_ =	shalt  }
0x40: {  	_ =	shalt  }
0x41: {  	_ =	shalt  }
0x42: {  	_ =	shalt  }
0x43: {  	_ =	shalt  }
0x44: {  	_ =	shalt  }
0x45: {  	_ =	shalt  }
0x46: {  	_ =	shalt  }
0x47: {  	_ =	shalt  }
0x48: {  	_ =	shalt  }
0x49: {  	_ =	shalt  }
0x4a: {  	_ =	shalt  }
0x4b: {  	_ =	shalt  }
0x4c: {  	_ =	shalt  }
0x4d: {  	_ =	shalt  }
0x4e: {  	_ =	shalt  }
0x4f: {  	_ =	shalt  }
0x50: {  	_ =	shalt  }
0x51: {  	_ =	shalt  }
0x52: {  	_ =	shalt  }
0x53: {  	_ =	shalt  }
0x54: {  	_ =	shalt  }
0x55: {  	_ =	shalt  }
0x56: {  	_ =	shalt  }
0x57: {  	_ =	shalt  }
0x58: {  	_ =	shalt  }
0x59: {  	_ =	shalt  }
0x5a: {  	_ =	shalt  }
0x5b: {  	_ =	shalt  }
0x5c: {  	_ =	shalt  }
0x5d: {  	_ =	shalt  }
0x5e: {  	_ =	shalt  }
0x5f: {  	_ =	shalt  }
0x60: {  	_ =	shalt  }
0x61: {  	_ =	shalt  }
0x62: {  	_ =	shalt  }
0x63: {  	_ =	shalt  }
0x64: {  	_ =	shalt  }
0x65: {  	_ =	shalt  }
0x66: {  	_ =	shalt  }
0x67: {  	_ =	shalt  }
0x68: {  	_ =	shalt  }
0x69: {  	_ =	shalt  }
0x6a: {  	_ =	shalt  }
0x6b: {  	_ =	shalt  }
0x6c: {  	_ =	shalt  }
0x6d: {  	_ =	shalt  }
0x6e: {  	_ =	shalt  }
0x6f: {  	_ =	shalt  }
0x70: {  	_ =	shalt  }
0x71: {  	_ =	shalt  }
0x72: {  	_ =	shalt  }
0x73: {  	_ =	shalt  }
0x74: {  	_ =	shalt  }
0x75: {  	_ =	shalt  }
0x76: {  	_ =	shalt  }
0x77: {  	_ =	shalt  }
0x78: {  	_ =	shalt  }
0x79: {  	_ =	shalt  }
0x7a: {  	_ =	shalt  }
0x7b: {  	_ =	shalt  }
0x7c: {  	_ =	shalt  }
0x7d: {  	_ =	shalt  }
0x7e: {  	_ =	shalt  }
0x7f: {  	_ =	shalt  }
0x80: {  	_ =	shalt  }
0x81: {  	_ =	shalt  }
0x82: {  	_ =	shalt  }
0x83: {  	_ =	shalt  }
0x84: {  	_ =	shalt  }
0x85: {  	_ =	shalt  }
0x86: {  	_ =	shalt  }
0x87: {  	_ =	shalt  }
.Lfunc_end0:
.L_simem_size_0:
called_computation.1_lowered:
.L_overlay_start_0:
0x88: {  	s2 =	sld [smem:$0x3FD9]  }
0x89: {  	s3 =	sld [smem:$0x3FFE];
	_ =	sdelay $0x1  }
0x8a: {  	s1 =	srdreg.scid  }
0x8b: {  	s0 =	sand.u32 $0x1, s1  }
0x8c: {  	s16 =	sshll.u32 s0, $0xA;
	s2 =	sadd.s32 s3, s2  }
0x8d: {  	s2 =	sadd.s32 s2, s16  }
0x8e: {  	[smem:$0x3FBB] =	sst s2  }
0x8f: {  	_ = 	snop  }
0x90: {  	(tm) =	ssettm $0x1  }
0x91: {  	s17 =	sld [smem:$0x3FFB];
	_ =	sdelay $0x3  }
0x92: {  	_ =	strace s17  }
0x93: {  	s2 =	sld [smem:$0x3FFC];
	_ =	sdelay $0x3  }
0x94: {  	_ =	strace s2  }
0x95: {  	s2 =	sld [smem:$0x3FFD];
	_ =	sdelay $0x3  }
0x96: {  	_ =	strace s2  }
0x97: {  	_ =	strace $0x8FFFFFFF  }
0x98: {  	s18 =	sld [smem:$0x3FDB];
	_ =	sdelay $0x1  }
0x99: {  	s19 =	simm.s32 $_scs_section_size  }
0x9a: {  	s4 =	simm.s32 $_size__tile_overlayer_lowered;
	s5 =	simm.s32 $_tile_overlayer_lowered  }
0x9b: {  	s22 =	simm.s32 $0x1BFF;
	s21 =	sshll.u32 s5, $0x1;
	s2 =	sadd.s32 s19, s18  }
0x9c: {  	s6 =	simm.s32 $0x0;
	s20 =	sshll.u32 s4, $0x1;
	s4 =	sadd.s32 s21, s2  }
0x9d: {  	[timem:s6], [sflag:s22] =	dma.local [hbm:s4], s20  }
0x9e: {  	_ =	swait.ge [sflag:s22], s20  }
0x9f: {  	s3 =	ssub.s32 $0x0, s20;
	[sflag:s22] =	ssyncset.done $0x0  }
0xa0: {  	[sflag:s22] =	ssyncadd.s32 s3;
	_ =	sdelay $0x1  }
0xa1: {  	s23 =	simm.s32 $0x1B8B  }
0xa2: {  	_ =	swait.ge [sflag:s23], $0x1  }
0xa3: {  	[sflag:s23] =	ssyncset.done $0x0  }
0xa4: {  	s25 =	simm.s32 $0x1B8E;
	s24 =	sld [smem:$0x3FFE];
	[sflag:s23] =	ssyncadd.s32 $0xFFFFFFFF  }
0xa5: {  	s26 =	simm.s32 $execute0_lowered;
	[smem:$0x3FD2] =	sst s25  }
0xa6: {  	s4 =	sshll.u32 s26, $0x1;
	_ =	strace $0x80000049;
	[dreg:$0x1] =	wrdreg $0xFFFFFFFF  }
0xa7: {  	s28 =	simm.s32 $_size_execute0_lowered;
	s2 =	sadd.s32 s2, s4;
	[dreg:$0x0] =	wrdreg $0x0  }
0xa8: {  	s4 =	sshll.u32 s28, $0x1;
	[dreg:$0x2] =	wrdreg s2  }
0xa9: {  	[dreg:$0x3] =	wrdreg s4  }
0xaa: {  	[dreg:$0x4] =	wrdreg $0xC0  }
0xab: {  	_ =	task [dreg:s6], $0x5FFFF  }
0xac: {  	[dreg:$0x1] =	wrdreg $0xFFFFFFFF  }
0xad: {  	[dreg:$0x0] =	wrdreg $0x60  }
0xae: {  	[dreg:$0x2] =	wrdreg s24  }
0xaf: {  	[dreg:$0x3] =	wrdreg $0x82000  }
0xb0: {  	[dreg:$0x4] =	wrdreg $0x9  }
0xb1: {  	_ =	task.clear_ibuf [dreg:s6], $0x5FFFF;
	_ =	strace $0x90000049  }
0xb2: {  	s29 =	simm.s32 $0x9;
	_ =	strace $0x8000004B  }
0xb3: {  	_ =	swait.ge [sflag:s29], $0x1  }
0xb4: {  	[sflag:s29] =	ssyncadd.s32 $0xFFFFFFFF  }
0xb5: {  	_ =	strace $0x9000004B  }
0xb6: {  	_ =	sfence  }
0xb7: {  	s30 =	sld [smem:$0x0];
	_ =	sdelay $0x2  }
0xb8: {  	s31 =	sshll.u32 s1, $0xD;
	s1 =	sshrl.u32 s1, $0x2  }
0xb9: {  	s3 =	sand.u32 $0x4000, s31;
	s1 =	sadd.s32 s1, s30  }
0xba: {  	s0 =	sor.u32 s3, s0;
	s1 =	sshll.u32 s1, $0x11  }
0xbb: {  	s0 =	sor.u32 s1, s0  }
0xbc: {  	s0 =	sadd.s32 $0x8F2B, s0  }
0xbd: {  	[sflag:s0] =	ssyncadd.remote.s32 $0x1  }
0xbe: {  	_ =	sfence.sel $0xFFFF  }
0xbf: {  	[dreg:$0x0] =	wrdreg $0xFFFFFFFF;
	(pc) =	sbr.abs _section_cstart, $3  }
0xc0: {  	[dreg:$0x1] =	wrdreg $0xFFFFFFFF  }
0xc1: {  	_ =	task.clear_ibuf [dreg:s6], $0x2FFFF;
	_ =	strace $0x9FFFFFFF  }
0xc2: {  	(tm) =	ssettm $0x7FFFFFFF  }
0xc3: {  	_ =	shalt  }
tec
execute0_lowered:
.L_overlay_start_1:
0x0: {  	(tag) =	ssettag $0x1  }
0x1: {  	s0 =	rddreg [dreg:$0x0]  }
0x2: {  	s1 =	rddreg [dreg:$0x1];
	s3 =	simm.s32 $0x0  }
0x3: {  	s2 =	srdreg.scid;
	s12 =	stileid.u32;
	s28 =	simm.s32 $0x1  }
0x4: {  	s29 =	simm.s32 $0x3;
	s30 =	simm.s32 $0x5;
	s6 =	smul.u32 $0x14000, s12  }
0x5: {  	s31 =	simm.s32 $0x2;
	[smem:$0x7FF] =	sst s3;
	s9 =	smul.u32 $0x50000, s12  }
0x6: {  	s2 =	sand.u32 $0x1, s2;
	s4 =	sadd.s32 $0x18A00, s0;
	s23 =	smul.u32 $0x50, s12  }
0x7: {  	s7 =	sadd.s32 $0xEA00, s0;
	s8 =	sadd.s32 $0x4A00, s0;
	s5 =	smul.u32 $0x140000, s2  }
0x8: {  	_ =	strace $0x8000004A;
	s19 =	sshll.u32 s2, $0x4;
	s10 =	ssub.s32 $0x2, s2  }
0x9: {  	s2 =	smul.u32 $0x500, s2;
	s11 =	sshrl.u32 s10, $0x1;
	s9 =	sshrl.u32 s9, $0x2  }
0xa: {  	s5 =	sadd.s32 s6, s5;
	s6 =	sor.u32 s12, s19;
	s11 =	ssub.s32 s10, s11  }
0xb: {  	s24 =	sadd.s32 s23, s2;
	s23 =	simm.s32 $0x80;
	s6 =	smul.u32 $0x500, s6  }
0xc: {  	s2 =	simm.s32 $0x6;
	s5 =	sshrl.u32 s5, $0x3;
	s11 =	smax.u32 s11, $0x1  }
0xd: {  	s0 =	sadd.s32 s5, s0;
	s5 =	sadd.s32 s9, s1;
	s20 =	sadd.s32 s7, s6  }
0xe: {  	s21 =	sor.u32 $0x10, s6;
	s6 =	sadd.s32 s8, s6;
	s0 =	sadd.s32 $0x40A00, s0  }
0xf: {  	s12 =	sadd.s32 $0x4000, s5;
	s13 =	sadd.s32 $0x8000, s5;
	[dreg:$0x3] =	wrdreg s20  }
0x10: {  	s14 =	sadd.s32 $0xC000, s5;
	s15 =	sadd.s32 $0x10000, s5;
	[dreg:$0x4] =	wrdreg s6  }
0x11: {  	s22 =	sadd.s32 s7, s21;
	s9 =	sadd.s32 s8, s21;
	[dreg:$0x7] =	wrdreg s0  }
0x12: {  	s0 =	sshll.u32 s24, $0x4;
	s20 =	simm.s32 $0x7;
	s21 =	simm.s32 $0x8000  }
0x13: {  	s24 =	simm.s32 $0x8080;
	s6 =	simm.s32 $0x0;
	[dreg:$0x5] =	wrdreg s22  }
0x14: {  	[dreg:$0x6] =	wrdreg s9;
	s25 =	sadd.s32 s0, s7;
	s26 =	sadd.s32 s0, s8  }
0x15: {  	s0 =	sor.u32 $0x20, s0;
	s22 =	simm.s32 $0x8100;
	s16 =	sadd.s32 $0x30, s25  }
0x16: {  	s17 =	sadd.s32 $0x30, s26;
	s18 =	sadd.s32 s0, s7;
	s19 =	sadd.s32 s0, s8  }
0x17: {  	v0 =	vimm.f32 $0.0e+00;
	s25 =	simm.s32 $0x8180;
	s26 =	simm.s32 $0x4000;
	s0 =	simm.s32 $0x4  }
.LBB2_1:
0x18: {  	s7 =	sand.u32 $0xFE00, s3  }
0x19: {  	s8 =	sand.u32 $0x70, s3;
	s9 =	sshrl.u32 s7, $0x2  }
0x1a: {  	s7 =	simm.s32 $0x40;
	s9 =	sor.u32 s8, s9;
	s8 =	simm.s32 $0x0  }
.LBB2_2:
0x1b: {  	p0 =	sne.s32 s7, $0xFFC0  }
0x1c: {  	[tilespmem:s9+$0x0] =	vst v0;
	s8 =	sadd.s32 $0x10, s8;
	s9 =	smov.u32 s7;
	s7 =	sadd.s32 $0x40, s7  }
.Ltmp0:
0x1d: {  	(pc) =	sbr.rel @p0 .LBB2_2-.Ltmp0, $4  }
0x1e: {  	_ = 	snop  }
0x1f: {  	s9 =	sand.u32 $0xFE00, s9  }
0x20: {  	s10 =	sand.u32 $0x70, s8;
	s9 =	sshrl.u32 s9, $0x2  }
0x21: {  	s9 =	sor.u32 s10, s9  }
0x22: {  	[tilespmem:s9+$0x0] =	vst v0;
	s7 =	simm.s32 $0x0  }
0x23: {  	[spmem:s5] =	stream.linear.scatter [tilespmem:s7], [sflag:$0x7], $0x4000, $0x38;
	[tilespmem:$0x1C200] =	vst v63  }
0x24: {  	_ =	swait.ge [sflag:s20], $0x4000  }
0x25: {  	[sflag:s20] =	ssyncset.done $0x0  }
0x26: {  	[sflag:s20] =	ssyncadd.s32 $0xFFFFC000  }
0x27: {  	[spmem:s12] =	stream.linear.scatter [tilespmem:s7], [sflag:$0x7], $0x4000, $0x38;
	[tilespmem:$0x1C200] =	vst v63  }
0x28: {  	_ =	swait.ge [sflag:s20], $0x4000  }
0x29: {  	[sflag:s20] =	ssyncset.done $0x0  }
0x2a: {  	[sflag:s20] =	ssyncadd.s32 $0xFFFFC000  }
0x2b: {  	[spmem:s13] =	stream.linear.scatter [tilespmem:s7], [sflag:$0x7], $0x4000, $0x38;
	[tilespmem:$0x1C200] =	vst v63  }
0x2c: {  	_ =	swait.ge [sflag:s20], $0x4000  }
0x2d: {  	[sflag:s20] =	ssyncset.done $0x0  }
0x2e: {  	[sflag:s20] =	ssyncadd.s32 $0xFFFFC000  }
0x2f: {  	[spmem:s14] =	stream.linear.scatter [tilespmem:s7], [sflag:$0x7], $0x4000, $0x38;
	[tilespmem:$0x1C200] =	vst v63  }
0x30: {  	_ =	swait.ge [sflag:s20], $0x4000  }
0x31: {  	[sflag:s20] =	ssyncset.done $0x0  }
0x32: {  	[sflag:s20] =	ssyncadd.s32 $0xFFFFC000  }
0x33: {  	[spmem:s15] =	stream.linear.scatter [tilespmem:s7], [sflag:$0x7], $0x4000, $0x38;
	[tilespmem:$0x1C200] =	vst v63  }
0x34: {  	_ =	swait.ge [sflag:s20], $0x4000  }
0x35: {  	[sflag:s20] =	ssyncset.done $0x0  }
0x36: {  	[sflag:s20] =	ssyncadd.s32 $0xFFFFC000  }
0x37: {  	[bflag:$0x0] =	sbarrier.arrive $0xFFFF  }
0x38: {  	s8 =	rddreg [dreg:$0x3]  }
0x39: {  	[tilespmem:s21], [sflag:$0x7] =	stream.linear.gather [hbm4b:s8+s7], $0x80, $0x38;
	[tilespmem:$0x1C200] =	vst v63  }
0x3a: {  	_ =	swait.ge [sflag:s20], $0x80  }
0x3b: {  	[sflag:s20] =	ssyncset.done $0x0  }
0x3c: {  	s9 =	rddreg [dreg:$0x4];
	[sflag:s20] =	ssyncadd.s32 $0xFFFFFF80  }
0x3d: {  	[tilespmem:s22], [sflag:$0x7] =	stream.linear.gather [hbm4b:s9+s7], $0x80, $0x38;
	[tilespmem:$0x1C200] =	vst v63  }
0x3e: {  	_ =	swait.ge [sflag:s20], $0x80  }
0x3f: {  	[sflag:s20] =	ssyncset.done $0x0  }
0x40: {  	[sflag:s20] =	ssyncadd.s32 $0xFFFFFF80  }
0x41: {  	[tilespmem:s7], [sflag:$0x1] =	stream.indirect.gather [hbm4b:s4+s23], $0x80, s21, s23, $0xb8;
	[tilespmem:$0x1C200] =	vst v63  }
0x42: {  	s10 =	rddreg [dreg:$0x5]  }
0x43: {  	[tilespmem:s24], [sflag:$0x7] =	stream.linear.gather [hbm4b:s10+s7], $0x80, $0x38;
	[tilespmem:$0x1C200] =	vst v63  }
0x44: {  	_ =	swait.ge [sflag:s20], $0x80  }
0x45: {  	[sflag:s20] =	ssyncset.done $0x0  }
0x46: {  	s9 =	rddreg [dreg:$0x6];
	[sflag:s20] =	ssyncadd.s32 $0xFFFFFF80  }
0x47: {  	[tilespmem:s25], [sflag:$0x7] =	stream.linear.gather [hbm4b:s9+s7], $0x80, $0x38;
	[tilespmem:$0x1C200] =	vst v63  }
0x48: {  	_ =	swait.ge [sflag:s20], $0x80  }
0x49: {  	[sflag:s20] =	ssyncset.done $0x0  }
0x4a: {  	[sflag:s20] =	ssyncadd.s32 $0xFFFFFF80  }
0x4b: {  	[tilespmem:s26], [sflag:$0x2] =	stream.indirect.gather [hbm4b:s4+s23], $0x80, s24, s23, $0xb8;
	[tilespmem:$0x1C200] =	vst v63  }
0x4c: {  	_ =	swait.ge [sflag:s28], $0x4000  }
0x4d: {  	[sflag:s28] =	ssyncset.done $0x0  }
0x4e: {  	[sflag:s28] =	ssyncadd.s32 $0xFFFFC000  }
0x4f: {  	[spmem:s1] =	stream.indirect.scatter.add.f32 [tilespmem:s3], [sflag:$0x3], $0x80, s22, s23, $0xb8;
	[tilespmem:$0x1C200] =	vst v63  }
0x50: {  	s10 =	sadd.s32 $0x0, s18  }
0x51: {  	[tilespmem:s21], [sflag:$0x5] =	stream.linear.gather [hbm4b:s10+s3], $0x80, $0x38;
	[tilespmem:$0x1C200] =	vst v63  }
0x52: {  	_ =	swait.ge [sflag:s29], $0x4000  }
0x53: {  	[sflag:s29] =	ssyncset.done $0x0  }
0x54: {  	s8 =	sadd.s32 $0x0, s19;
	[sflag:s29] =	ssyncadd.s32 $0xFFFFC000  }
0x55: {  	[tilespmem:s22], [sflag:$0x5] =	stream.linear.gather [hbm4b:s8+s3], $0x80, $0x38;
	[tilespmem:$0x1C200] =	vst v63  }
0x56: {  	_ =	swait.ge [sflag:s30], $0x80  }
0x57: {  	[sflag:s30] =	ssyncset.done $0x0  }
0x58: {  	[sflag:s30] =	ssyncadd.s32 $0xFFFFFF80  }
0x59: {  	_ =	swait.ge [sflag:s30], $0x80  }
0x5a: {  	[sflag:s30] =	ssyncset.done $0x0  }
0x5b: {  	[sflag:s30] =	ssyncadd.s32 $0xFFFFFF80  }
0x5c: {  	[tilespmem:s3], [sflag:$0x1] =	stream.indirect.gather [hbm4b:s4+s23], $0x80, s21, s23, $0xb8;
	[tilespmem:$0x1C200] =	vst v63  }
0x5d: {  	_ =	swait.ge [sflag:s31], $0x4000  }
0x5e: {  	[sflag:s31] =	ssyncset.done $0x0  }
0x5f: {  	[sflag:s31] =	ssyncadd.s32 $0xFFFFC000  }
0x60: {  	[spmem:s1] =	stream.indirect.scatter.add.f32 [tilespmem:s26], [sflag:$0x4], $0x80, s25, s23, $0xb8;
	[tilespmem:$0x1C200] =	vst v63  }
0x61: {  	s9 =	sadd.s32 $0x0, s16  }
0x62: {  	[tilespmem:s24], [sflag:$0x6] =	stream.linear.gather [hbm4b:s9+s3], $0x80, $0x38;
	[tilespmem:$0x1C200] =	vst v63  }
0x63: {  	_ =	swait.ge [sflag:s0], $0x4000  }
0x64: {  	[sflag:s0] =	ssyncset.done $0x0  }
0x65: {  	s10 =	sadd.s32 $0x0, s17;
	[sflag:s0] =	ssyncadd.s32 $0xFFFFC000  }
0x66: {  	[tilespmem:s25], [sflag:$0x6] =	stream.linear.gather [hbm4b:s10+s3], $0x80, $0x38;
	[tilespmem:$0x1C200] =	vst v63  }
0x67: {  	_ =	swait.ge [sflag:s2], $0x80  }
0x68: {  	[sflag:s2] =	ssyncset.done $0x0  }
0x69: {  	[sflag:s2] =	ssyncadd.s32 $0xFFFFFF80  }
0x6a: {  	_ =	swait.ge [sflag:s2], $0x80  }
0x6b: {  	[sflag:s2] =	ssyncset.done $0x0  }
0x6c: {  	s7 =	simm.s32 $0x20;
	[sflag:s2] =	ssyncadd.s32 $0xFFFFFF80  }
.LBB2_4:
0x6d: {  	[tilespmem:s26], [sflag:$0x2] =	stream.indirect.gather [hbm4b:s4+s23], $0x80, s24, s23, $0xb8;
	[tilespmem:$0x1C200] =	vst v63  }
0x6e: {  	s8 =	smov.u32 s7  }
0x6f: {  	p0 =	sne.s32 s7, $0x4C0;
	s7 =	sadd.s32 $0x20, s7;
	_ =	swait.ge [sflag:s28], $0x4000  }
0x70: {  	[sflag:s28] =	ssyncset.done $0x0  }
0x71: {  	[sflag:s28] =	ssyncadd.s32 $0xFFFFC000  }
0x72: {  	[spmem:s1] =	stream.indirect.scatter.add.f32 [tilespmem:s3], [sflag:$0x3], $0x80, s22, s23, $0xb8;
	[tilespmem:$0x1C200] =	vst v63  }
0x73: {  	s9 =	sadd.s32 s8, s18  }
0x74: {  	[tilespmem:s21], [sflag:$0x5] =	stream.linear.gather [hbm4b:s9+s3], $0x80, $0x38;
	[tilespmem:$0x1C200] =	vst v63  }
0x75: {  	_ =	swait.ge [sflag:s29], $0x4000  }
0x76: {  	[sflag:s29] =	ssyncset.done $0x0  }
0x77: {  	s9 =	sadd.s32 s8, s19;
	[sflag:s29] =	ssyncadd.s32 $0xFFFFC000  }
0x78: {  	[tilespmem:s22], [sflag:$0x5] =	stream.linear.gather [hbm4b:s9+s3], $0x80, $0x38;
	[tilespmem:$0x1C200] =	vst v63  }
0x79: {  	_ =	swait.ge [sflag:s30], $0x80  }
0x7a: {  	[sflag:s30] =	ssyncset.done $0x0  }
0x7b: {  	[sflag:s30] =	ssyncadd.s32 $0xFFFFFF80  }
0x7c: {  	_ =	swait.ge [sflag:s30], $0x80  }
0x7d: {  	[sflag:s30] =	ssyncset.done $0x0  }
0x7e: {  	[sflag:s30] =	ssyncadd.s32 $0xFFFFFF80  }
0x7f: {  	[tilespmem:s3], [sflag:$0x1] =	stream.indirect.gather [hbm4b:s4+s23], $0x80, s21, s23, $0xb8;
	[tilespmem:$0x1C200] =	vst v63  }
0x80: {  	_ =	swait.ge [sflag:s31], $0x4000  }
0x81: {  	[sflag:s31] =	ssyncset.done $0x0  }
0x82: {  	[sflag:s31] =	ssyncadd.s32 $0xFFFFC000  }
0x83: {  	[spmem:s1] =	stream.indirect.scatter.add.f32 [tilespmem:s26], [sflag:$0x4], $0x80, s25, s23, $0xb8;
	[tilespmem:$0x1C200] =	vst v63  }
0x84: {  	s9 =	sadd.s32 s8, s16  }
0x85: {  	[tilespmem:s24], [sflag:$0x6] =	stream.linear.gather [hbm4b:s9+s3], $0x80, $0x38;
	[tilespmem:$0x1C200] =	vst v63  }
0x86: {  	_ =	swait.ge [sflag:s0], $0x4000  }
0x87: {  	[sflag:s0] =	ssyncset.done $0x0  }
0x88: {  	s8 =	sadd.s32 s8, s17;
	[sflag:s0] =	ssyncadd.s32 $0xFFFFC000  }
0x89: {  	[tilespmem:s25], [sflag:$0x6] =	stream.linear.gather [hbm4b:s8+s3], $0x80, $0x38;
	[tilespmem:$0x1C200] =	vst v63  }
0x8a: {  	_ =	swait.ge [sflag:s2], $0x80  }
.Ltmp1:
0x8b: {  	[sflag:s2] =	ssyncset.done $0x0;
	(pc) =	sbr.rel @p0 .LBB2_4-.Ltmp1, $4  }
0x8c: {  	[sflag:s2] =	ssyncadd.s32 $0xFFFFFF80  }
0x8d: {  	_ =	swait.ge [sflag:s2], $0x80  }
0x8e: {  	[sflag:s2] =	ssyncset.done $0x0  }
0x8f: {  	[sflag:s2] =	ssyncadd.s32 $0xFFFFFF80  }
0x90: {  	[tilespmem:s26], [sflag:$0x2] =	stream.indirect.gather [hbm4b:s4+s23], $0x80, s24, s23, $0xb8;
	[tilespmem:$0x1C200] =	vst v63  }
0x91: {  	_ =	swait.ge [sflag:s28], $0x4000  }
0x92: {  	[sflag:s28] =	ssyncset.done $0x0  }
0x93: {  	[sflag:s28] =	ssyncadd.s32 $0xFFFFC000  }
0x94: {  	[spmem:s1] =	stream.indirect.scatter.add.f32 [tilespmem:s3], [sflag:$0x7], $0x80, s22, s23, $0xb8;
	[tilespmem:$0x1C200] =	vst v63  }
0x95: {  	_ =	swait.ge [sflag:s20], $0x4000  }
0x96: {  	[sflag:s20] =	ssyncset.done $0x0  }
0x97: {  	[sflag:s20] =	ssyncadd.s32 $0xFFFFC000  }
0x98: {  	_ =	swait.ge [sflag:s31], $0x4000  }
0x99: {  	[sflag:s31] =	ssyncset.done $0x0  }
0x9a: {  	[sflag:s31] =	ssyncadd.s32 $0xFFFFC000  }
0x9b: {  	[spmem:s1] =	stream.indirect.scatter.add.f32 [tilespmem:s26], [sflag:$0x7], $0x80, s25, s23, $0xb8;
	[tilespmem:$0x1C200] =	vst v63  }
0x9c: {  	_ =	swait.ge [sflag:s20], $0x4000  }
0x9d: {  	s7 =	stileid.u32;
	[sflag:s20] =	ssyncset.done $0x0  }
0x9e: {  	s8 =	sshrl.u32 s5, $0x3;
	s6 =	sadd.s32 $0x1, s6;
	[sflag:s20] =	ssyncadd.s32 $0xFFFFC000  }
0x9f: {  	s7 =	sshll.u32 s7, $0x6;
	p0 =	sne.s32 s6, s11;
	[bflag:$0x0] =	sbarrier.arrive $0xFFFF  }
.Ltmp2:
0xa0: {  	s7 =	sor.u32 $0x1C07, s7;
	s9 =	rddreg [dreg:$0x7];
	(pc) =	sbr.rel @p0 .LBB2_1-.Ltmp2, $4  }
0xa1: {  	[hbm:s9], [sflag:s7] =	dma.local [spmem:s8], $0x2800  }
0xa2: {  	_ =	swait.ge [sflag:s20], $0x2800  }
0xa3: {  	[sflag:s20] =	ssyncset.done $0x0  }
0xa4: {  	[sflag:s20] =	ssyncadd.s32 $0xFFFFD800  }
0xa5: {  	_ =	sfence.sel $0x180000  }
0xa6: {  	[bflag:$0x0] =	sbarrier.arrive $0xFFFF  }
0xa7: {  	_ =	strace $0x9000004A  }
0xa8: {  	s0 =	stileid.u32;
	[bflag:$0x2] =	sbarrier.arrive $0xFFFF  }
0xa9: {  	p0 =	sne.s32 s0, $0x0;
	s0 =	rddreg [dreg:$0x2]  }
0xaa: {  	s0 =	sadd.s32 @!p0 $0x100000, s0  }
0xab: {  	[sflag:s0] =	ssyncadd.tile.s32 @!p0 $0x1;
	_ =	shalt  }
.Lfunc_end2:
_tile_overlayer_lowered:
.L_overlay_start_2:
0xac: {  	(tag) =	ssettag $0x2  }
0xad: {  	s0 =	rddreg [dreg:$0x0];
	s2 =	stileid.u32  }
0xae: {  	s1 =	rddreg [dreg:$0x1];
	p0 =	sne.s32 s2, $0x0  }
0xaf: {  	s3 =	rddreg [dreg:$0x2];
	[bflag:$0x3] =	sbarrier.arrive $0xFFFF;
	s2 =	simm.s32 @!p0 $0x1C07  }
0xb0: {  	[timem:s3], [sflag:s2] =	dma.local @!p0 [hbm:s0], s1  }
0xb1: {  	s0 =	simm.s32 @!p0 $0x7  }
0xb2: {  	_ =	swait.ge @!p0 [sflag:s0], s1  }
0xb3: {  	s1 =	ssub.s32 @!p0 $0x0, s1;
	[sflag:s0] =	ssyncset.done @!p0 $0x0  }
0xb4: {  	[sflag:s0] =	ssyncadd.s32 @!p0 s1  }
0xb5: {  	[bflag:$0x3] =	sbarrier.arrive $0xFFFF  }
0xb6: {  	_ =	shalt  }

// kernel: kernel.18.cloned.1.call-start
scs
__scs_entry_jumppad:
0x0: {  	(pc) =	sbr.rel $0x88, $3  }
0x1: {  	(tag) =	ssettag $0x0;
	lr =	simm.s32 $0x1  }
0x2: {  	[smem:$0x3F94] =	sst lr;
	_ =	strace $0xD0000000  }
0x3: {  	_ = 	snop  }
0x4: {  	_ = 	snop  }
0x5: {  	_ = 	snop  }
0x6: {  	_ = 	snop  }
0x7: {  	_ = 	snop  }
__scs_overlays_trampoline_lowered:
0x8: {  	[smem:$0x3FA3] =	sst s0  }
0x9: {  	[smem:$0x3FA4] =	sst s1  }
0xa: {  	[smem:$0x3FA5] =	sst s2  }
0xb: {  	[smem:$0x3FA6] =	sst s3  }
0xc: {  	[smem:$0x3FA7] =	sst s4  }
0xd: {  	[smem:$0x3FA8] =	sst s5  }
0xe: {  	[smem:$0x3FA9] =	sst s6  }
0xf: {  	[smem:$0x3FAA] =	sst s7  }
0x10: {  	[smem:$0x3FAB] =	sst s8  }
0x11: {  	[smem:$0x3FAC] =	sst s9;
	s0 =	simm.s32 @!p0 $0x0  }
0x12: {  	s1 =	sld [smem:$0x3F92];
	s0 =	simm.s32 @p0 $0x1  }
0x13: {  	[smem:$0x3FAD] =	sst s0;
	s0 =	simm.s32 @!p1 $0x0  }
0x14: {  	s2 =	sld [smem:$0x3F91];
	s0 =	simm.s32 @p1 $0x1  }
0x15: {  	[smem:$0x3FAE] =	sst s0;
	s0 =	simm.s32 @!p2 $0x0  }
0x16: {  	s3 =	sld [smem:$0x3FDB];
	s0 =	simm.s32 @p2 $0x1  }
0x17: {  	s4 =	simm.s32 $0x1BF5;
	[smem:$0x3FB0] =	sst s0  }
0x18: {  	s0 =	sld [smem:$0x3F93];
	_ =	swait.ge [sflag:s4], $0x0  }
0x19: {  	s7 =	sld [smem:$0x3F94]  }
0x1a: {  	s8 =	sadd.s32 $0xFFFFE003, lr  }
0x1b: {  	s9 =	sadd.s32 $0xFFFFFEF7, lr;
	s5 =	simm.s32 $0xFFFFFFFF;
	p2 =	slt.u32 s8, $0xFFFFF086  }
0x1c: {  	p1 =	slt.u32 s9, $0xF7A;
	s5 =	simm.s32 @!p2 $0x0  }
0x1d: {  	s5 =	simm.s32 @p1 $0x1;
	p0 =	seq.s32 s7, s2  }
0x1e: {  	s7 =	smul.u32 @!p0 $0xF7A, s2;
	p2 =	seq.s32 @!p0 s5, $0x0  }
0x1f: {  	s9 =	smul.u32 $0xF7A, s1;
	s8 =	simm.s32 @!p0 $0x1BF5;
	p2 =	por !p2, p0  }
0x20: {  	[sflag:s8] =	ssyncset.s32 @!p0 $0xFFFFF086;
	s6 =	sadd.s32 @!p0 s3, s7;
	s7 =	simm.s32 @!p0 $0x108  }
0x21: {  	s3 =	sadd.s32 s3, s9;
	s6 =	sadd.s32 @!p0 $0x88, s6;
	s7 =	simm.s32 @p2 $0x1082  }
0x22: {  	[simem:s7], [sflag:s8] =	dma.local @!p0 [hbm:s6], $0xF7A  }
0x23: {  	s9 =	sor.u32 $0xD0000000, s2;
	s6 =	simm.s32 $0x108;
	_ =	swait.ge @!p0 [sflag:s8], $0x0  }
0x24: {  	s3 =	sadd.s32 $0x88, s3;
	s6 =	simm.s32 @!p1 $0x1082;
	[sflag:s4] =	ssyncset.s32 $0xFFFFF086  }
0x25: {  	[simem:s6], [sflag:s4] =	dma.local [hbm:s3], $0xF7A  }
0x26: {  	[smem:$0x3F94] =	sst s1;
	(tag) =	ssettag s2;
	_ =	strace s9  }
0x27: {  	s1 =	sld [smem:$0x3FA4]  }
0x28: {  	s2 =	sld [smem:$0x3FA5]  }
0x29: {  	s4 =	sld [smem:$0x3FA7]  }
0x2a: {  	p0 =	seq.s32 s5, $0x0;
	s5 =	sld [smem:$0x3FA8]  }
0x2b: {  	s6 =	sld [smem:$0x3FA9]  }
0x2c: {  	s7 =	sld [smem:$0x3FAA]  }
0x2d: {  	s3 =	simm.s32 $0x108;
	s8 =	sld [smem:$0x3FAB]  }
0x2e: {  	s3 =	simm.s32 @!p0 $0x1082;
	s9 =	sld [smem:$0x3FAC]  }
0x2f: {  	lr =	sadd.s32 s0, s3;
	s0 =	sld [smem:$0x3FA3]  }
0x30: {  	s3 =	sld [smem:$0x3FA6]  }
0x31: {  	[smem:$0x3FAF] =	sst s10  }
0x32: {  	s10 =	sld [smem:$0x3FAD];
	_ =	sdelay $0x3  }
0x33: {  	p0 =	seq.s32 s10, $0x1;
	s10 =	sld [smem:$0x3FAF];
	_ =	sdelay $0x3  }
0x34: {  	[smem:$0x3FAF] =	sst s10  }
0x35: {  	s10 =	sld [smem:$0x3FAE];
	_ =	sdelay $0x3  }
0x36: {  	p1 =	seq.s32 s10, $0x1;
	s10 =	sld [smem:$0x3FAF];
	_ =	sdelay $0x3  }
0x37: {  	[smem:$0x3FAF] =	sst s10  }
0x38: {  	s10 =	sld [smem:$0x3FB0]  }
0x39: {  	_ = 	snop;
	(pc) =	sbr.ind lr, $3  }
0x3a: {  	_ = 	snop  }
0x3b: {  	_ = 	snop  }
0x3c: {  	p2 =	seq.s32 s10, $0x1;
	s10 =	sld [smem:$0x3FAF]  }
0x3d: {  	_ =	shalt  }
0x3e: {  	_ =	shalt  }
0x3f: {  	_ =	shalt  }
0x40: {  	_ =	shalt  }
0x41: {  	_ =	shalt  }
0x42: {  	_ =	shalt  }
0x43: {  	_ =	shalt  }
0x44: {  	_ =	shalt  }
0x45: {  	_ =	shalt  }
0x46: {  	_ =	shalt  }
0x47: {  	_ =	shalt  }
0x48: {  	_ =	shalt  }
0x49: {  	_ =	shalt  }
0x4a: {  	_ =	shalt  }
0x4b: {  	_ =	shalt  }
0x4c: {  	_ =	shalt  }
0x4d: {  	_ =	shalt  }
0x4e: {  	_ =	shalt  }
0x4f: {  	_ =	shalt  }
0x50: {  	_ =	shalt  }
0x51: {  	_ =	shalt  }
0x52: {  	_ =	shalt  }
0x53: {  	_ =	shalt  }
0x54: {  	_ =	shalt  }
0x55: {  	_ =	shalt  }
0x56: {  	_ =	shalt  }
0x57: {  	_ =	shalt  }
0x58: {  	_ =	shalt  }
0x59: {  	_ =	shalt  }
0x5a: {  	_ =	shalt  }
0x5b: {  	_ =	shalt  }
0x5c: {  	_ =	shalt  }
0x5d: {  	_ =	shalt  }
0x5e: {  	_ =	shalt  }
0x5f: {  	_ =	shalt  }
0x60: {  	_ =	shalt  }
0x61: {  	_ =	shalt  }
0x62: {  	_ =	shalt  }
0x63: {  	_ =	shalt  }
0x64: {  	_ =	shalt  }
0x65: {  	_ =	shalt  }
0x66: {  	_ =	shalt  }
0x67: {  	_ =	shalt  }
0x68: {  	_ =	shalt  }
0x69: {  	_ =	shalt  }
0x6a: {  	_ =	shalt  }
0x6b: {  	_ =	shalt  }
0x6c: {  	_ =	shalt  }
0x6d: {  	_ =	shalt  }
0x6e: {  	_ =	shalt  }
0x6f: {  	_ =	shalt  }
0x70: {  	_ =	shalt  }
0x71: {  	_ =	shalt  }
0x72: {  	_ =	shalt  }
0x73: {  	_ =	shalt  }
0x74: {  	_ =	shalt  }
0x75: {  	_ =	shalt  }
0x76: {  	_ =	shalt  }
0x77: {  	_ =	shalt  }
0x78: {  	_ =	shalt  }
0x79: {  	_ =	shalt  }
0x7a: {  	_ =	shalt  }
0x7b: {  	_ =	shalt  }
0x7c: {  	_ =	shalt  }
0x7d: {  	_ =	shalt  }
0x7e: {  	_ =	shalt  }
0x7f: {  	_ =	shalt  }
0x80: {  	_ =	shalt  }
0x81: {  	_ =	shalt  }
0x82: {  	_ =	shalt  }
0x83: {  	_ =	shalt  }
0x84: {  	_ =	shalt  }
0x85: {  	_ =	shalt  }
0x86: {  	_ =	shalt  }
0x87: {  	_ =	shalt  }
.Lfunc_end0:
.L_simem_size_0:
called_computation.2_lowered:
.L_overlay_start_0:
0x88: {  	s2 =	sld [smem:$0x3FD9]  }
0x89: {  	s3 =	sld [smem:$0x3FFE];
	_ =	sdelay $0x1  }
0x8a: {  	s1 =	srdreg.scid  }
0x8b: {  	s0 =	sand.u32 $0x1, s1  }
0x8c: {  	s16 =	sshll.u32 s0, $0xA;
	s2 =	sadd.s32 s3, s2  }
0x8d: {  	s2 =	sadd.s32 s2, s16  }
0x8e: {  	[smem:$0x3FBB] =	sst s2  }
0x8f: {  	_ = 	snop  }
0x90: {  	(tm) =	ssettm $0x1  }
0x91: {  	s17 =	sld [smem:$0x3FFB];
	_ =	sdelay $0x3  }
0x92: {  	_ =	strace s17  }
0x93: {  	s2 =	sld [smem:$0x3FFC];
	_ =	sdelay $0x3  }
0x94: {  	_ =	strace s2  }
0x95: {  	s2 =	sld [smem:$0x3FFD];
	_ =	sdelay $0x3  }
0x96: {  	_ =	strace s2  }
0x97: {  	_ =	strace $0x8FFFFFFF  }
0x98: {  	s18 =	sld [smem:$0x3FDB];
	_ =	sdelay $0x1  }
0x99: {  	s19 =	simm.s32 $_scs_section_size  }
0x9a: {  	s4 =	simm.s32 $_size__tile_overlayer_lowered;
	s5 =	simm.s32 $_tile_overlayer_lowered  }
0x9b: {  	s22 =	simm.s32 $0x1BFF;
	s21 =	sshll.u32 s5, $0x1;
	s2 =	sadd.s32 s19, s18  }
0x9c: {  	s6 =	simm.s32 $0x0;
	s20 =	sshll.u32 s4, $0x1;
	s4 =	sadd.s32 s21, s2  }
0x9d: {  	[timem:s6], [sflag:s22] =	dma.local [hbm:s4], s20  }
0x9e: {  	_ =	swait.ge [sflag:s22], s20  }
0x9f: {  	s3 =	ssub.s32 $0x0, s20;
	[sflag:s22] =	ssyncset.done $0x0  }
0xa0: {  	[sflag:s22] =	ssyncadd.s32 s3;
	_ =	sdelay $0x1  }
0xa1: {  	s23 =	simm.s32 $0x1B8B  }
0xa2: {  	_ =	swait.ge [sflag:s23], $0x1  }
0xa3: {  	[sflag:s23] =	ssyncset.done $0x0  }
0xa4: {  	s25 =	simm.s32 $0x1B8E;
	s24 =	sld [smem:$0x3FFE];
	[sflag:s23] =	ssyncadd.s32 $0xFFFFFFFF  }
0xa5: {  	s26 =	simm.s32 $execute0_lowered;
	[smem:$0x3FD2] =	sst s25  }
0xa6: {  	s4 =	sshll.u32 s26, $0x1;
	_ =	strace $0x8000004C;
	[dreg:$0x1] =	wrdreg $0xFFFFFFFF  }
0xa7: {  	s28 =	simm.s32 $_size_execute0_lowered;
	s2 =	sadd.s32 s2, s4;
	[dreg:$0x0] =	wrdreg $0x0  }
0xa8: {  	s4 =	sshll.u32 s28, $0x1;
	[dreg:$0x2] =	wrdreg s2  }
0xa9: {  	[dreg:$0x3] =	wrdreg s4  }
0xaa: {  	[dreg:$0x4] =	wrdreg $0xC0  }
0xab: {  	_ =	task [dreg:s6], $0x5FFFF  }
0xac: {  	[dreg:$0x1] =	wrdreg $0xFFFFFFFF  }
0xad: {  	[dreg:$0x0] =	wrdreg $0x60  }
0xae: {  	[dreg:$0x2] =	wrdreg s24  }
0xaf: {  	[dreg:$0x3] =	wrdreg $0x82000  }
0xb0: {  	[dreg:$0x4] =	wrdreg $0x9  }
0xb1: {  	_ =	task.clear_ibuf [dreg:s6], $0x5FFFF;
	_ =	strace $0x9000004C  }
0xb2: {  	s29 =	simm.s32 $0x9;
	_ =	strace $0x8000004E  }
0xb3: {  	_ =	swait.ge [sflag:s29], $0x1  }
0xb4: {  	[sflag:s29] =	ssyncadd.s32 $0xFFFFFFFF  }
0xb5: {  	_ =	strace $0x9000004E  }
0xb6: {  	_ =	sfence  }
0xb7: {  	s30 =	sld [smem:$0x0];
	_ =	sdelay $0x2  }
0xb8: {  	s31 =	sshll.u32 s1, $0xD;
	s1 =	sshrl.u32 s1, $0x2  }
0xb9: {  	s3 =	sand.u32 $0x4000, s31;
	s1 =	sadd.s32 s1, s30  }
0xba: {  	s0 =	sor.u32 s3, s0;
	s1 =	sshll.u32 s1, $0x11  }
0xbb: {  	s0 =	sor.u32 s1, s0  }
0xbc: {  	s0 =	sadd.s32 $0x8F2B, s0  }
0xbd: {  	[sflag:s0] =	ssyncadd.remote.s32 $0x1  }
0xbe: {  	_ =	sfence.sel $0xFFFF  }
0xbf: {  	[dreg:$0x0] =	wrdreg $0xFFFFFFFF;
	(pc) =	sbr.abs _section_cstart, $3  }
0xc0: {  	[dreg:$0x1] =	wrdreg $0xFFFFFFFF  }
0xc1: {  	_ =	task.clear_ibuf [dreg:s6], $0x2FFFF;
	_ =	strace $0x9FFFFFFF  }
0xc2: {  	(tm) =	ssettm $0x7FFFFFFF  }
0xc3: {  	_ =	shalt  }
tec
execute0_lowered:
.L_overlay_start_1:
0x0: {  	(tag) =	ssettag $0x1  }
0x1: {  	s0 =	rddreg [dreg:$0x0]  }
0x2: {  	s1 =	rddreg [dreg:$0x1];
	s3 =	simm.s32 $0x0  }
0x3: {  	s2 =	srdreg.scid;
	s12 =	stileid.u32;
	s28 =	simm.s32 $0x1  }
0x4: {  	s29 =	simm.s32 $0x3;
	s30 =	simm.s32 $0x5;
	s6 =	smul.u32 $0x14000, s12  }
0x5: {  	s31 =	simm.s32 $0x2;
	[smem:$0x7FF] =	sst s3;
	s9 =	smul.u32 $0x50000, s12  }
0x6: {  	s2 =	sand.u32 $0x1, s2;
	s4 =	sadd.s32 $0x18A00, s0;
	s23 =	smul.u32 $0x50, s12  }
0x7: {  	s7 =	sadd.s32 $0xEA00, s0;
	s8 =	sadd.s32 $0x4A00, s0;
	s5 =	smul.u32 $0x140000, s2  }
0x8: {  	_ =	strace $0x8000004D;
	s19 =	sshll.u32 s2, $0x4;
	s10 =	ssub.s32 $0x2, s2  }
0x9: {  	s2 =	smul.u32 $0x500, s2;
	s11 =	sshrl.u32 s10, $0x1;
	s9 =	sshrl.u32 s9, $0x2  }
0xa: {  	s5 =	sadd.s32 s6, s5;
	s6 =	sor.u32 s12, s19;
	s11 =	ssub.s32 s10, s11  }
0xb: {  	s24 =	sadd.s32 s23, s2;
	s23 =	simm.s32 $0x80;
	s6 =	smul.u32 $0x500, s6  }
0xc: {  	s2 =	simm.s32 $0x6;
	s5 =	sshrl.u32 s5, $0x3;
	s11 =	smax.u32 s11, $0x1  }
0xd: {  	s0 =	sadd.s32 s5, s0;
	s5 =	sadd.s32 s9, s1;
	s20 =	sadd.s32 s7, s6  }
0xe: {  	s21 =	sor.u32 $0x10, s6;
	s6 =	sadd.s32 s8, s6;
	s0 =	sadd.s32 $0x40A00, s0  }
0xf: {  	s12 =	sadd.s32 $0x4000, s5;
	s13 =	sadd.s32 $0x8000, s5;
	[dreg:$0x3] =	wrdreg s20  }
0x10: {  	s14 =	sadd.s32 $0xC000, s5;
	s15 =	sadd.s32 $0x10000, s5;
	[dreg:$0x4] =	wrdreg s6  }
0x11: {  	s22 =	sadd.s32 s7, s21;
	s9 =	sadd.s32 s8, s21;
	[dreg:$0x7] =	wrdreg s0  }
0x12: {  	s0 =	sshll.u32 s24, $0x4;
	s20 =	simm.s32 $0x7;
	s21 =	simm.s32 $0x8000  }
0x13: {  	s24 =	simm.s32 $0x8080;
	s6 =	simm.s32 $0x0;
	[dreg:$0x5] =	wrdreg s22  }
0x14: {  	[dreg:$0x6] =	wrdreg s9;
	s25 =	sadd.s32 s0, s7;
	s26 =	sadd.s32 s0, s8  }
0x15: {  	s0 =	sor.u32 $0x20, s0;
	s22 =	simm.s32 $0x8100;
	s16 =	sadd.s32 $0x30, s25  }
0x16: {  	s17 =	sadd.s32 $0x30, s26;
	s18 =	sadd.s32 s0, s7;
	s19 =	sadd.s32 s0, s8  }
0x17: {  	v0 =	vimm.f32 $0.0e+00;
	s25 =	simm.s32 $0x8180;
	s26 =	simm.s32 $0x4000;
	s0 =	simm.s32 $0x4  }
.LBB2_1:
0x18: {  	s7 =	sand.u32 $0xFE00, s3  }
0x19: {  	s8 =	sand.u32 $0x70, s3;
	s9 =	sshrl.u32 s7, $0x2  }
0x1a: {  	s7 =	simm.s32 $0x40;
	s9 =	sor.u32 s8, s9;
	s8 =	simm.s32 $0x0  }
.LBB2_2:
0x1b: {  	p0 =	sne.s32 s7, $0xFFC0  }
0x1c: {  	[tilespmem:s9+$0x0] =	vst v0;
	s8 =	sadd.s32 $0x10, s8;
	s9 =	smov.u32 s7;
	s7 =	sadd.s32 $0x40, s7  }
.Ltmp0:
0x1d: {  	(pc) =	sbr.rel @p0 .LBB2_2-.Ltmp0, $4  }
0x1e: {  	_ = 	snop  }
0x1f: {  	s9 =	sand.u32 $0xFE00, s9  }
0x20: {  	s10 =	sand.u32 $0x70, s8;
	s9 =	sshrl.u32 s9, $0x2  }
0x21: {  	s9 =	sor.u32 s10, s9  }
0x22: {  	[tilespmem:s9+$0x0] =	vst v0;
	s7 =	simm.s32 $0x0  }
0x23: {  	[spmem:s5] =	stream.linear.scatter [tilespmem:s7], [sflag:$0x7], $0x4000, $0x38;
	[tilespmem:$0x1C200] =	vst v63  }
0x24: {  	_ =	swait.ge [sflag:s20], $0x4000  }
0x25: {  	[sflag:s20] =	ssyncset.done $0x0  }
0x26: {  	[sflag:s20] =	ssyncadd.s32 $0xFFFFC000  }
0x27: {  	[spmem:s12] =	stream.linear.scatter [tilespmem:s7], [sflag:$0x7], $0x4000, $0x38;
	[tilespmem:$0x1C200] =	vst v63  }
0x28: {  	_ =	swait.ge [sflag:s20], $0x4000  }
0x29: {  	[sflag:s20] =	ssyncset.done $0x0  }
0x2a: {  	[sflag:s20] =	ssyncadd.s32 $0xFFFFC000  }
0x2b: {  	[spmem:s13] =	stream.linear.scatter [tilespmem:s7], [sflag:$0x7], $0x4000, $0x38;
	[tilespmem:$0x1C200] =	vst v63  }
0x2c: {  	_ =	swait.ge [sflag:s20], $0x4000  }
0x2d: {  	[sflag:s20] =	ssyncset.done $0x0  }
0x2e: {  	[sflag:s20] =	ssyncadd.s32 $0xFFFFC000  }
0x2f: {  	[spmem:s14] =	stream.linear.scatter [tilespmem:s7], [sflag:$0x7], $0x4000, $0x38;
	[tilespmem:$0x1C200] =	vst v63  }
0x30: {  	_ =	swait.ge [sflag:s20], $0x4000  }
0x31: {  	[sflag:s20] =	ssyncset.done $0x0  }
0x32: {  	[sflag:s20] =	ssyncadd.s32 $0xFFFFC000  }
0x33: {  	[spmem:s15] =	stream.linear.scatter [tilespmem:s7], [sflag:$0x7], $0x4000, $0x38;
	[tilespmem:$0x1C200] =	vst v63  }
0x34: {  	_ =	swait.ge [sflag:s20], $0x4000  }
0x35: {  	[sflag:s20] =	ssyncset.done $0x0  }
0x36: {  	[sflag:s20] =	ssyncadd.s32 $0xFFFFC000  }
0x37: {  	[bflag:$0x0] =	sbarrier.arrive $0xFFFF  }
0x38: {  	s8 =	rddreg [dreg:$0x3]  }
0x39: {  	[tilespmem:s21], [sflag:$0x7] =	stream.linear.gather [hbm4b:s8+s7], $0x80, $0x38;
	[tilespmem:$0x1C200] =	vst v63  }
0x3a: {  	_ =	swait.ge [sflag:s20], $0x80  }
0x3b: {  	[sflag:s20] =	ssyncset.done $0x0  }
0x3c: {  	s9 =	rddreg [dreg:$0x4];
	[sflag:s20] =	ssyncadd.s32 $0xFFFFFF80  }
0x3d: {  	[tilespmem:s22], [sflag:$0x7] =	stream.linear.gather [hbm4b:s9+s7], $0x80, $0x38;
	[tilespmem:$0x1C200] =	vst v63  }
0x3e: {  	_ =	swait.ge [sflag:s20], $0x80  }
0x3f: {  	[sflag:s20] =	ssyncset.done $0x0  }
0x40: {  	[sflag:s20] =	ssyncadd.s32 $0xFFFFFF80  }
0x41: {  	[tilespmem:s7], [sflag:$0x1] =	stream.indirect.gather [hbm4b:s4+s23], $0x80, s21, s23, $0xb8;
	[tilespmem:$0x1C200] =	vst v63  }
0x42: {  	s10 =	rddreg [dreg:$0x5]  }
0x43: {  	[tilespmem:s24], [sflag:$0x7] =	stream.linear.gather [hbm4b:s10+s7], $0x80, $0x38;
	[tilespmem:$0x1C200] =	vst v63  }
0x44: {  	_ =	swait.ge [sflag:s20], $0x80  }
0x45: {  	[sflag:s20] =	ssyncset.done $0x0  }
0x46: {  	s9 =	rddreg [dreg:$0x6];
	[sflag:s20] =	ssyncadd.s32 $0xFFFFFF80  }
0x47: {  	[tilespmem:s25], [sflag:$0x7] =	stream.linear.gather [hbm4b:s9+s7], $0x80, $0x38;
	[tilespmem:$0x1C200] =	vst v63  }
0x48: {  	_ =	swait.ge [sflag:s20], $0x80  }
0x49: {  	[sflag:s20] =	ssyncset.done $0x0  }
0x4a: {  	[sflag:s20] =	ssyncadd.s32 $0xFFFFFF80  }
0x4b: {  	[tilespmem:s26], [sflag:$0x2] =	stream.indirect.gather [hbm4b:s4+s23], $0x80, s24, s23, $0xb8;
	[tilespmem:$0x1C200] =	vst v63  }
0x4c: {  	_ =	swait.ge [sflag:s28], $0x4000  }
0x4d: {  	[sflag:s28] =	ssyncset.done $0x0  }
0x4e: {  	[sflag:s28] =	ssyncadd.s32 $0xFFFFC000  }
0x4f: {  	[spmem:s1] =	stream.indirect.scatter.add.f32 [tilespmem:s3], [sflag:$0x3], $0x80, s22, s23, $0xb8;
	[tilespmem:$0x1C200] =	vst v63  }
0x50: {  	s10 =	sadd.s32 $0x0, s18  }
0x51: {  	[tilespmem:s21], [sflag:$0x5] =	stream.linear.gather [hbm4b:s10+s3], $0x80, $0x38;
	[tilespmem:$0x1C200] =	vst v63  }
0x52: {  	_ =	swait.ge [sflag:s29], $0x4000  }
0x53: {  	[sflag:s29] =	ssyncset.done $0x0  }
0x54: {  	s8 =	sadd.s32 $0x0, s19;
	[sflag:s29] =	ssyncadd.s32 $0xFFFFC000  }
0x55: {  	[tilespmem:s22], [sflag:$0x5] =	stream.linear.gather [hbm4b:s8+s3], $0x80, $0x38;
	[tilespmem:$0x1C200] =	vst v63  }
0x56: {  	_ =	swait.ge [sflag:s30], $0x80  }
0x57: {  	[sflag:s30] =	ssyncset.done $0x0  }
0x58: {  	[sflag:s30] =	ssyncadd.s32 $0xFFFFFF80  }
0x59: {  	_ =	swait.ge [sflag:s30], $0x80  }
0x5a: {  	[sflag:s30] =	ssyncset.done $0x0  }
0x5b: {  	[sflag:s30] =	ssyncadd.s32 $0xFFFFFF80  }
0x5c: {  	[tilespmem:s3], [sflag:$0x1] =	stream.indirect.gather [hbm4b:s4+s23], $0x80, s21, s23, $0xb8;
	[tilespmem:$0x1C200] =	vst v63  }
0x5d: {  	_ =	swait.ge [sflag:s31], $0x4000  }
0x5e: {  	[sflag:s31] =	ssyncset.done $0x0  }
0x5f: {  	[sflag:s31] =	ssyncadd.s32 $0xFFFFC000  }
0x60: {  	[spmem:s1] =	stream.indirect.scatter.add.f32 [tilespmem:s26], [sflag:$0x4], $0x80, s25, s23, $0xb8;
	[tilespmem:$0x1C200] =	vst v63  }
0x61: {  	s9 =	sadd.s32 $0x0, s16  }
0x62: {  	[tilespmem:s24], [sflag:$0x6] =	stream.linear.gather [hbm4b:s9+s3], $0x80, $0x38;
	[tilespmem:$0x1C200] =	vst v63  }
0x63: {  	_ =	swait.ge [sflag:s0], $0x4000  }
0x64: {  	[sflag:s0] =	ssyncset.done $0x0  }
0x65: {  	s10 =	sadd.s32 $0x0, s17;
	[sflag:s0] =	ssyncadd.s32 $0xFFFFC000  }
0x66: {  	[tilespmem:s25], [sflag:$0x6] =	stream.linear.gather [hbm4b:s10+s3], $0x80, $0x38;
	[tilespmem:$0x1C200] =	vst v63  }
0x67: {  	_ =	swait.ge [sflag:s2], $0x80  }
0x68: {  	[sflag:s2] =	ssyncset.done $0x0  }
0x69: {  	[sflag:s2] =	ssyncadd.s32 $0xFFFFFF80  }
0x6a: {  	_ =	swait.ge [sflag:s2], $0x80  }
0x6b: {  	[sflag:s2] =	ssyncset.done $0x0  }
0x6c: {  	s7 =	simm.s32 $0x20;
	[sflag:s2] =	ssyncadd.s32 $0xFFFFFF80  }
.LBB2_4:
0x6d: {  	[tilespmem:s26], [sflag:$0x2] =	stream.indirect.gather [hbm4b:s4+s23], $0x80, s24, s23, $0xb8;
	[tilespmem:$0x1C200] =	vst v63  }
0x6e: {  	s8 =	smov.u32 s7  }
0x6f: {  	p0 =	sne.s32 s7, $0x4C0;
	s7 =	sadd.s32 $0x20, s7;
	_ =	swait.ge [sflag:s28], $0x4000  }
0x70: {  	[sflag:s28] =	ssyncset.done $0x0  }
0x71: {  	[sflag:s28] =	ssyncadd.s32 $0xFFFFC000  }
0x72: {  	[spmem:s1] =	stream.indirect.scatter.add.f32 [tilespmem:s3], [sflag:$0x3], $0x80, s22, s23, $0xb8;
	[tilespmem:$0x1C200] =	vst v63  }
0x73: {  	s9 =	sadd.s32 s8, s18  }
0x74: {  	[tilespmem:s21], [sflag:$0x5] =	stream.linear.gather [hbm4b:s9+s3], $0x80, $0x38;
	[tilespmem:$0x1C200] =	vst v63  }
0x75: {  	_ =	swait.ge [sflag:s29], $0x4000  }
0x76: {  	[sflag:s29] =	ssyncset.done $0x0  }
0x77: {  	s9 =	sadd.s32 s8, s19;
	[sflag:s29] =	ssyncadd.s32 $0xFFFFC000  }
0x78: {  	[tilespmem:s22], [sflag:$0x5] =	stream.linear.gather [hbm4b:s9+s3], $0x80, $0x38;
	[tilespmem:$0x1C200] =	vst v63  }
0x79: {  	_ =	swait.ge [sflag:s30], $0x80  }
0x7a: {  	[sflag:s30] =	ssyncset.done $0x0  }
0x7b: {  	[sflag:s30] =	ssyncadd.s32 $0xFFFFFF80  }
0x7c: {  	_ =	swait.ge [sflag:s30], $0x80  }
0x7d: {  	[sflag:s30] =	ssyncset.done $0x0  }
0x7e: {  	[sflag:s30] =	ssyncadd.s32 $0xFFFFFF80  }
0x7f: {  	[tilespmem:s3], [sflag:$0x1] =	stream.indirect.gather [hbm4b:s4+s23], $0x80, s21, s23, $0xb8;
	[tilespmem:$0x1C200] =	vst v63  }
0x80: {  	_ =	swait.ge [sflag:s31], $0x4000  }
0x81: {  	[sflag:s31] =	ssyncset.done $0x0  }
0x82: {  	[sflag:s31] =	ssyncadd.s32 $0xFFFFC000  }
0x83: {  	[spmem:s1] =	stream.indirect.scatter.add.f32 [tilespmem:s26], [sflag:$0x4], $0x80, s25, s23, $0xb8;
	[tilespmem:$0x1C200] =	vst v63  }
0x84: {  	s9 =	sadd.s32 s8, s16  }
0x85: {  	[tilespmem:s24], [sflag:$0x6] =	stream.linear.gather [hbm4b:s9+s3], $0x80, $0x38;
	[tilespmem:$0x1C200] =	vst v63  }
0x86: {  	_ =	swait.ge [sflag:s0], $0x4000  }
0x87: {  	[sflag:s0] =	ssyncset.done $0x0  }
0x88: {  	s8 =	sadd.s32 s8, s17;
	[sflag:s0] =	ssyncadd.s32 $0xFFFFC000  }
0x89: {  	[tilespmem:s25], [sflag:$0x6] =	stream.linear.gather [hbm4b:s8+s3], $0x80, $0x38;
	[tilespmem:$0x1C200] =	vst v63  }
0x8a: {  	_ =	swait.ge [sflag:s2], $0x80  }
.Ltmp1:
0x8b: {  	[sflag:s2] =	ssyncset.done $0x0;
	(pc) =	sbr.rel @p0 .LBB2_4-.Ltmp1, $4  }
0x8c: {  	[sflag:s2] =	ssyncadd.s32 $0xFFFFFF80  }
0x8d: {  	_ =	swait.ge [sflag:s2], $0x80  }
0x8e: {  	[sflag:s2] =	ssyncset.done $0x0  }
0x8f: {  	[sflag:s2] =	ssyncadd.s32 $0xFFFFFF80  }
0x90: {  	[tilespmem:s26], [sflag:$0x2] =	stream.indirect.gather [hbm4b:s4+s23], $0x80, s24, s23, $0xb8;
	[tilespmem:$0x1C200] =	vst v63  }
0x91: {  	_ =	swait.ge [sflag:s28], $0x4000  }
0x92: {  	[sflag:s28] =	ssyncset.done $0x0  }
0x93: {  	[sflag:s28] =	ssyncadd.s32 $0xFFFFC000  }
0x94: {  	[spmem:s1] =	stream.indirect.scatter.add.f32 [tilespmem:s3], [sflag:$0x7], $0x80, s22, s23, $0xb8;
	[tilespmem:$0x1C200] =	vst v63  }
0x95: {  	_ =	swait.ge [sflag:s20], $0x4000  }
0x96: {  	[sflag:s20] =	ssyncset.done $0x0  }
0x97: {  	[sflag:s20] =	ssyncadd.s32 $0xFFFFC000  }
0x98: {  	_ =	swait.ge [sflag:s31], $0x4000  }
0x99: {  	[sflag:s31] =	ssyncset.done $0x0  }
0x9a: {  	[sflag:s31] =	ssyncadd.s32 $0xFFFFC000  }
0x9b: {  	[spmem:s1] =	stream.indirect.scatter.add.f32 [tilespmem:s26], [sflag:$0x7], $0x80, s25, s23, $0xb8;
	[tilespmem:$0x1C200] =	vst v63  }
0x9c: {  	_ =	swait.ge [sflag:s20], $0x4000  }
0x9d: {  	s7 =	stileid.u32;
	[sflag:s20] =	ssyncset.done $0x0  }
0x9e: {  	s8 =	sshrl.u32 s5, $0x3;
	s6 =	sadd.s32 $0x1, s6;
	[sflag:s20] =	ssyncadd.s32 $0xFFFFC000  }
0x9f: {  	s7 =	sshll.u32 s7, $0x6;
	p0 =	sne.s32 s6, s11;
	[bflag:$0x0] =	sbarrier.arrive $0xFFFF  }
.Ltmp2:
0xa0: {  	s7 =	sor.u32 $0x1C07, s7;
	s9 =	rddreg [dreg:$0x7];
	(pc) =	sbr.rel @p0 .LBB2_1-.Ltmp2, $4  }
0xa1: {  	[hbm:s9], [sflag:s7] =	dma.local [spmem:s8], $0x2800  }
0xa2: {  	_ =	swait.ge [sflag:s20], $0x2800  }
0xa3: {  	[sflag:s20] =	ssyncset.done $0x0  }
0xa4: {  	[sflag:s20] =	ssyncadd.s32 $0xFFFFD800  }
0xa5: {  	_ =	sfence.sel $0x180000  }
0xa6: {  	[bflag:$0x0] =	sbarrier.arrive $0xFFFF  }
0xa7: {  	_ =	strace $0x9000004D  }
0xa8: {  	s0 =	stileid.u32;
	[bflag:$0x2] =	sbarrier.arrive $0xFFFF  }
0xa9: {  	p0 =	sne.s32 s0, $0x0;
	s0 =	rddreg [dreg:$0x2]  }
0xaa: {  	s0 =	sadd.s32 @!p0 $0x100000, s0  }
0xab: {  	[sflag:s0] =	ssyncadd.tile.s32 @!p0 $0x1;
	_ =	shalt  }
.Lfunc_end2:
_tile_overlayer_lowered:
.L_overlay_start_2:
0xac: {  	(tag) =	ssettag $0x2  }
0xad: {  	s0 =	rddreg [dreg:$0x0];
	s2 =	stileid.u32  }
0xae: {  	s1 =	rddreg [dreg:$0x1];
	p0 =	sne.s32 s2, $0x0  }
0xaf: {  	s3 =	rddreg [dreg:$0x2];
	[bflag:$0x3] =	sbarrier.arrive $0xFFFF;
	s2 =	simm.s32 @!p0 $0x1C07  }
0xb0: {  	[timem:s3], [sflag:s2] =	dma.local @!p0 [hbm:s0], s1  }
0xb1: {  	s0 =	simm.s32 @!p0 $0x7  }
0xb2: {  	_ =	swait.ge @!p0 [sflag:s0], s1  }
0xb3: {  	s1 =	ssub.s32 @!p0 $0x0, s1;
	[sflag:s0] =	ssyncset.done @!p0 $0x0  }
0xb4: {  	[sflag:s0] =	ssyncadd.s32 @!p0 s1  }
0xb5: {  	[bflag:$0x3] =	sbarrier.arrive $0xFFFF  }
0xb6: {  	_ =	shalt  }

// kernel: kernel.21.cloned.1.call-start
scs
__scs_entry_jumppad:
0x0: {  	(pc) =	sbr.rel $0x88, $3  }
0x1: {  	(tag) =	ssettag $0x0;
	lr =	simm.s32 $0x1  }
0x2: {  	[smem:$0x3F94] =	sst lr;
	_ =	strace $0xD0000000  }
0x3: {  	_ = 	snop  }
0x4: {  	_ = 	snop  }
0x5: {  	_ = 	snop  }
0x6: {  	_ = 	snop  }
0x7: {  	_ = 	snop  }
__scs_overlays_trampoline_lowered:
0x8: {  	[smem:$0x3FA3] =	sst s0  }
0x9: {  	[smem:$0x3FA4] =	sst s1  }
0xa: {  	[smem:$0x3FA5] =	sst s2  }
0xb: {  	[smem:$0x3FA6] =	sst s3  }
0xc: {  	[smem:$0x3FA7] =	sst s4  }
0xd: {  	[smem:$0x3FA8] =	sst s5  }
0xe: {  	[smem:$0x3FA9] =	sst s6  }
0xf: {  	[smem:$0x3FAA] =	sst s7  }
0x10: {  	[smem:$0x3FAB] =	sst s8  }
0x11: {  	[smem:$0x3FAC] =	sst s9;
	s0 =	simm.s32 @!p0 $0x0  }
0x12: {  	s1 =	sld [smem:$0x3F92];
	s0 =	simm.s32 @p0 $0x1  }
0x13: {  	[smem:$0x3FAD] =	sst s0;
	s0 =	simm.s32 @!p1 $0x0  }
0x14: {  	s2 =	sld [smem:$0x3F91];
	s0 =	simm.s32 @p1 $0x1  }
0x15: {  	[smem:$0x3FAE] =	sst s0;
	s0 =	simm.s32 @!p2 $0x0  }
0x16: {  	s3 =	sld [smem:$0x3FDB];
	s0 =	simm.s32 @p2 $0x1  }
0x17: {  	s4 =	simm.s32 $0x1BF5;
	[smem:$0x3FB0] =	sst s0  }
0x18: {  	s0 =	sld [smem:$0x3F93];
	_ =	swait.ge [sflag:s4], $0x0  }
0x19: {  	s7 =	sld [smem:$0x3F94]  }
0x1a: {  	s8 =	sadd.s32 $0xFFFFE003, lr  }
0x1b: {  	s9 =	sadd.s32 $0xFFFFFEF7, lr;
	s5 =	simm.s32 $0xFFFFFFFF;
	p2 =	slt.u32 s8, $0xFFFFF086  }
0x1c: {  	p1 =	slt.u32 s9, $0xF7A;
	s5 =	simm.s32 @!p2 $0x0  }
0x1d: {  	s5 =	simm.s32 @p1 $0x1;
	p0 =	seq.s32 s7, s2  }
0x1e: {  	s7 =	smul.u32 @!p0 $0xF7A, s2;
	p2 =	seq.s32 @!p0 s5, $0x0  }
0x1f: {  	s9 =	smul.u32 $0xF7A, s1;
	s8 =	simm.s32 @!p0 $0x1BF5;
	p2 =	por !p2, p0  }
0x20: {  	[sflag:s8] =	ssyncset.s32 @!p0 $0xFFFFF086;
	s6 =	sadd.s32 @!p0 s3, s7;
	s7 =	simm.s32 @!p0 $0x108  }
0x21: {  	s3 =	sadd.s32 s3, s9;
	s6 =	sadd.s32 @!p0 $0x88, s6;
	s7 =	simm.s32 @p2 $0x1082  }
0x22: {  	[simem:s7], [sflag:s8] =	dma.local @!p0 [hbm:s6], $0xF7A  }
0x23: {  	s9 =	sor.u32 $0xD0000000, s2;
	s6 =	simm.s32 $0x108;
	_ =	swait.ge @!p0 [sflag:s8], $0x0  }
0x24: {  	s3 =	sadd.s32 $0x88, s3;
	s6 =	simm.s32 @!p1 $0x1082;
	[sflag:s4] =	ssyncset.s32 $0xFFFFF086  }
0x25: {  	[simem:s6], [sflag:s4] =	dma.local [hbm:s3], $0xF7A  }
0x26: {  	[smem:$0x3F94] =	sst s1;
	(tag) =	ssettag s2;
	_ =	strace s9  }
0x27: {  	s1 =	sld [smem:$0x3FA4]  }
0x28: {  	s2 =	sld [smem:$0x3FA5]  }
0x29: {  	s4 =	sld [smem:$0x3FA7]  }
0x2a: {  	p0 =	seq.s32 s5, $0x0;
	s5 =	sld [smem:$0x3FA8]  }
0x2b: {  	s6 =	sld [smem:$0x3FA9]  }
0x2c: {  	s7 =	sld [smem:$0x3FAA]  }
0x2d: {  	s3 =	simm.s32 $0x108;
	s8 =	sld [smem:$0x3FAB]  }
0x2e: {  	s3 =	simm.s32 @!p0 $0x1082;
	s9 =	sld [smem:$0x3FAC]  }
0x2f: {  	lr =	sadd.s32 s0, s3;
	s0 =	sld [smem:$0x3FA3]  }
0x30: {  	s3 =	sld [smem:$0x3FA6]  }
0x31: {  	[smem:$0x3FAF] =	sst s10  }
0x32: {  	s10 =	sld [smem:$0x3FAD];
	_ =	sdelay $0x3  }
0x33: {  	p0 =	seq.s32 s10, $0x1;
	s10 =	sld [smem:$0x3FAF];
	_ =	sdelay $0x3  }
0x34: {  	[smem:$0x3FAF] =	sst s10  }
0x35: {  	s10 =	sld [smem:$0x3FAE];
	_ =	sdelay $0x3  }
0x36: {  	p1 =	seq.s32 s10, $0x1;
	s10 =	sld [smem:$0x3FAF];
	_ =	sdelay $0x3  }
0x37: {  	[smem:$0x3FAF] =	sst s10  }
0x38: {  	s10 =	sld [smem:$0x3FB0]  }
0x39: {  	_ = 	snop;
	(pc) =	sbr.ind lr, $3  }
0x3a: {  	_ = 	snop  }
0x3b: {  	_ = 	snop  }
0x3c: {  	p2 =	seq.s32 s10, $0x1;
	s10 =	sld [smem:$0x3FAF]  }
0x3d: {  	_ =	shalt  }
0x3e: {  	_ =	shalt  }
0x3f: {  	_ =	shalt  }
0x40: {  	_ =	shalt  }
0x41: {  	_ =	shalt  }
0x42: {  	_ =	shalt  }
0x43: {  	_ =	shalt  }
0x44: {  	_ =	shalt  }
0x45: {  	_ =	shalt  }
0x46: {  	_ =	shalt  }
0x47: {  	_ =	shalt  }
0x48: {  	_ =	shalt  }
0x49: {  	_ =	shalt  }
0x4a: {  	_ =	shalt  }
0x4b: {  	_ =	shalt  }
0x4c: {  	_ =	shalt  }
0x4d: {  	_ =	shalt  }
0x4e: {  	_ =	shalt  }
0x4f: {  	_ =	shalt  }
0x50: {  	_ =	shalt  }
0x51: {  	_ =	shalt  }
0x52: {  	_ =	shalt  }
0x53: {  	_ =	shalt  }
0x54: {  	_ =	shalt  }
0x55: {  	_ =	shalt  }
0x56: {  	_ =	shalt  }
0x57: {  	_ =	shalt  }
0x58: {  	_ =	shalt  }
0x59: {  	_ =	shalt  }
0x5a: {  	_ =	shalt  }
0x5b: {  	_ =	shalt  }
0x5c: {  	_ =	shalt  }
0x5d: {  	_ =	shalt  }
0x5e: {  	_ =	shalt  }
0x5f: {  	_ =	shalt  }
0x60: {  	_ =	shalt  }
0x61: {  	_ =	shalt  }
0x62: {  	_ =	shalt  }
0x63: {  	_ =	shalt  }
0x64: {  	_ =	shalt  }
0x65: {  	_ =	shalt  }
0x66: {  	_ =	shalt  }
0x67: {  	_ =	shalt  }
0x68: {  	_ =	shalt  }
0x69: {  	_ =	shalt  }
0x6a: {  	_ =	shalt  }
0x6b: {  	_ =	shalt  }
0x6c: {  	_ =	shalt  }
0x6d: {  	_ =	shalt  }
0x6e: {  	_ =	shalt  }
0x6f: {  	_ =	shalt  }
0x70: {  	_ =	shalt  }
0x71: {  	_ =	shalt  }
0x72: {  	_ =	shalt  }
0x73: {  	_ =	shalt  }
0x74: {  	_ =	shalt  }
0x75: {  	_ =	shalt  }
0x76: {  	_ =	shalt  }
0x77: {  	_ =	shalt  }
0x78: {  	_ =	shalt  }
0x79: {  	_ =	shalt  }
0x7a: {  	_ =	shalt  }
0x7b: {  	_ =	shalt  }
0x7c: {  	_ =	shalt  }
0x7d: {  	_ =	shalt  }
0x7e: {  	_ =	shalt  }
0x7f: {  	_ =	shalt  }
0x80: {  	_ =	shalt  }
0x81: {  	_ =	shalt  }
0x82: {  	_ =	shalt  }
0x83: {  	_ =	shalt  }
0x84: {  	_ =	shalt  }
0x85: {  	_ =	shalt  }
0x86: {  	_ =	shalt  }
0x87: {  	_ =	shalt  }
.Lfunc_end0:
.L_simem_size_0:
called_computation.3_lowered:
.L_overlay_start_0:
0x88: {  	s2 =	sld [smem:$0x3FD9]  }
0x89: {  	s3 =	sld [smem:$0x3FFE];
	_ =	sdelay $0x1  }
0x8a: {  	s1 =	srdreg.scid  }
0x8b: {  	s0 =	sand.u32 $0x1, s1  }
0x8c: {  	s16 =	sshll.u32 s0, $0xA;
	s2 =	sadd.s32 s3, s2  }
0x8d: {  	s2 =	sadd.s32 s2, s16  }
0x8e: {  	[smem:$0x3FBB] =	sst s2  }
0x8f: {  	_ = 	snop  }
0x90: {  	(tm) =	ssettm $0x1  }
0x91: {  	s17 =	sld [smem:$0x3FFB];
	_ =	sdelay $0x3  }
0x92: {  	_ =	strace s17  }
0x93: {  	s2 =	sld [smem:$0x3FFC];
	_ =	sdelay $0x3  }
0x94: {  	_ =	strace s2  }
0x95: {  	s2 =	sld [smem:$0x3FFD];
	_ =	sdelay $0x3  }
0x96: {  	_ =	strace s2  }
0x97: {  	_ =	strace $0x8FFFFFFF  }
0x98: {  	s18 =	sld [smem:$0x3FDB];
	_ =	sdelay $0x1  }
0x99: {  	s19 =	simm.s32 $_scs_section_size  }
0x9a: {  	s4 =	simm.s32 $_size__tile_overlayer_lowered;
	s5 =	simm.s32 $_tile_overlayer_lowered  }
0x9b: {  	s22 =	simm.s32 $0x1BFF;
	s21 =	sshll.u32 s5, $0x1;
	s2 =	sadd.s32 s19, s18  }
0x9c: {  	s6 =	simm.s32 $0x0;
	s20 =	sshll.u32 s4, $0x1;
	s4 =	sadd.s32 s21, s2  }
0x9d: {  	[timem:s6], [sflag:s22] =	dma.local [hbm:s4], s20  }
0x9e: {  	_ =	swait.ge [sflag:s22], s20  }
0x9f: {  	s3 =	ssub.s32 $0x0, s20;
	[sflag:s22] =	ssyncset.done $0x0  }
0xa0: {  	[sflag:s22] =	ssyncadd.s32 s3;
	_ =	sdelay $0x1  }
0xa1: {  	s23 =	simm.s32 $0x1B8B  }
0xa2: {  	_ =	swait.ge [sflag:s23], $0x1  }
0xa3: {  	[sflag:s23] =	ssyncset.done $0x0  }
0xa4: {  	s25 =	simm.s32 $0x1B8E;
	s24 =	sld [smem:$0x3FFE];
	[sflag:s23] =	ssyncadd.s32 $0xFFFFFFFF  }
0xa5: {  	s26 =	simm.s32 $execute0_lowered;
	[smem:$0x3FD2] =	sst s25  }
0xa6: {  	s4 =	sshll.u32 s26, $0x1;
	_ =	strace $0x8000004F;
	[dreg:$0x1] =	wrdreg $0xFFFFFFFF  }
0xa7: {  	s28 =	simm.s32 $_size_execute0_lowered;
	s2 =	sadd.s32 s2, s4;
	[dreg:$0x0] =	wrdreg $0x0  }
0xa8: {  	s4 =	sshll.u32 s28, $0x1;
	[dreg:$0x2] =	wrdreg s2  }
0xa9: {  	[dreg:$0x3] =	wrdreg s4  }
0xaa: {  	[dreg:$0x4] =	wrdreg $0xC0  }
0xab: {  	_ =	task [dreg:s6], $0x5FFFF  }
0xac: {  	[dreg:$0x1] =	wrdreg $0xFFFFFFFF  }
0xad: {  	[dreg:$0x0] =	wrdreg $0x60  }
0xae: {  	[dreg:$0x2] =	wrdreg s24  }
0xaf: {  	[dreg:$0x3] =	wrdreg $0x82000  }
0xb0: {  	[dreg:$0x4] =	wrdreg $0x9  }
0xb1: {  	_ =	task.clear_ibuf [dreg:s6], $0x5FFFF;
	_ =	strace $0x9000004F  }
0xb2: {  	s29 =	simm.s32 $0x9;
	_ =	strace $0x80000051  }
0xb3: {  	_ =	swait.ge [sflag:s29], $0x1  }
0xb4: {  	[sflag:s29] =	ssyncadd.s32 $0xFFFFFFFF  }
0xb5: {  	_ =	strace $0x90000051  }
0xb6: {  	_ =	sfence  }
0xb7: {  	s30 =	sld [smem:$0x0];
	_ =	sdelay $0x2  }
0xb8: {  	s31 =	sshll.u32 s1, $0xD;
	s1 =	sshrl.u32 s1, $0x2  }
0xb9: {  	s3 =	sand.u32 $0x4000, s31;
	s1 =	sadd.s32 s1, s30  }
0xba: {  	s0 =	sor.u32 s3, s0;
	s1 =	sshll.u32 s1, $0x11  }
0xbb: {  	s0 =	sor.u32 s1, s0  }
0xbc: {  	s0 =	sadd.s32 $0x8F2B, s0  }
0xbd: {  	[sflag:s0] =	ssyncadd.remote.s32 $0x1  }
0xbe: {  	_ =	sfence.sel $0xFFFF  }
0xbf: {  	[dreg:$0x0] =	wrdreg $0xFFFFFFFF;
	(pc) =	sbr.abs _section_cstart, $3  }
0xc0: {  	[dreg:$0x1] =	wrdreg $0xFFFFFFFF  }
0xc1: {  	_ =	task.clear_ibuf [dreg:s6], $0x2FFFF;
	_ =	strace $0x9FFFFFFF  }
0xc2: {  	(tm) =	ssettm $0x7FFFFFFF  }
0xc3: {  	_ =	shalt  }
tec
execute0_lowered:
.L_overlay_start_1:
0x0: {  	(tag) =	ssettag $0x1  }
0x1: {  	s0 =	rddreg [dreg:$0x0]  }
0x2: {  	s1 =	rddreg [dreg:$0x1];
	s3 =	simm.s32 $0x0  }
0x3: {  	s2 =	srdreg.scid;
	s12 =	stileid.u32;
	s28 =	simm.s32 $0x1  }
0x4: {  	s29 =	simm.s32 $0x3;
	s30 =	simm.s32 $0x5;
	s6 =	smul.u32 $0x14000, s12  }
0x5: {  	s31 =	simm.s32 $0x2;
	[smem:$0x7FF] =	sst s3;
	s9 =	smul.u32 $0x50000, s12  }
0x6: {  	s2 =	sand.u32 $0x1, s2;
	s4 =	sadd.s32 $0x18A00, s0;
	s23 =	smul.u32 $0x50, s12  }
0x7: {  	s7 =	sadd.s32 $0xEA00, s0;
	s8 =	sadd.s32 $0x4A00, s0;
	s5 =	smul.u32 $0x140000, s2  }
0x8: {  	_ =	strace $0x80000050;
	s19 =	sshll.u32 s2, $0x4;
	s10 =	ssub.s32 $0x2, s2  }
0x9: {  	s2 =	smul.u32 $0x500, s2;
	s11 =	sshrl.u32 s10, $0x1;
	s9 =	sshrl.u32 s9, $0x2  }
0xa: {  	s5 =	sadd.s32 s6, s5;
	s6 =	sor.u32 s12, s19;
	s11 =	ssub.s32 s10, s11  }
0xb: {  	s24 =	sadd.s32 s23, s2;
	s23 =	simm.s32 $0x80;
	s6 =	smul.u32 $0x500, s6  }
0xc: {  	s2 =	simm.s32 $0x6;
	s5 =	sshrl.u32 s5, $0x3;
	s11 =	smax.u32 s11, $0x1  }
0xd: {  	s0 =	sadd.s32 s5, s0;
	s5 =	sadd.s32 s9, s1;
	s20 =	sadd.s32 s7, s6  }
0xe: {  	s21 =	sor.u32 $0x10, s6;
	s6 =	sadd.s32 s8, s6;
	s0 =	sadd.s32 $0x40A00, s0  }
0xf: {  	s12 =	sadd.s32 $0x4000, s5;
	s13 =	sadd.s32 $0x8000, s5;
	[dreg:$0x3] =	wrdreg s20  }
0x10: {  	s14 =	sadd.s32 $0xC000, s5;
	s15 =	sadd.s32 $0x10000, s5;
	[dreg:$0x4] =	wrdreg s6  }
0x11: {  	s22 =	sadd.s32 s7, s21;
	s9 =	sadd.s32 s8, s21;
	[dreg:$0x7] =	wrdreg s0  }
0x12: {  	s0 =	sshll.u32 s24, $0x4;
	s20 =	simm.s32 $0x7;
	s21 =	simm.s32 $0x8000  }
0x13: {  	s24 =	simm.s32 $0x8080;
	s6 =	simm.s32 $0x0;
	[dreg:$0x5] =	wrdreg s22  }
0x14: {  	[dreg:$0x6] =	wrdreg s9;
	s25 =	sadd.s32 s0, s7;
	s26 =	sadd.s32 s0, s8  }
0x15: {  	s0 =	sor.u32 $0x20, s0;
	s22 =	simm.s32 $0x8100;
	s16 =	sadd.s32 $0x30, s25  }
0x16: {  	s17 =	sadd.s32 $0x30, s26;
	s18 =	sadd.s32 s0, s7;
	s19 =	sadd.s32 s0, s8  }
0x17: {  	v0 =	vimm.f32 $0.0e+00;
	s25 =	simm.s32 $0x8180;
	s26 =	simm.s32 $0x4000;
	s0 =	simm.s32 $0x4  }
.LBB2_1:
0x18: {  	s7 =	sand.u32 $0xFE00, s3  }
0x19: {  	s8 =	sand.u32 $0x70, s3;
	s9 =	sshrl.u32 s7, $0x2  }
0x1a: {  	s7 =	simm.s32 $0x40;
	s9 =	sor.u32 s8, s9;
	s8 =	simm.s32 $0x0  }
.LBB2_2:
0x1b: {  	p0 =	sne.s32 s7, $0xFFC0  }
0x1c: {  	[tilespmem:s9+$0x0] =	vst v0;
	s8 =	sadd.s32 $0x10, s8;
	s9 =	smov.u32 s7;
	s7 =	sadd.s32 $0x40, s7  }
.Ltmp0:
0x1d: {  	(pc) =	sbr.rel @p0 .LBB2_2-.Ltmp0, $4  }
0x1e: {  	_ = 	snop  }
0x1f: {  	s9 =	sand.u32 $0xFE00, s9  }
0x20: {  	s10 =	sand.u32 $0x70, s8;
	s9 =	sshrl.u32 s9, $0x2  }
0x21: {  	s9 =	sor.u32 s10, s9  }
0x22: {  	[tilespmem:s9+$0x0] =	vst v0;
	s7 =	simm.s32 $0x0  }
0x23: {  	[spmem:s5] =	stream.linear.scatter [tilespmem:s7], [sflag:$0x7], $0x4000, $0x38;
	[tilespmem:$0x1C200] =	vst v63  }
0x24: {  	_ =	swait.ge [sflag:s20], $0x4000  }
0x25: {  	[sflag:s20] =	ssyncset.done $0x0  }
0x26: {  	[sflag:s20] =	ssyncadd.s32 $0xFFFFC000  }
0x27: {  	[spmem:s12] =	stream.linear.scatter [tilespmem:s7], [sflag:$0x7], $0x4000, $0x38;
	[tilespmem:$0x1C200] =	vst v63  }
0x28: {  	_ =	swait.ge [sflag:s20], $0x4000  }
0x29: {  	[sflag:s20] =	ssyncset.done $0x0  }
0x2a: {  	[sflag:s20] =	ssyncadd.s32 $0xFFFFC000  }
0x2b: {  	[spmem:s13] =	stream.linear.scatter [tilespmem:s7], [sflag:$0x7], $0x4000, $0x38;
	[tilespmem:$0x1C200] =	vst v63  }
0x2c: {  	_ =	swait.ge [sflag:s20], $0x4000  }
0x2d: {  	[sflag:s20] =	ssyncset.done $0x0  }
0x2e: {  	[sflag:s20] =	ssyncadd.s32 $0xFFFFC000  }
0x2f: {  	[spmem:s14] =	stream.linear.scatter [tilespmem:s7], [sflag:$0x7], $0x4000, $0x38;
	[tilespmem:$0x1C200] =	vst v63  }
0x30: {  	_ =	swait.ge [sflag:s20], $0x4000  }
0x31: {  	[sflag:s20] =	ssyncset.done $0x0  }
0x32: {  	[sflag:s20] =	ssyncadd.s32 $0xFFFFC000  }
0x33: {  	[spmem:s15] =	stream.linear.scatter [tilespmem:s7], [sflag:$0x7], $0x4000, $0x38;
	[tilespmem:$0x1C200] =	vst v63  }
0x34: {  	_ =	swait.ge [sflag:s20], $0x4000  }
0x35: {  	[sflag:s20] =	ssyncset.done $0x0  }
0x36: {  	[sflag:s20] =	ssyncadd.s32 $0xFFFFC000  }
0x37: {  	[bflag:$0x0] =	sbarrier.arrive $0xFFFF  }
0x38: {  	s8 =	rddreg [dreg:$0x3]  }
0x39: {  	[tilespmem:s21], [sflag:$0x7] =	stream.linear.gather [hbm4b:s8+s7], $0x80, $0x38;
	[tilespmem:$0x1C200] =	vst v63  }
0x3a: {  	_ =	swait.ge [sflag:s20], $0x80  }
0x3b: {  	[sflag:s20] =	ssyncset.done $0x0  }
0x3c: {  	s9 =	rddreg [dreg:$0x4];
	[sflag:s20] =	ssyncadd.s32 $0xFFFFFF80  }
0x3d: {  	[tilespmem:s22], [sflag:$0x7] =	stream.linear.gather [hbm4b:s9+s7], $0x80, $0x38;
	[tilespmem:$0x1C200] =	vst v63  }
0x3e: {  	_ =	swait.ge [sflag:s20], $0x80  }
0x3f: {  	[sflag:s20] =	ssyncset.done $0x0  }
0x40: {  	[sflag:s20] =	ssyncadd.s32 $0xFFFFFF80  }
0x41: {  	[tilespmem:s7], [sflag:$0x1] =	stream.indirect.gather [hbm4b:s4+s23], $0x80, s21, s23, $0xb8;
	[tilespmem:$0x1C200] =	vst v63  }
0x42: {  	s10 =	rddreg [dreg:$0x5]  }
0x43: {  	[tilespmem:s24], [sflag:$0x7] =	stream.linear.gather [hbm4b:s10+s7], $0x80, $0x38;
	[tilespmem:$0x1C200] =	vst v63  }
0x44: {  	_ =	swait.ge [sflag:s20], $0x80  }
0x45: {  	[sflag:s20] =	ssyncset.done $0x0  }
0x46: {  	s9 =	rddreg [dreg:$0x6];
	[sflag:s20] =	ssyncadd.s32 $0xFFFFFF80  }
0x47: {  	[tilespmem:s25], [sflag:$0x7] =	stream.linear.gather [hbm4b:s9+s7], $0x80, $0x38;
	[tilespmem:$0x1C200] =	vst v63  }
0x48: {  	_ =	swait.ge [sflag:s20], $0x80  }
0x49: {  	[sflag:s20] =	ssyncset.done $0x0  }
0x4a: {  	[sflag:s20] =	ssyncadd.s32 $0xFFFFFF80  }
0x4b: {  	[tilespmem:s26], [sflag:$0x2] =	stream.indirect.gather [hbm4b:s4+s23], $0x80, s24, s23, $0xb8;
	[tilespmem:$0x1C200] =	vst v63  }
0x4c: {  	_ =	swait.ge [sflag:s28], $0x4000  }
0x4d: {  	[sflag:s28] =	ssyncset.done $0x0  }
0x4e: {  	[sflag:s28] =	ssyncadd.s32 $0xFFFFC000  }
0x4f: {  	[spmem:s1] =	stream.indirect.scatter.add.f32 [tilespmem:s3], [sflag:$0x3], $0x80, s22, s23, $0xb8;
	[tilespmem:$0x1C200] =	vst v63  }
0x50: {  	s10 =	sadd.s32 $0x0, s18  }
0x51: {  	[tilespmem:s21], [sflag:$0x5] =	stream.linear.gather [hbm4b:s10+s3], $0x80, $0x38;
	[tilespmem:$0x1C200] =	vst v63  }
0x52: {  	_ =	swait.ge [sflag:s29], $0x4000  }
0x53: {  	[sflag:s29] =	ssyncset.done $0x0  }
0x54: {  	s8 =	sadd.s32 $0x0, s19;
	[sflag:s29] =	ssyncadd.s32 $0xFFFFC000  }
0x55: {  	[tilespmem:s22], [sflag:$0x5] =	stream.linear.gather [hbm4b:s8+s3], $0x80, $0x38;
	[tilespmem:$0x1C200] =	vst v63  }
0x56: {  	_ =	swait.ge [sflag:s30], $0x80  }
0x57: {  	[sflag:s30] =	ssyncset.done $0x0  }
0x58: {  	[sflag:s30] =	ssyncadd.s32 $0xFFFFFF80  }
0x59: {  	_ =	swait.ge [sflag:s30], $0x80  }
0x5a: {  	[sflag:s30] =	ssyncset.done $0x0  }
0x5b: {  	[sflag:s30] =	ssyncadd.s32 $0xFFFFFF80  }
0x5c: {  	[tilespmem:s3], [sflag:$0x1] =	stream.indirect.gather [hbm4b:s4+s23], $0x80, s21, s23, $0xb8;
	[tilespmem:$0x1C200] =	vst v63  }
0x5d: {  	_ =	swait.ge [sflag:s31], $0x4000  }
0x5e: {  	[sflag:s31] =	ssyncset.done $0x0  }
0x5f: {  	[sflag:s31] =	ssyncadd.s32 $0xFFFFC000  }
0x60: {  	[spmem:s1] =	stream.indirect.scatter.add.f32 [tilespmem:s26], [sflag:$0x4], $0x80, s25, s23, $0xb8;
	[tilespmem:$0x1C200] =	vst v63  }
0x61: {  	s9 =	sadd.s32 $0x0, s16  }
0x62: {  	[tilespmem:s24], [sflag:$0x6] =	stream.linear.gather [hbm4b:s9+s3], $0x80, $0x38;
	[tilespmem:$0x1C200] =	vst v63  }
0x63: {  	_ =	swait.ge [sflag:s0], $0x4000  }
0x64: {  	[sflag:s0] =	ssyncset.done $0x0  }
0x65: {  	s10 =	sadd.s32 $0x0, s17;
	[sflag:s0] =	ssyncadd.s32 $0xFFFFC000  }
0x66: {  	[tilespmem:s25], [sflag:$0x6] =	stream.linear.gather [hbm4b:s10+s3], $0x80, $0x38;
	[tilespmem:$0x1C200] =	vst v63  }
0x67: {  	_ =	swait.ge [sflag:s2], $0x80  }
0x68: {  	[sflag:s2] =	ssyncset.done $0x0  }
0x69: {  	[sflag:s2] =	ssyncadd.s32 $0xFFFFFF80  }
0x6a: {  	_ =	swait.ge [sflag:s2], $0x80  }
0x6b: {  	[sflag:s2] =	ssyncset.done $0x0  }
0x6c: {  	s7 =	simm.s32 $0x20;
	[sflag:s2] =	ssyncadd.s32 $0xFFFFFF80  }
.LBB2_4:
0x6d: {  	[tilespmem:s26], [sflag:$0x2] =	stream.indirect.gather [hbm4b:s4+s23], $0x80, s24, s23, $0xb8;
	[tilespmem:$0x1C200] =	vst v63  }
0x6e: {  	s8 =	smov.u32 s7  }
0x6f: {  	p0 =	sne.s32 s7, $0x4C0;
	s7 =	sadd.s32 $0x20, s7;
	_ =	swait.ge [sflag:s28], $0x4000  }
0x70: {  	[sflag:s28] =	ssyncset.done $0x0  }
0x71: {  	[sflag:s28] =	ssyncadd.s32 $0xFFFFC000  }
0x72: {  	[spmem:s1] =	stream.indirect.scatter.add.f32 [tilespmem:s3], [sflag:$0x3], $0x80, s22, s23, $0xb8;
	[tilespmem:$0x1C200] =	vst v63  }
0x73: {  	s9 =	sadd.s32 s8, s18  }
0x74: {  	[tilespmem:s21], [sflag:$0x5] =	stream.linear.gather [hbm4b:s9+s3], $0x80, $0x38;
	[tilespmem:$0x1C200] =	vst v63  }
0x75: {  	_ =	swait.ge [sflag:s29], $0x4000  }
0x76: {  	[sflag:s29] =	ssyncset.done $0x0  }
0x77: {  	s9 =	sadd.s32 s8, s19;
	[sflag:s29] =	ssyncadd.s32 $0xFFFFC000  }
0x78: {  	[tilespmem:s22], [sflag:$0x5] =	stream.linear.gather [hbm4b:s9+s3], $0x80, $0x38;
	[tilespmem:$0x1C200] =	vst v63  }
0x79: {  	_ =	swait.ge [sflag:s30], $0x80  }
0x7a: {  	[sflag:s30] =	ssyncset.done $0x0  }
0x7b: {  	[sflag:s30] =	ssyncadd.s32 $0xFFFFFF80  }
0x7c: {  	_ =	swait.ge [sflag:s30], $0x80  }
0x7d: {  	[sflag:s30] =	ssyncset.done $0x0  }
0x7e: {  	[sflag:s30] =	ssyncadd.s32 $0xFFFFFF80  }
0x7f: {  	[tilespmem:s3], [sflag:$0x1] =	stream.indirect.gather [hbm4b:s4+s23], $0x80, s21, s23, $0xb8;
	[tilespmem:$0x1C200] =	vst v63  }
0x80: {  	_ =	swait.ge [sflag:s31], $0x4000  }
0x81: {  	[sflag:s31] =	ssyncset.done $0x0  }
0x82: {  	[sflag:s31] =	ssyncadd.s32 $0xFFFFC000  }
0x83: {  	[spmem:s1] =	stream.indirect.scatter.add.f32 [tilespmem:s26], [sflag:$0x4], $0x80, s25, s23, $0xb8;
	[tilespmem:$0x1C200] =	vst v63  }
0x84: {  	s9 =	sadd.s32 s8, s16  }
0x85: {  	[tilespmem:s24], [sflag:$0x6] =	stream.linear.gather [hbm4b:s9+s3], $0x80, $0x38;
	[tilespmem:$0x1C200] =	vst v63  }
0x86: {  	_ =	swait.ge [sflag:s0], $0x4000  }
0x87: {  	[sflag:s0] =	ssyncset.done $0x0  }
0x88: {  	s8 =	sadd.s32 s8, s17;
	[sflag:s0] =	ssyncadd.s32 $0xFFFFC000  }
0x89: {  	[tilespmem:s25], [sflag:$0x6] =	stream.linear.gather [hbm4b:s8+s3], $0x80, $0x38;
	[tilespmem:$0x1C200] =	vst v63  }
0x8a: {  	_ =	swait.ge [sflag:s2], $0x80  }
.Ltmp1:
0x8b: {  	[sflag:s2] =	ssyncset.done $0x0;
	(pc) =	sbr.rel @p0 .LBB2_4-.Ltmp1, $4  }
0x8c: {  	[sflag:s2] =	ssyncadd.s32 $0xFFFFFF80  }
0x8d: {  	_ =	swait.ge [sflag:s2], $0x80  }
0x8e: {  	[sflag:s2] =	ssyncset.done $0x0  }
0x8f: {  	[sflag:s2] =	ssyncadd.s32 $0xFFFFFF80  }
0x90: {  	[tilespmem:s26], [sflag:$0x2] =	stream.indirect.gather [hbm4b:s4+s23], $0x80, s24, s23, $0xb8;
	[tilespmem:$0x1C200] =	vst v63  }
0x91: {  	_ =	swait.ge [sflag:s28], $0x4000  }
0x92: {  	[sflag:s28] =	ssyncset.done $0x0  }
0x93: {  	[sflag:s28] =	ssyncadd.s32 $0xFFFFC000  }
0x94: {  	[spmem:s1] =	stream.indirect.scatter.add.f32 [tilespmem:s3], [sflag:$0x7], $0x80, s22, s23, $0xb8;
	[tilespmem:$0x1C200] =	vst v63  }
0x95: {  	_ =	swait.ge [sflag:s20], $0x4000  }
0x96: {  	[sflag:s20] =	ssyncset.done $0x0  }
0x97: {  	[sflag:s20] =	ssyncadd.s32 $0xFFFFC000  }
0x98: {  	_ =	swait.ge [sflag:s31], $0x4000  }
0x99: {  	[sflag:s31] =	ssyncset.done $0x0  }
0x9a: {  	[sflag:s31] =	ssyncadd.s32 $0xFFFFC000  }
0x9b: {  	[spmem:s1] =	stream.indirect.scatter.add.f32 [tilespmem:s26], [sflag:$0x7], $0x80, s25, s23, $0xb8;
	[tilespmem:$0x1C200] =	vst v63  }
0x9c: {  	_ =	swait.ge [sflag:s20], $0x4000  }
0x9d: {  	s7 =	stileid.u32;
	[sflag:s20] =	ssyncset.done $0x0  }
0x9e: {  	s8 =	sshrl.u32 s5, $0x3;
	s6 =	sadd.s32 $0x1, s6;
	[sflag:s20] =	ssyncadd.s32 $0xFFFFC000  }
0x9f: {  	s7 =	sshll.u32 s7, $0x6;
	p0 =	sne.s32 s6, s11;
	[bflag:$0x0] =	sbarrier.arrive $0xFFFF  }
.Ltmp2:
0xa0: {  	s7 =	sor.u32 $0x1C07, s7;
	s9 =	rddreg [dreg:$0x7];
	(pc) =	sbr.rel @p0 .LBB2_1-.Ltmp2, $4  }
0xa1: {  	[hbm:s9], [sflag:s7] =	dma.local [spmem:s8], $0x2800  }
0xa2: {  	_ =	swait.ge [sflag:s20], $0x2800  }
0xa3: {  	[sflag:s20] =	ssyncset.done $0x0  }
0xa4: {  	[sflag:s20] =	ssyncadd.s32 $0xFFFFD800  }
0xa5: {  	_ =	sfence.sel $0x180000  }
0xa6: {  	[bflag:$0x0] =	sbarrier.arrive $0xFFFF  }
0xa7: {  	_ =	strace $0x90000050  }
0xa8: {  	s0 =	stileid.u32;
	[bflag:$0x2] =	sbarrier.arrive $0xFFFF  }
0xa9: {  	p0 =	sne.s32 s0, $0x0;
	s0 =	rddreg [dreg:$0x2]  }
0xaa: {  	s0 =	sadd.s32 @!p0 $0x100000, s0  }
0xab: {  	[sflag:s0] =	ssyncadd.tile.s32 @!p0 $0x1;
	_ =	shalt  }
.Lfunc_end2:
_tile_overlayer_lowered:
.L_overlay_start_2:
0xac: {  	(tag) =	ssettag $0x2  }
0xad: {  	s0 =	rddreg [dreg:$0x0];
	s2 =	stileid.u32  }
0xae: {  	s1 =	rddreg [dreg:$0x1];
	p0 =	sne.s32 s2, $0x0  }
0xaf: {  	s3 =	rddreg [dreg:$0x2];
	[bflag:$0x3] =	sbarrier.arrive $0xFFFF;
	s2 =	simm.s32 @!p0 $0x1C07  }
0xb0: {  	[timem:s3], [sflag:s2] =	dma.local @!p0 [hbm:s0], s1  }
0xb1: {  	s0 =	simm.s32 @!p0 $0x7  }
0xb2: {  	_ =	swait.ge @!p0 [sflag:s0], s1  }
0xb3: {  	s1 =	ssub.s32 @!p0 $0x0, s1;
	[sflag:s0] =	ssyncset.done @!p0 $0x0  }
0xb4: {  	[sflag:s0] =	ssyncadd.s32 @!p0 s1  }
0xb5: {  	[bflag:$0x3] =	sbarrier.arrive $0xFFFF  }
0xb6: {  	_ =	shalt  }

// kernel: kernel.24.cloned.1.call-start
scs
__scs_entry_jumppad:
0x0: {  	(pc) =	sbr.rel $0x88, $3  }
0x1: {  	(tag) =	ssettag $0x0;
	lr =	simm.s32 $0x1  }
0x2: {  	[smem:$0x3F94] =	sst lr;
	_ =	strace $0xD0000000  }
0x3: {  	_ = 	snop  }
0x4: {  	_ = 	snop  }
0x5: {  	_ = 	snop  }
0x6: {  	_ = 	snop  }
0x7: {  	_ = 	snop  }
__scs_overlays_trampoline_lowered:
0x8: {  	[smem:$0x3FA3] =	sst s0  }
0x9: {  	[smem:$0x3FA4] =	sst s1  }
0xa: {  	[smem:$0x3FA5] =	sst s2  }
0xb: {  	[smem:$0x3FA6] =	sst s3  }
0xc: {  	[smem:$0x3FA7] =	sst s4  }
0xd: {  	[smem:$0x3FA8] =	sst s5  }
0xe: {  	[smem:$0x3FA9] =	sst s6  }
0xf: {  	[smem:$0x3FAA] =	sst s7  }
0x10: {  	[smem:$0x3FAB] =	sst s8  }
0x11: {  	[smem:$0x3FAC] =	sst s9;
	s0 =	simm.s32 @!p0 $0x0  }
0x12: {  	s1 =	sld [smem:$0x3F92];
	s0 =	simm.s32 @p0 $0x1  }
0x13: {  	[smem:$0x3FAD] =	sst s0;
	s0 =	simm.s32 @!p1 $0x0  }
0x14: {  	s2 =	sld [smem:$0x3F91];
	s0 =	simm.s32 @p1 $0x1  }
0x15: {  	[smem:$0x3FAE] =	sst s0;
	s0 =	simm.s32 @!p2 $0x0  }
0x16: {  	s3 =	sld [smem:$0x3FDB];
	s0 =	simm.s32 @p2 $0x1  }
0x17: {  	s4 =	simm.s32 $0x1BF5;
	[smem:$0x3FB0] =	sst s0  }
0x18: {  	s0 =	sld [smem:$0x3F93];
	_ =	swait.ge [sflag:s4], $0x0  }
0x19: {  	s7 =	sld [smem:$0x3F94]  }
0x1a: {  	s8 =	sadd.s32 $0xFFFFE003, lr  }
0x1b: {  	s9 =	sadd.s32 $0xFFFFFEF7, lr;
	s5 =	simm.s32 $0xFFFFFFFF;
	p2 =	slt.u32 s8, $0xFFFFF086  }
0x1c: {  	p1 =	slt.u32 s9, $0xF7A;
	s5 =	simm.s32 @!p2 $0x0  }
0x1d: {  	s5 =	simm.s32 @p1 $0x1;
	p0 =	seq.s32 s7, s2  }
0x1e: {  	s7 =	smul.u32 @!p0 $0xF7A, s2;
	p2 =	seq.s32 @!p0 s5, $0x0  }
0x1f: {  	s9 =	smul.u32 $0xF7A, s1;
	s8 =	simm.s32 @!p0 $0x1BF5;
	p2 =	por !p2, p0  }
0x20: {  	[sflag:s8] =	ssyncset.s32 @!p0 $0xFFFFF086;
	s6 =	sadd.s32 @!p0 s3, s7;
	s7 =	simm.s32 @!p0 $0x108  }
0x21: {  	s3 =	sadd.s32 s3, s9;
	s6 =	sadd.s32 @!p0 $0x88, s6;
	s7 =	simm.s32 @p2 $0x1082  }
0x22: {  	[simem:s7], [sflag:s8] =	dma.local @!p0 [hbm:s6], $0xF7A  }
0x23: {  	s9 =	sor.u32 $0xD0000000, s2;
	s6 =	simm.s32 $0x108;
	_ =	swait.ge @!p0 [sflag:s8], $0x0  }
0x24: {  	s3 =	sadd.s32 $0x88, s3;
	s6 =	simm.s32 @!p1 $0x1082;
	[sflag:s4] =	ssyncset.s32 $0xFFFFF086  }
0x25: {  	[simem:s6], [sflag:s4] =	dma.local [hbm:s3], $0xF7A  }
0x26: {  	[smem:$0x3F94] =	sst s1;
	(tag) =	ssettag s2;
	_ =	strace s9  }
0x27: {  	s1 =	sld [smem:$0x3FA4]  }
0x28: {  	s2 =	sld [smem:$0x3FA5]  }
0x29: {  	s4 =	sld [smem:$0x3FA7]  }
0x2a: {  	p0 =	seq.s32 s5, $0x0;
	s5 =	sld [smem:$0x3FA8]  }
0x2b: {  	s6 =	sld [smem:$0x3FA9]  }
0x2c: {  	s7 =	sld [smem:$0x3FAA]  }
0x2d: {  	s3 =	simm.s32 $0x108;
	s8 =	sld [smem:$0x3FAB]  }
0x2e: {  	s3 =	simm.s32 @!p0 $0x1082;
	s9 =	sld [smem:$0x3FAC]  }
0x2f: {  	lr =	sadd.s32 s0, s3;
	s0 =	sld [smem:$0x3FA3]  }
0x30: {  	s3 =	sld [smem:$0x3FA6]  }
0x31: {  	[smem:$0x3FAF] =	sst s10  }
0x32: {  	s10 =	sld [smem:$0x3FAD];
	_ =	sdelay $0x3  }
0x33: {  	p0 =	seq.s32 s10, $0x1;
	s10 =	sld [smem:$0x3FAF];
	_ =	sdelay $0x3  }
0x34: {  	[smem:$0x3FAF] =	sst s10  }
0x35: {  	s10 =	sld [smem:$0x3FAE];
	_ =	sdelay $0x3  }
0x36: {  	p1 =	seq.s32 s10, $0x1;
	s10 =	sld [smem:$0x3FAF];
	_ =	sdelay $0x3  }
0x37: {  	[smem:$0x3FAF] =	sst s10  }
0x38: {  	s10 =	sld [smem:$0x3FB0]  }
0x39: {  	_ = 	snop;
	(pc) =	sbr.ind lr, $3  }
0x3a: {  	_ = 	snop  }
0x3b: {  	_ = 	snop  }
0x3c: {  	p2 =	seq.s32 s10, $0x1;
	s10 =	sld [smem:$0x3FAF]  }
0x3d: {  	_ =	shalt  }
0x3e: {  	_ =	shalt  }
0x3f: {  	_ =	shalt  }
0x40: {  	_ =	shalt  }
0x41: {  	_ =	shalt  }
0x42: {  	_ =	shalt  }
0x43: {  	_ =	shalt  }
0x44: {  	_ =	shalt  }
0x45: {  	_ =	shalt  }
0x46: {  	_ =	shalt  }
0x47: {  	_ =	shalt  }
0x48: {  	_ =	shalt  }
0x49: {  	_ =	shalt  }
0x4a: {  	_ =	shalt  }
0x4b: {  	_ =	shalt  }
0x4c: {  	_ =	shalt  }
0x4d: {  	_ =	shalt  }
0x4e: {  	_ =	shalt  }
0x4f: {  	_ =	shalt  }
0x50: {  	_ =	shalt  }
0x51: {  	_ =	shalt  }
0x52: {  	_ =	shalt  }
0x53: {  	_ =	shalt  }
0x54: {  	_ =	shalt  }
0x55: {  	_ =	shalt  }
0x56: {  	_ =	shalt  }
0x57: {  	_ =	shalt  }
0x58: {  	_ =	shalt  }
0x59: {  	_ =	shalt  }
0x5a: {  	_ =	shalt  }
0x5b: {  	_ =	shalt  }
0x5c: {  	_ =	shalt  }
0x5d: {  	_ =	shalt  }
0x5e: {  	_ =	shalt  }
0x5f: {  	_ =	shalt  }
0x60: {  	_ =	shalt  }
0x61: {  	_ =	shalt  }
0x62: {  	_ =	shalt  }
0x63: {  	_ =	shalt  }
0x64: {  	_ =	shalt  }
0x65: {  	_ =	shalt  }
0x66: {  	_ =	shalt  }
0x67: {  	_ =	shalt  }
0x68: {  	_ =	shalt  }
0x69: {  	_ =	shalt  }
0x6a: {  	_ =	shalt  }
0x6b: {  	_ =	shalt  }
0x6c: {  	_ =	shalt  }
0x6d: {  	_ =	shalt  }
0x6e: {  	_ =	shalt  }
0x6f: {  	_ =	shalt  }
0x70: {  	_ =	shalt  }
0x71: {  	_ =	shalt  }
0x72: {  	_ =	shalt  }
0x73: {  	_ =	shalt  }
0x74: {  	_ =	shalt  }
0x75: {  	_ =	shalt  }
0x76: {  	_ =	shalt  }
0x77: {  	_ =	shalt  }
0x78: {  	_ =	shalt  }
0x79: {  	_ =	shalt  }
0x7a: {  	_ =	shalt  }
0x7b: {  	_ =	shalt  }
0x7c: {  	_ =	shalt  }
0x7d: {  	_ =	shalt  }
0x7e: {  	_ =	shalt  }
0x7f: {  	_ =	shalt  }
0x80: {  	_ =	shalt  }
0x81: {  	_ =	shalt  }
0x82: {  	_ =	shalt  }
0x83: {  	_ =	shalt  }
0x84: {  	_ =	shalt  }
0x85: {  	_ =	shalt  }
0x86: {  	_ =	shalt  }
0x87: {  	_ =	shalt  }
.Lfunc_end0:
.L_simem_size_0:
called_computation.4_lowered:
.L_overlay_start_0:
0x88: {  	s2 =	sld [smem:$0x3FD9]  }
0x89: {  	s3 =	sld [smem:$0x3FFE];
	_ =	sdelay $0x1  }
0x8a: {  	s1 =	srdreg.scid  }
0x8b: {  	s0 =	sand.u32 $0x1, s1  }
0x8c: {  	s16 =	sshll.u32 s0, $0xA;
	s2 =	sadd.s32 s3, s2  }
0x8d: {  	s2 =	sadd.s32 s2, s16  }
0x8e: {  	[smem:$0x3FBB] =	sst s2  }
0x8f: {  	_ = 	snop  }
0x90: {  	(tm) =	ssettm $0x1  }
0x91: {  	s17 =	sld [smem:$0x3FFB];
	_ =	sdelay $0x3  }
0x92: {  	_ =	strace s17  }
0x93: {  	s2 =	sld [smem:$0x3FFC];
	_ =	sdelay $0x3  }
0x94: {  	_ =	strace s2  }
0x95: {  	s2 =	sld [smem:$0x3FFD];
	_ =	sdelay $0x3  }
0x96: {  	_ =	strace s2  }
0x97: {  	_ =	strace $0x8FFFFFFF  }
0x98: {  	s18 =	sld [smem:$0x3FDB];
	_ =	sdelay $0x1  }
0x99: {  	s19 =	simm.s32 $_scs_section_size  }
0x9a: {  	s4 =	simm.s32 $_size__tile_overlayer_lowered;
	s5 =	simm.s32 $_tile_overlayer_lowered  }
0x9b: {  	s22 =	simm.s32 $0x1BFF;
	s21 =	sshll.u32 s5, $0x1;
	s2 =	sadd.s32 s19, s18  }
0x9c: {  	s6 =	simm.s32 $0x0;
	s20 =	sshll.u32 s4, $0x1;
	s4 =	sadd.s32 s21, s2  }
0x9d: {  	[timem:s6], [sflag:s22] =	dma.local [hbm:s4], s20  }
0x9e: {  	_ =	swait.ge [sflag:s22], s20  }
0x9f: {  	s3 =	ssub.s32 $0x0, s20;
	[sflag:s22] =	ssyncset.done $0x0  }
0xa0: {  	[sflag:s22] =	ssyncadd.s32 s3;
	_ =	sdelay $0x1  }
0xa1: {  	s23 =	simm.s32 $0x1B8B  }
0xa2: {  	_ =	swait.ge [sflag:s23], $0x1  }
0xa3: {  	[sflag:s23] =	ssyncset.done $0x0  }
0xa4: {  	s25 =	simm.s32 $0x1B8E;
	s24 =	sld [smem:$0x3FFE];
	[sflag:s23] =	ssyncadd.s32 $0xFFFFFFFF  }
0xa5: {  	s26 =	simm.s32 $execute0_lowered;
	[smem:$0x3FD2] =	sst s25  }
0xa6: {  	s4 =	sshll.u32 s26, $0x1;
	_ =	strace $0x80000052;
	[dreg:$0x1] =	wrdreg $0xFFFFFFFF  }
0xa7: {  	s28 =	simm.s32 $_size_execute0_lowered;
	s2 =	sadd.s32 s2, s4;
	[dreg:$0x0] =	wrdreg $0x0  }
0xa8: {  	s4 =	sshll.u32 s28, $0x1;
	[dreg:$0x2] =	wrdreg s2  }
0xa9: {  	[dreg:$0x3] =	wrdreg s4  }
0xaa: {  	[dreg:$0x4] =	wrdreg $0xC0  }
0xab: {  	_ =	task [dreg:s6], $0x5FFFF  }
0xac: {  	[dreg:$0x1] =	wrdreg $0xFFFFFFFF  }
0xad: {  	[dreg:$0x0] =	wrdreg $0x60  }
0xae: {  	[dreg:$0x2] =	wrdreg s24  }
0xaf: {  	[dreg:$0x3] =	wrdreg $0x9  }
0xb0: {  	_ =	task.clear_ibuf [dreg:s6], $0x4FFFF;
	_ =	strace $0x90000052  }
0xb1: {  	s29 =	simm.s32 $0x9;
	_ =	strace $0x80000054  }
0xb2: {  	_ =	swait.ge [sflag:s29], $0x1  }
0xb3: {  	[sflag:s29] =	ssyncadd.s32 $0xFFFFFFFF  }
0xb4: {  	_ =	strace $0x90000054  }
0xb5: {  	_ =	sfence  }
0xb6: {  	s30 =	sld [smem:$0x0];
	_ =	sdelay $0x2  }
0xb7: {  	s31 =	sshll.u32 s1, $0xD;
	s1 =	sshrl.u32 s1, $0x2  }
0xb8: {  	s3 =	sand.u32 $0x4000, s31;
	s1 =	sadd.s32 s1, s30  }
0xb9: {  	s0 =	sor.u32 s3, s0;
	s1 =	sshll.u32 s1, $0x11  }
0xba: {  	s0 =	sor.u32 s1, s0  }
0xbb: {  	s0 =	sadd.s32 $0x8F2B, s0  }
0xbc: {  	[sflag:s0] =	ssyncadd.remote.s32 $0x1  }
0xbd: {  	_ =	sfence.sel $0xFFFF  }
0xbe: {  	[dreg:$0x0] =	wrdreg $0xFFFFFFFF;
	(pc) =	sbr.abs _section_cstart, $3  }
0xbf: {  	[dreg:$0x1] =	wrdreg $0xFFFFFFFF  }
0xc0: {  	_ =	task.clear_ibuf [dreg:s6], $0x2FFFF;
	_ =	strace $0x9FFFFFFF  }
0xc1: {  	(tm) =	ssettm $0x7FFFFFFF  }
tec
execute0_lowered:
.L_overlay_start_1:
0x0: {  	(tag) =	ssettag $0x1  }
0x1: {  	s0 =	srdreg.scid  }
0x2: {  	s6 =	rddreg [dreg:$0x0];
	s1 =	stileid.u32  }
0x3: {  	s2 =	simm.s32 $0x0;
	s11 =	simm.s32 $0x180;
	s5 =	sand.u32 $0x1, s0  }
0x4: {  	s12 =	simm.s32 $0xA580;
	s13 =	simm.s32 $0x2180;
	s3 =	sshll.u32 s5, $0x4  }
0x5: {  	s14 =	simm.s32 $0x12980;
	s0 =	rddreg [dreg:$0x1];
	s4 =	sor.u32 s1, s3  }
0x6: {  	s15 =	simm.s32 $0x0;
	[smem:$0x7FF] =	sst s2;
	s3 =	smul.u32 $0x140, s4  }
0x7: {  	_ =	strace $0x80000053;
	s5 =	ssub.s32 $0x2, s5;
	s7 =	smul.u32 $0x1080, s4  }
0x8: {  	v0 =	vimm.f32 $-Inf;
	v1 =	vlaneseq.u32;
	s31 =	sshrl.u32 s5, $0x1;
	s4 =	sadd.s32 $0x4A00, s6;
	s8 =	sshrl.u32 s3, $0x3  }
0x9: {  	v2 =	vimm.f32 $0.0e+00;
	v10 =	vimm.f32 $1.000000000e+00;
	v3 =	vor.u32 $0x10, v1;
	s10 =	ssub.s32 s5, s31;
	s9 =	sadd.s32 s7, s6;
	s8 =	sadd.s32 s8, s6  }
0xa: {  	v4 =	vor.u32 $0x20, v1;
	v5 =	vor.u32 $0x30, v1;
	v6 =	vor.u32 $0x40, v1;
	s6 =	sadd.s32 $0x2CA00, s9;
	s7 =	sadd.s32 $0x4DA00, s9;
	s5 =	sadd.s32 $0x90A00, s8  }
0xb: {  	v7 =	vor.u32 $0x50, v1;
	v8 =	vor.u32 $0x60, v1;
	v9 =	vor.u32 $0x70, v1;
	s8 =	sadd.s32 $0x6EA00, s9;
	s9 =	smax.u32 s10, $0x1;
	s10 =	simm.s32 $0x1  }
.LBB2_1:
0xc: {  	s16 =	simm.s32 $0x0  }
.LBB2_2:
0xd: {  	p0 =	sne.s32 s16, $0x201C0  }
.Ltmp0:
0xe: {  	_ = 	snop;
	(pc) =	sbr.rel @p0 .LBB2_2-.Ltmp0, $4  }
0xf: {  	_ = 	snop  }
0x10: {  	s17 =	sshra.s32 s16, $0x2  }
0x11: {  	[tilespmem:s17+$0x2180] =	vst v0  }
0x12: {  	s16 =	sadd.s32 $0x40, s16;
	[tilespmem:s17+$0xA580] =	vst v2  }
0x13: {  	s16 =	simm.s32 $0x0  }
0x14: {  	s17 =	sand.u32 $0x3FE00, s16  }
0x15: {  	s18 =	sand.u32 $0x70, s16;
	s19 =	sshrl.u32 s17, $0x2  }
0x16: {  	s17 =	simm.s32 $0x40;
	s18 =	sor.u32 s18, s19  }
.LBB2_4:
0x17: {  	p0 =	sne.s32 s17, $0x201C0  }
0x18: {  	[tilespmem:s18+$0x12980] =	vst v2;
	s16 =	sadd.s32 $0x10, s16;
	s18 =	smov.u32 s17;
	s17 =	sadd.s32 $0x40, s17  }
.Ltmp1:
0x19: {  	(pc) =	sbr.rel @p0 .LBB2_4-.Ltmp1, $4  }
0x1a: {  	_ = 	snop  }
0x1b: {  	s18 =	sand.u32 $0x3FE00, s18  }
0x1c: {  	s19 =	sand.u32 $0x70, s16;
	s18 =	sshrl.u32 s18, $0x2  }
0x1d: {  	s18 =	sor.u32 s19, s18  }
0x1e: {  	[tilespmem:s18+$0x12980] =	vst v2;
	s16 =	simm.s32 $0x0  }
0x1f: {  	[tilespmem:s16], [sflag:$0x1] =	stream.linear.gather [hbm4b:s5+s16], $0x140, $0x38;
	[tilespmem:$0x1AD80] =	vst v63  }
0x20: {  	_ =	swait.ge [sflag:s10], $0x140  }
0x21: {  	[sflag:s10] =	ssyncset.done $0x0  }
0x22: {  	s17 =	simm.s32 $0x0;
	s18 =	simm.s32 $0x0;
	[sflag:s10] =	ssyncadd.s32 $0xFFFFFEC0  }
.LBB2_6:
0x23: {  	s19 =	sshll.u32 s18, $0x6  }
0x24: {  	s19 =	sadd.s32 s3, s19  }
0x25: {  	s20 =	sadd.s32 $0x0, s17;
	s19 =	sshll.u32 s19, $0x4  }
0x26: {  	v11 =	vmov s20;
	s19 =	sadd.s32 s4, s19  }
0x27: {  	[tilespmem:s11], [sflag:$0x1] =	stream.linear.gather [hbm4b:s19+s16], $0x2000, $0x38;
	[tilespmem:$0x1AD80] =	vst v63  }
0x28: {  	_ =	swait.ge [sflag:s10], $0x2000  }
0x29: {  	[sflag:s10] =	ssyncset.done $0x0  }
0x2a: {  	[sflag:s10] =	ssyncadd.s32 $0xFFFFE000  }
0x2b: {  	v11 =	vld.idx.msk [tilespmem:v11+s2+$0x0], $0xffff;
	_ =	sdelay $0x4  }
0x2c: {  	s19 =	simm.s32 $0x1C0;
	v12 =	vshll.u32 v11, $0x7  }
0x2d: {  	v13 =	vld [tilespmem:s19+$0xFFFFFFC0];
	v11 =	vor.u32 v1, v12;
	_ =	sdelay $0x4  }
0x2e: {  	[tilespmem:v11+s12+$0x0] =	vst.idx.add.f32.msk $0xffff, v13  }
0x2f: {  	v14 =	vld.idx.msk [tilespmem:v11+s13+$0x0], $0xffff;
	_ =	sdelay $0x4  }
0x30: {  	v13 =	vmax.f32 v14, v13  }
0x31: {  	[tilespmem:v11+s13+$0x0] =	vst.idx.msk $0xffff, v13  }
0x32: {  	v14 =	vor.u32 v3, v12;
	v13 =	vld [tilespmem:s19+$0xFFFFFFD0];
	_ =	sdelay $0x4  }
0x33: {  	[tilespmem:v14+s12+$0x0] =	vst.idx.add.f32.msk $0xffff, v13  }
0x34: {  	v15 =	vld.idx.msk [tilespmem:v14+s13+$0x0], $0xffff;
	_ =	sdelay $0x4  }
0x35: {  	v13 =	vmax.f32 v15, v13  }
0x36: {  	[tilespmem:v14+s13+$0x0] =	vst.idx.msk $0xffff, v13  }
0x37: {  	v14 =	vor.u32 v4, v12;
	v13 =	vld [tilespmem:s19+$0xFFFFFFE0];
	_ =	sdelay $0x4  }
0x38: {  	[tilespmem:v14+s12+$0x0] =	vst.idx.add.f32.msk $0xffff, v13  }
0x39: {  	v15 =	vld.idx.msk [tilespmem:v14+s13+$0x0], $0xffff;
	_ =	sdelay $0x4  }
0x3a: {  	v13 =	vmax.f32 v15, v13  }
0x3b: {  	[tilespmem:v14+s13+$0x0] =	vst.idx.msk $0xffff, v13  }
0x3c: {  	v14 =	vor.u32 v5, v12;
	v13 =	vld [tilespmem:s19+$0xFFFFFFF0];
	_ =	sdelay $0x4  }
0x3d: {  	[tilespmem:v14+s12+$0x0] =	vst.idx.add.f32.msk $0xffff, v13  }
0x3e: {  	v15 =	vld.idx.msk [tilespmem:v14+s13+$0x0], $0xffff;
	_ =	sdelay $0x4  }
0x3f: {  	v13 =	vmax.f32 v15, v13  }
0x40: {  	[tilespmem:v14+s13+$0x0] =	vst.idx.msk $0xffff, v13  }
0x41: {  	v14 =	vor.u32 v6, v12;
	v13 =	vld [tilespmem:s19+$0x0];
	_ =	sdelay $0x4  }
0x42: {  	[tilespmem:v14+s12+$0x0] =	vst.idx.add.f32.msk $0xffff, v13  }
0x43: {  	v15 =	vld.idx.msk [tilespmem:v14+s13+$0x0], $0xffff;
	_ =	sdelay $0x4  }
0x44: {  	v13 =	vmax.f32 v15, v13  }
0x45: {  	[tilespmem:v14+s13+$0x0] =	vst.idx.msk $0xffff, v13  }
0x46: {  	v14 =	vor.u32 v7, v12;
	v13 =	vld [tilespmem:s19+$0x10];
	_ =	sdelay $0x4  }
0x47: {  	[tilespmem:v14+s12+$0x0] =	vst.idx.add.f32.msk $0xffff, v13  }
0x48: {  	v15 =	vld.idx.msk [tilespmem:v14+s13+$0x0], $0xffff;
	_ =	sdelay $0x4  }
0x49: {  	v13 =	vmax.f32 v15, v13  }
0x4a: {  	[tilespmem:v14+s13+$0x0] =	vst.idx.msk $0xffff, v13  }
0x4b: {  	v14 =	vor.u32 v8, v12;
	v13 =	vld [tilespmem:s19+$0x20];
	_ =	sdelay $0x4  }
0x4c: {  	[tilespmem:v14+s12+$0x0] =	vst.idx.add.f32.msk $0xffff, v13  }
0x4d: {  	v15 =	vld.idx.msk [tilespmem:v14+s13+$0x0], $0xffff;
	_ =	sdelay $0x4  }
0x4e: {  	v13 =	vmax.f32 v15, v13  }
0x4f: {  	[tilespmem:v14+s13+$0x0] =	vst.idx.msk $0xffff, v13  }
0x50: {  	v14 =	vor.u32 v9, v12;
	v13 =	vld [tilespmem:s19+$0x30];
	_ =	sdelay $0x4  }
0x51: {  	[tilespmem:v14+s12+$0x0] =	vst.idx.add.f32.msk $0xffff, v13  }
0x52: {  	v12 =	vld.idx.msk [tilespmem:v14+s13+$0x0], $0xffff;
	_ =	sdelay $0x3  }
0x53: {  	s21 =	sadd.s32 $0x1, s17  }
0x54: {  	v13 =	vmax.f32 v12, v13;
	v12 =	vmov s21;
	_ =	sdelay $0x1  }
0x55: {  	s20 =	simm.s32 $0x2;
	[tilespmem:v14+s13+$0x0] =	vst.idx.msk $0xffff, v13  }
.LBB2_7:
0x56: {  	p0 =	sne.s32 s20, $0x3F  }
0x57: {  	[tilespmem:v11+s14+$0x0] =	vst.idx.add.f32.msk $0xffff, v10;
	s19 =	sadd.s32 $0x80, s19;
	s21 =	smov.u32 s20;
	s20 =	sadd.s32 $0x1, s20  }
0x58: {  	v11 =	vld.idx.msk [tilespmem:v12+s2+$0x0], $0xffff;
	_ =	sdelay $0x5  }
0x59: {  	v12 =	vshll.u32 v11, $0x7  }
0x5a: {  	v11 =	vor.u32 v1, v12;
	v13 =	vld [tilespmem:s19+$0xFFFFFFC0];
	_ =	sdelay $0x4  }
0x5b: {  	[tilespmem:v11+s12+$0x0] =	vst.idx.add.f32.msk $0xffff, v13  }
0x5c: {  	v14 =	vld.idx.msk [tilespmem:v11+s13+$0x0], $0xffff;
	_ =	sdelay $0x5  }
0x5d: {  	v13 =	vmax.f32 v14, v13  }
0x5e: {  	[tilespmem:v11+s13+$0x0] =	vst.idx.msk $0xffff, v13  }
0x5f: {  	v14 =	vor.u32 v3, v12;
	v13 =	vld [tilespmem:s19+$0xFFFFFFD0];
	_ =	sdelay $0x4  }
0x60: {  	[tilespmem:v14+s12+$0x0] =	vst.idx.add.f32.msk $0xffff, v13  }
0x61: {  	v15 =	vld.idx.msk [tilespmem:v14+s13+$0x0], $0xffff;
	_ =	sdelay $0x5  }
0x62: {  	v13 =	vmax.f32 v15, v13  }
0x63: {  	[tilespmem:v14+s13+$0x0] =	vst.idx.msk $0xffff, v13  }
0x64: {  	v14 =	vor.u32 v4, v12;
	v13 =	vld [tilespmem:s19+$0xFFFFFFE0];
	_ =	sdelay $0x4  }
0x65: {  	[tilespmem:v14+s12+$0x0] =	vst.idx.add.f32.msk $0xffff, v13  }
0x66: {  	v15 =	vld.idx.msk [tilespmem:v14+s13+$0x0], $0xffff;
	_ =	sdelay $0x5  }
0x67: {  	v13 =	vmax.f32 v15, v13  }
0x68: {  	[tilespmem:v14+s13+$0x0] =	vst.idx.msk $0xffff, v13  }
0x69: {  	v14 =	vor.u32 v5, v12;
	v13 =	vld [tilespmem:s19+$0xFFFFFFF0];
	_ =	sdelay $0x4  }
0x6a: {  	[tilespmem:v14+s12+$0x0] =	vst.idx.add.f32.msk $0xffff, v13  }
0x6b: {  	v15 =	vld.idx.msk [tilespmem:v14+s13+$0x0], $0xffff;
	_ =	sdelay $0x5  }
0x6c: {  	v13 =	vmax.f32 v15, v13  }
0x6d: {  	[tilespmem:v14+s13+$0x0] =	vst.idx.msk $0xffff, v13  }
0x6e: {  	v14 =	vor.u32 v6, v12;
	v13 =	vld [tilespmem:s19+$0x0];
	_ =	sdelay $0x4  }
0x6f: {  	[tilespmem:v14+s12+$0x0] =	vst.idx.add.f32.msk $0xffff, v13  }
0x70: {  	v15 =	vld.idx.msk [tilespmem:v14+s13+$0x0], $0xffff;
	_ =	sdelay $0x5  }
0x71: {  	v13 =	vmax.f32 v15, v13  }
0x72: {  	[tilespmem:v14+s13+$0x0] =	vst.idx.msk $0xffff, v13  }
0x73: {  	v14 =	vor.u32 v7, v12;
	v13 =	vld [tilespmem:s19+$0x10];
	_ =	sdelay $0x4  }
0x74: {  	[tilespmem:v14+s12+$0x0] =	vst.idx.add.f32.msk $0xffff, v13  }
0x75: {  	v15 =	vld.idx.msk [tilespmem:v14+s13+$0x0], $0xffff;
	_ =	sdelay $0x5  }
0x76: {  	v13 =	vmax.f32 v15, v13  }
0x77: {  	[tilespmem:v14+s13+$0x0] =	vst.idx.msk $0xffff, v13  }
0x78: {  	v14 =	vor.u32 v8, v12;
	v13 =	vld [tilespmem:s19+$0x20];
	_ =	sdelay $0x4  }
0x79: {  	[tilespmem:v14+s12+$0x0] =	vst.idx.add.f32.msk $0xffff, v13  }
0x7a: {  	v15 =	vld.idx.msk [tilespmem:v14+s13+$0x0], $0xffff;
	_ =	sdelay $0x5  }
0x7b: {  	v13 =	vmax.f32 v15, v13  }
0x7c: {  	[tilespmem:v14+s13+$0x0] =	vst.idx.msk $0xffff, v13  }
0x7d: {  	v14 =	vor.u32 v9, v12;
	v13 =	vld [tilespmem:s19+$0x30];
	_ =	sdelay $0x4  }
0x7e: {  	[tilespmem:v14+s12+$0x0] =	vst.idx.add.f32.msk $0xffff, v13  }
0x7f: {  	v15 =	vld.idx.msk [tilespmem:v14+s13+$0x0], $0xffff;
	_ =	sdelay $0x2  }
.Ltmp2:
0x80: {  	s21 =	sadd.s32 s21, s17;
	(pc) =	sbr.rel @p0 .LBB2_7-.Ltmp2, $3  }
0x81: {  	v12 =	vmov s21;
	_ =	sdelay $0x1  }
0x82: {  	v13 =	vmax.f32 v15, v13  }
0x83: {  	[tilespmem:v14+s13+$0x0] =	vst.idx.msk $0xffff, v13  }
0x84: {  	_ =	sdelay $0x3  }
0x85: {  	[tilespmem:v11+s14+$0x0] =	vst.idx.add.f32.msk $0xffff, v10  }
0x86: {  	v11 =	vld.idx.msk [tilespmem:v12+s2+$0x0], $0xffff;
	_ =	sdelay $0x4  }
0x87: {  	s19 =	sadd.s32 $0x80, s19;
	v11 =	vshll.u32 v11, $0x7  }
0x88: {  	v52 =	vld [tilespmem:s19+$0xFFFFFFC0];
	v13 =	vor.u32 v1, v11;
	_ =	sdelay $0x4  }
0x89: {  	[tilespmem:v13+s12+$0x0] =	vst.idx.add.f32.msk $0xffff, v52  }
0x8a: {  	v14 =	vld.idx.msk [tilespmem:v13+s13+$0x0], $0xffff;
	_ =	sdelay $0x4  }
0x8b: {  	v12 =	vmax.f32 v14, v52  }
0x8c: {  	[tilespmem:v13+s13+$0x0] =	vst.idx.msk $0xffff, v12  }
0x8d: {  	v53 =	vor.u32 v3, v11;
	v12 =	vld [tilespmem:s19+$0xFFFFFFD0];
	_ =	sdelay $0x4  }
0x8e: {  	[tilespmem:v53+s12+$0x0] =	vst.idx.add.f32.msk $0xffff, v12  }
0x8f: {  	v15 =	vld.idx.msk [tilespmem:v53+s13+$0x0], $0xffff;
	_ =	sdelay $0x4  }
0x90: {  	v12 =	vmax.f32 v15, v12  }
0x91: {  	[tilespmem:v53+s13+$0x0] =	vst.idx.msk $0xffff, v12  }
0x92: {  	v54 =	vor.u32 v4, v11;
	v12 =	vld [tilespmem:s19+$0xFFFFFFE0];
	_ =	sdelay $0x4  }
0x93: {  	[tilespmem:v54+s12+$0x0] =	vst.idx.add.f32.msk $0xffff, v12  }
0x94: {  	v55 =	vld.idx.msk [tilespmem:v54+s13+$0x0], $0xffff;
	_ =	sdelay $0x4  }
0x95: {  	v12 =	vmax.f32 v55, v12  }
0x96: {  	[tilespmem:v54+s13+$0x0] =	vst.idx.msk $0xffff, v12  }
0x97: {  	v56 =	vor.u32 v5, v11;
	v12 =	vld [tilespmem:s19+$0xFFFFFFF0];
	_ =	sdelay $0x4  }
0x98: {  	[tilespmem:v56+s12+$0x0] =	vst.idx.add.f32.msk $0xffff, v12  }
0x99: {  	v57 =	vld.idx.msk [tilespmem:v56+s13+$0x0], $0xffff;
	_ =	sdelay $0x4  }
0x9a: {  	v12 =	vmax.f32 v57, v12  }
0x9b: {  	[tilespmem:v56+s13+$0x0] =	vst.idx.msk $0xffff, v12  }
0x9c: {  	v58 =	vor.u32 v6, v11;
	v12 =	vld [tilespmem:s19+$0x0];
	_ =	sdelay $0x4  }
0x9d: {  	[tilespmem:v58+s12+$0x0] =	vst.idx.add.f32.msk $0xffff, v12  }
0x9e: {  	v59 =	vld.idx.msk [tilespmem:v58+s13+$0x0], $0xffff;
	_ =	sdelay $0x4  }
0x9f: {  	v12 =	vmax.f32 v59, v12  }
0xa0: {  	[tilespmem:v58+s13+$0x0] =	vst.idx.msk $0xffff, v12  }
0xa1: {  	v60 =	vor.u32 v7, v11;
	v12 =	vld [tilespmem:s19+$0x10];
	_ =	sdelay $0x4  }
0xa2: {  	[tilespmem:v60+s12+$0x0] =	vst.idx.add.f32.msk $0xffff, v12  }
0xa3: {  	v61 =	vld.idx.msk [tilespmem:v60+s13+$0x0], $0xffff;
	_ =	sdelay $0x4  }
0xa4: {  	v12 =	vmax.f32 v61, v12  }
0xa5: {  	[tilespmem:v60+s13+$0x0] =	vst.idx.msk $0xffff, v12  }
0xa6: {  	v62 =	vor.u32 v8, v11;
	v12 =	vld [tilespmem:s19+$0x20];
	_ =	sdelay $0x4  }
0xa7: {  	[tilespmem:v62+s12+$0x0] =	vst.idx.add.f32.msk $0xffff, v12  }
0xa8: {  	v63 =	vld.idx.msk [tilespmem:v62+s13+$0x0], $0xffff;
	_ =	sdelay $0x4  }
0xa9: {  	v12 =	vmax.f32 v63, v12  }
0xaa: {  	[tilespmem:v62+s13+$0x0] =	vst.idx.msk $0xffff, v12  }
0xab: {  	v11 =	vor.u32 v9, v11;
	v12 =	vld [tilespmem:s19+$0x30];
	_ =	sdelay $0x4  }
0xac: {  	[tilespmem:v11+s12+$0x0] =	vst.idx.add.f32.msk $0xffff, v12  }
0xad: {  	v14 =	vld.idx.msk [tilespmem:v11+s13+$0x0], $0xffff  }
0xae: {  	s18 =	sadd.s32 $0x1, s18  }
0xaf: {  	p0 =	sne.s32 s18, $0x5  }
.Ltmp3:
0xb0: {  	_ = 	snop;
	(pc) =	sbr.rel @p0 .LBB2_6-.Ltmp3, $4  }
0xb1: {  	_ = 	snop  }
0xb2: {  	v12 =	vmax.f32 v14, v12  }
0xb3: {  	[tilespmem:v11+s13+$0x0] =	vst.idx.msk $0xffff, v12  }
0xb4: {  	s17 =	sadd.s32 $0x40, s17;
	[tilespmem:v13+s14+$0x0] =	vst.idx.add.f32.msk $0xffff, v10  }
0xb5: {  	[hbm4b:s6+s2] =	stream.linear.scatter [tilespmem:s13], [sflag:$0x1], $0x8080, $0x38;
	[tilespmem:$0x1AD80] =	vst v63  }
0xb6: {  	_ =	swait.ge [sflag:s10], $0x8080  }
0xb7: {  	[sflag:s10] =	ssyncset.done $0x0  }
0xb8: {  	[sflag:s10] =	ssyncadd.s32 $0xFFFF7F80  }
0xb9: {  	[hbm4b:s7+s2] =	stream.linear.scatter [tilespmem:s12], [sflag:$0x1], $0x8080, $0x38;
	[tilespmem:$0x1AD80] =	vst v63  }
0xba: {  	s15 =	sadd.s32 $0x1, s15;
	_ =	swait.ge [sflag:s10], $0x8080  }
0xbb: {  	p0 =	sne.s32 s15, s9;
	[sflag:s10] =	ssyncset.done $0x0  }
.Ltmp4:
0xbc: {  	[sflag:s10] =	ssyncadd.s32 $0xFFFF7F80;
	(pc) =	sbr.rel @p0 .LBB2_1-.Ltmp4, $4  }
0xbd: {  	[hbm4b:s8+s2] =	stream.linear.scatter [tilespmem:s14], [sflag:$0x1], $0x8080, $0x38;
	[tilespmem:$0x1AD80] =	vst v63  }
0xbe: {  	_ =	swait.ge [sflag:s10], $0x8080  }
0xbf: {  	[sflag:s10] =	ssyncset.done $0x0  }
0xc0: {  	[sflag:s10] =	ssyncadd.s32 $0xFFFF7F80  }
0xc1: {  	_ =	sfence.sel $0x180000  }
0xc2: {  	[bflag:$0x0] =	sbarrier.arrive $0xFFFF  }
0xc3: {  	p0 =	sne.s32 s1, $0x0;
	_ =	strace $0x90000053  }
0xc4: {  	s0 =	sadd.s32 @!p0 $0x100000, s0;
	[bflag:$0x2] =	sbarrier.arrive $0xFFFF  }
0xc5: {  	[sflag:s0] =	ssyncadd.tile.s32 @!p0 $0x1;
	_ =	shalt  }
.Lfunc_end2:
_tile_overlayer_lowered:
.L_overlay_start_2:
0xc6: {  	(tag) =	ssettag $0x2  }
0xc7: {  	s0 =	rddreg [dreg:$0x0];
	s2 =	stileid.u32  }
0xc8: {  	s1 =	rddreg [dreg:$0x1];
	p0 =	sne.s32 s2, $0x0  }
0xc9: {  	s3 =	rddreg [dreg:$0x2];
	[bflag:$0x3] =	sbarrier.arrive $0xFFFF;
	s2 =	simm.s32 @!p0 $0x1C01  }
0xca: {  	[timem:s3], [sflag:s2] =	dma.local @!p0 [hbm:s0], s1  }
0xcb: {  	s0 =	simm.s32 @!p0 $0x1  }
0xcc: {  	_ =	swait.ge @!p0 [sflag:s0], s1  }
0xcd: {  	s1 =	ssub.s32 @!p0 $0x0, s1;
	[sflag:s0] =	ssyncset.done @!p0 $0x0  }
0xce: {  	[sflag:s0] =	ssyncadd.s32 @!p0 s1  }
0xcf: {  	[bflag:$0x3] =	sbarrier.arrive $0xFFFF  }
0xd0: {  	_ =	shalt  }

</sc_bundles>
